<compile_context>
chip_gen: v7x
topology: tpu7x:2x2x1
jax: 0.10.2.dev20260603
libtpu: 0.0.44.dev20260713+nightly
codegen_flags: <defaults>
</compile_context>

<pallas_src>
import functools

import jax
import jax.numpy as jnp
from jax import lax
from jax.experimental import pallas as pl
from jax.experimental.pallas import tpu as pltpu
from jax.experimental.pallas import tpu_sc as plsc

_N = 96
_SUB = 64
_BAND = 8
_W = 512
_NW = 32
_PER_W = (_N * _SUB) // _NW
_B = 8
_NBUF = 3
_NCHUNK = _PER_W // _B


def _sc_body(x_hbm, perm_hbm, out_hbm, perm_v, idx_v, bufs, insems, outsems):
    w = lax.axis_index("s") * 2 + lax.axis_index("c")
    base = w * _PER_W

    pltpu.sync_copy(perm_hbm, perm_v)

    shift = _SUB.bit_length() - 1

    def compute_idx(v):
        g = lax.iota(jnp.int32, 16) + (base + v * 16)
        row = lax.shift_right_logical(g, shift)
        sub = lax.bitwise_and(g, _SUB - 1)
        pv = plsc.load_gather(perm_v, [row])
        idx_v[pl.ds(v * 16, 16)] = pv * _SUB + sub

    def start_in(c):
        s = c % _NBUF
        p0 = idx_v[pl.ds(c * _B, 16)][0]
        pltpu.async_copy(
            x_hbm.at[pl.ds(p0, _B)], bufs.at[s], insems.at[s]
        )

    def wait_in(c):
        s = c % _NBUF
        p0 = idx_v[pl.ds(c * _B, 16)][0]
        pltpu.make_async_copy(
            x_hbm.at[pl.ds(p0, _B)], bufs.at[s], insems.at[s]
        ).wait()

    def start_out(c):
        s = c % _NBUF
        pltpu.async_copy(
            bufs.at[s], out_hbm.at[pl.ds(base + c * _B, _B)], outsems.at[s]
        )

    def wait_out(c):
        s = c % _NBUF
        pltpu.make_async_copy(
            bufs.at[s], out_hbm.at[pl.ds(base + c * _B, _B)], outsems.at[s]
        ).wait()

    compute_idx(0)
    start_in(0)
    start_in(1)
    for v in range(1, _PER_W // 16):
        compute_idx(v)

    for c in range(_NCHUNK):
        wait_in(c)
        start_out(c)
        if c + 2 < _NCHUNK:
            if c >= 1:
                wait_out(c - 1)
            start_in(c + 2)
    for c in range(max(_NCHUNK - 3, 0), _NCHUNK):
        wait_out(c)


@functools.partial(jax.jit, static_argnames=())
def _sc_permute(x3, perm32):
    mesh = plsc.VectorSubcoreMesh(core_axis_name="c", subcore_axis_name="s")
    run = pl.kernel(
        _sc_body,
        out_type=jax.ShapeDtypeStruct((_N * _SUB, _BAND, _W), jnp.float32),
        mesh=mesh,
        scratch_types=[
            pltpu.VMEM((_N,), jnp.int32),
            pltpu.VMEM((_PER_W + 16,), jnp.int32),
            pltpu.VMEM((_NBUF, _B, _BAND, _W), jnp.float32),
            pltpu.SemaphoreType.DMA((_NBUF,)),
            pltpu.SemaphoreType.DMA((_NBUF,)),
        ],
        compiler_params=pltpu.CompilerParams(needs_layout_passes=False),
    )
    return run(x3, perm32)


def kernel(x, perm):
    n, h, w = x.shape
    x3 = x.reshape(_N * _SUB, _BAND, _W)
    out3 = _sc_permute(x3, perm.astype(jnp.int32))
    return out3.reshape(n, h, w)

# --- scband reference (transcript-rebuilt; emitter-appended) ---
"""Pipeline reference for scband-permutor-22479858828052 (READ-ONLY COPY).

The authoritative reference and input builder live on the scoring server;
editing this copy changes nothing except your own understanding.
"""

import jax, jax.numpy as jnp
import numpy as np

PERM = np.arange(95, -1, -1, dtype=np.int64)


def setup_inputs(seed: int = 0) -> dict:
    key = jax.random.key(seed)
    x = jax.random.normal(key, (96, 512, 512), dtype=jnp.float32)
    perm = jnp.asarray(PERM)
    return {"x": x, "perm": perm}


def reference(x, perm):
    # Faithful translation of Permutor.forward: x[self.permutation]
    # (prints omitted; they are side effects with no numerical impact)
    return jnp.take(x, perm, axis=0)

if __name__ == "__main__":
    import jax
    _d = setup_inputs()
    print(jax.jit(kernel)(*tuple(_d.values())))

</pallas_src>

<mosaic_0001>
#map = affine_map<(d0, d1) -> (0, 0, 0)>
#map1 = affine_map<(d0, d1) -> (0)>
module attributes {stable_mosaic.version = 14 : i64} {
  func.func @_sc_body(%arg0: i32, %arg1: i32, %arg2: memref<6144x8x512xf32, #tpu.memory_space<hbm>>, %arg3: memref<96xi32, #tpu.memory_space<hbm>>, %arg4: memref<6144x8x512xf32, #tpu.memory_space<hbm>>, %arg5: memref<96xi32, #tpu.memory_space<vmem>>, %arg6: memref<208xi32, #tpu.memory_space<vmem>>, %arg7: memref<3x8x8x512xf32, #tpu.memory_space<vmem>>, %arg8: memref<3x!tpu.dma_semaphore, #tpu.memory_space<semaphore_mem>>, %arg9: memref<3x!tpu.dma_semaphore, #tpu.memory_space<semaphore_mem>>) attributes {dimension_semantics = [#tpu.dimension_semantics<core_parallel>, #tpu.dimension_semantics<subcore_parallel>], iteration_bounds = array<i64: 2, 16>, scalar_prefetch = 0 : i64, scratch_operands = 5 : i64, tpu.core_type = #tpu.core_type<sc_vector_subcore>, window_params = [{transform_indices = #map}, {transform_indices = #map1}, {transform_indices = #map}]} {
    %mul3A = arith.constant 2 : i32
    %mul3A_0 = arith.muli %arg1, %mul3A : i32
    %add3A = arith.addi %mul3A_0, %arg0 : i32
    %mul3A_1 = arith.constant 192 : i32
    %mul3A_2 = arith.muli %add3A, %mul3A_1 : i32
    "tpu.region"() ({
      %run_scoped3A = tpu.sem_alloc : memref<!tpu.dma_semaphore, #tpu.memory_space<semaphore_mem>>
      tpu.enqueue_dma source(%arg3 : memref<96xi32, #tpu.memory_space<hbm>>) target(%arg5 : memref<96xi32, #tpu.memory_space<vmem>>) target_semaphore(%run_scoped3A : memref<!tpu.dma_semaphore, #tpu.memory_space<semaphore_mem>>)
      tpu.wait_dma2 semaphore(%run_scoped3A : memref<!tpu.dma_semaphore, #tpu.memory_space<semaphore_mem>>) src(%arg3 : memref<96xi32, #tpu.memory_space<hbm>>) dst(%arg5 : memref<96xi32, #tpu.memory_space<vmem>>)
      tpu.yield
    }) : () -> ()
    %iota3A = tpu.iota {dimensions = array<i32: 0>} : vector<16xi32>
    %add3A_3 = arith.constant 0 : i32
    %add3A_4 = arith.addi %mul3A_2, %add3A_3 : i32
    %add3A_5 = vector.broadcast %add3A_4 : i32 to vector<16xi32>
    %add3A_6 = arith.addi %iota3A, %add3A_5 : vector<16xi32>
    %shift_right_logical3A = arith.constant 6 : i32
    %shift_right_logical3A_7 = vector.broadcast %shift_right_logical3A : i32 to vector<16xi32>
    %shift_right_logical3A_8 = arith.shrui %add3A_6, %shift_right_logical3A_7 : vector<16xi32>
    %and3A = arith.constant 63 : i32
    %and3A_9 = vector.broadcast %and3A : i32 to vector<16xi32>
    %and3A_10 = arith.andi %add3A_6, %and3A_9 : vector<16xi32>
    %gather3A = tpu.vector_load_idx %arg5[%shift_right_logical3A_8] : memref<96xi32, #tpu.memory_space<vmem>>[vector<16xi32>], vector<16xi32>,
    %mul3A_11 = arith.constant 64 : i32
    %mul3A_12 = vector.broadcast %mul3A_11 : i32 to vector<16xi32>
    %mul3A_13 = arith.muli %gather3A, %mul3A_12 : vector<16xi32>
    %add3A_14 = arith.addi %mul3A_13, %and3A_10 : vector<16xi32>
    %swap3A = arith.constant 0 : index
    %swap3A_15 = tpu.vector_load %arg6[%swap3A] {strides = array<i32>} : memref<208xi32, #tpu.memory_space<vmem>>, vector<16xi32>,
    tpu.vector_store %arg6[%swap3A], %add3A_14 {strides = array<i32>} : memref<208xi32, #tpu.memory_space<vmem>>, vector<16xi32>,
    %get3A = arith.constant 0 : index
    %get3A_16 = tpu.vector_load %arg6[%get3A] {strides = array<i32>} : memref<208xi32, #tpu.memory_space<vmem>>, vector<16xi32>,
    %slice3A = vector.extract_strided_slice %get3A_16 {offsets = [0], sizes = [1], strides = [1]} : vector<16xi32> to vector<1xi32>
    %squeeze3A = vector.extract %slice3A[0] : i32 from vector<1xi32>
    %dma_start3A = arith.constant 0 : i32
    %dma_start3A_17 = arith.constant 0 : i32
    %dma_start3A_18 = arith.constant 0 : i32
    %dma_start3A_19 = arith.constant 0 : i32
    %dma_start3A_20 = arith.constant 0 : i32
    %dma_start3A_21 = tpu.memref_slice %arg7[%dma_start3A, %dma_start3A_18, %dma_start3A_19, %dma_start3A_20] : memref<3x8x8x512xf32, #tpu.memory_space<vmem>> -> memref<1x8x8x512xf32, #tpu.memory_space<vmem>>
    %dma_start3A_22 = tpu.memref_squeeze %dma_start3A_21 : memref<1x8x8x512xf32, #tpu.memory_space<vmem>> -> memref<8x8x512xf32, #tpu.memory_space<vmem>>
    %dma_start3A_23 = arith.constant 0 : i32
    %dma_start3A_24 = arith.constant 0 : i32
    %dma_start3A_25 = tpu.memref_slice %arg2[%squeeze3A, %dma_start3A_23, %dma_start3A_24] : memref<6144x8x512xf32, #tpu.memory_space<hbm>> -> memref<8x8x512xf32, #tpu.memory_space<hbm>>
    %dma_start3A_26 = tpu.memref_slice %arg8[%dma_start3A_17] : memref<3x!tpu.dma_semaphore, #tpu.memory_space<semaphore_mem>> -> memref<1x!tpu.dma_semaphore, #tpu.memory_space<semaphore_mem>>
    %dma_start3A_27 = tpu.memref_squeeze %dma_start3A_26 : memref<1x!tpu.dma_semaphore, #tpu.memory_space<semaphore_mem>> -> memref<!tpu.dma_semaphore, #tpu.memory_space<semaphore_mem>>
    %dma_start3A_28 = arith.constant 0 : i32
    %dma_start3A_29 = arith.constant 0 : i32
    %dma_start3A_30 = arith.constant 0 : i32
    %dma_start3A_31 = tpu.memref_slice %arg7[%dma_start3A, %dma_start3A_28, %dma_start3A_29, %dma_start3A_30] : memref<3x8x8x512xf32, #tpu.memory_space<vmem>> -> memref<1x8x8x512xf32, #tpu.memory_space<vmem>>
    %dma_start3A_32 = tpu.memref_squeeze %dma_start3A_31 : memref<1x8x8x512xf32, #tpu.memory_space<vmem>> -> memref<8x8x512xf32, #tpu.memory_space<vmem>>
    %dma_start3A_33 = arith.constant 0 : i32
    %dma_start3A_34 = arith.constant 0 : i32
    %dma_start3A_35 = tpu.memref_slice %arg2[%squeeze3A, %dma_start3A_33, %dma_start3A_34] : memref<6144x8x512xf32, #tpu.memory_space<hbm>> -> memref<8x8x512xf32, #tpu.memory_space<hbm>>
    tpu.enqueue_dma source(%dma_start3A_35 : memref<8x8x512xf32, #tpu.memory_space<hbm>>) target(%dma_start3A_32 : memref<8x8x512xf32, #tpu.memory_space<vmem>>) target_semaphore(%dma_start3A_27 : memref<!tpu.dma_semaphore, #tpu.memory_space<semaphore_mem>>)
    %get3A_36 = arith.constant 8 : index
    %get3A_37 = tpu.vector_load %arg6[%get3A_36] {strides = array<i32>} : memref<208xi32, #tpu.memory_space<vmem>>, vector<16xi32>,
    %slice3A_38 = vector.extract_strided_slice %get3A_37 {offsets = [0], sizes = [1], strides = [1]} : vector<16xi32> to vector<1xi32>
    %squeeze3A_39 = vector.extract %slice3A_38[0] : i32 from vector<1xi32>
    %dma_start3A_40 = arith.constant 1 : i32
    %dma_start3A_41 = arith.constant 1 : i32
    %dma_start3A_42 = arith.constant 0 : i32
    %dma_start3A_43 = arith.constant 0 : i32
    %dma_start3A_44 = arith.constant 0 : i32
    %dma_start3A_45 = tpu.memref_slice %arg7[%dma_start3A_40, %dma_start3A_42, %dma_start3A_43, %dma_start3A_44] : memref<3x8x8x512xf32, #tpu.memory_space<vmem>> -> memref<1x8x8x512xf32, #tpu.memory_space<vmem>>
    %dma_start3A_46 = tpu.memref_squeeze %dma_start3A_45 : memref<1x8x8x512xf32, #tpu.memory_space<vmem>> -> memref<8x8x512xf32, #tpu.memory_space<vmem>>
    %dma_start3A_47 = arith.constant 0 : i32
    %dma_start3A_48 = arith.constant 0 : i32
    %dma_start3A_49 = tpu.memref_slice %arg2[%squeeze3A_39, %dma_start3A_47, %dma_start3A_48] : memref<6144x8x512xf32, #tpu.memory_space<hbm>> -> memref<8x8x512xf32, #tpu.memory_space<hbm>>
    %dma_start3A_50 = tpu.memref_slice %arg8[%dma_start3A_41] : memref<3x!tpu.dma_semaphore, #tpu.memory_space<semaphore_mem>> -> memref<1x!tpu.dma_semaphore, #tpu.memory_space<semaphore_mem>>
    %dma_start3A_51 = tpu.memref_squeeze %dma_start3A_50 : memref<1x!tpu.dma_semaphore, #tpu.memory_space<semaphore_mem>> -> memref<!tpu.dma_semaphore, #tpu.memory_space<semaphore_mem>>
    %dma_start3A_52 = arith.constant 0 : i32
    %dma_start3A_53 = arith.constant 0 : i32
    %dma_start3A_54 = arith.constant 0 : i32
    %dma_start3A_55 = tpu.memref_slice %arg7[%dma_start3A_40, %dma_start3A_52, %dma_start3A_53, %dma_start3A_54] : memref<3x8x8x512xf32, #tpu.memory_space<vmem>> -> memref<1x8x8x512xf32, #tpu.memory_space<vmem>>
    %dma_start3A_56 = tpu.memref_squeeze %dma_start3A_55 : memref<1x8x8x512xf32, #tpu.memory_space<vmem>> -> memref<8x8x512xf32, #tpu.memory_space<vmem>>
    %dma_start3A_57 = arith.constant 0 : i32
    %dma_start3A_58 = arith.constant 0 : i32
    %dma_start3A_59 = tpu.memref_slice %arg2[%squeeze3A_39, %dma_start3A_57, %dma_start3A_58] : memref<6144x8x512xf32, #tpu.memory_space<hbm>> -> memref<8x8x512xf32, #tpu.memory_space<hbm>>
    tpu.enqueue_dma source(%dma_start3A_59 : memref<8x8x512xf32, #tpu.memory_space<hbm>>) target(%dma_start3A_56 : memref<8x8x512xf32, #tpu.memory_space<vmem>>) target_semaphore(%dma_start3A_51 : memref<!tpu.dma_semaphore, #tpu.memory_space<semaphore_mem>>)
    %iota3A_60 = tpu.iota {dimensions = array<i32: 0>} : vector<16xi32>
    %add3A_61 = arith.constant 16 : i32
    %add3A_62 = arith.addi %mul3A_2, %add3A_61 : i32
    %add3A_63 = vector.broadcast %add3A_62 : i32 to vector<16xi32>
    %add3A_64 = arith.addi %iota3A_60, %add3A_63 : vector<16xi32>
    %shift_right_logical3A_65 = arith.constant 6 : i32
    %shift_right_logical3A_66 = vector.broadcast %shift_right_logical3A_65 : i32 to vector<16xi32>
    %shift_right_logical3A_67 = arith.shrui %add3A_64, %shift_right_logical3A_66 : vector<16xi32>
    %and3A_68 = arith.constant 63 : i32
    %and3A_69 = vector.broadcast %and3A_68 : i32 to vector<16xi32>
    %and3A_70 = arith.andi %add3A_64, %and3A_69 : vector<16xi32>
    %gather3A_71 = tpu.vector_load_idx %arg5[%shift_right_logical3A_67] : memref<96xi32, #tpu.memory_space<vmem>>[vector<16xi32>], vector<16xi32>,
    %mul3A_72 = arith.constant 64 : i32
    %mul3A_73 = vector.broadcast %mul3A_72 : i32 to vector<16xi32>
    %mul3A_74 = arith.muli %gather3A_71, %mul3A_73 : vector<16xi32>
    %add3A_75 = arith.addi %mul3A_74, %and3A_70 : vector<16xi32>
    %swap3A_76 = arith.constant 16 : index
    %swap3A_77 = tpu.vector_load %arg6[%swap3A_76] {strides = array<i32>} : memref<208xi32, #tpu.memory_space<vmem>>, vector<16xi32>,
    tpu.vector_store %arg6[%swap3A_76], %add3A_75 {strides = array<i32>} : memref<208xi32, #tpu.memory_space<vmem>>, vector<16xi32>,
    %iota3A_78 = tpu.iota {dimensions = array<i32: 0>} : vector<16xi32>
    %add3A_79 = arith.constant 32 : i32
    %add3A_80 = arith.addi %mul3A_2, %add3A_79 : i32
    %add3A_81 = vector.broadcast %add3A_80 : i32 to vector<16xi32>
    %add3A_82 = arith.addi %iota3A_78, %add3A_81 : vector<16xi32>
    %shift_right_logical3A_83 = arith.constant 6 : i32
    %shift_right_logical3A_84 = vector.broadcast %shift_right_logical3A_83 : i32 to vector<16xi32>
    %shift_right_logical3A_85 = arith.shrui %add3A_82, %shift_right_logical3A_84 : vector<16xi32>
    %and3A_86 = arith.constant 63 : i32
    %and3A_87 = vector.broadcast %and3A_86 : i32 to vector<16xi32>
    %and3A_88 = arith.andi %add3A_82, %and3A_87 : vector<16xi32>
    %gather3A_89 = tpu.vector_load_idx %arg5[%shift_right_logical3A_85] : memref<96xi32, #tpu.memory_space<vmem>>[vector<16xi32>], vector<16xi32>,
    %mul3A_90 = arith.constant 64 : i32
    %mul3A_91 = vector.broadcast %mul3A_90 : i32 to vector<16xi32>
    %mul3A_92 = arith.muli %gather3A_89, %mul3A_91 : vector<16xi32>
    %add3A_93 = arith.addi %mul3A_92, %and3A_88 : vector<16xi32>
    %swap3A_94 = arith.constant 32 : index
    %swap3A_95 = tpu.vector_load %arg6[%swap3A_94] {strides = array<i32>} : memref<208xi32, #tpu.memory_space<vmem>>, vector<16xi32>,
    tpu.vector_store %arg6[%swap3A_94], %add3A_93 {strides = array<i32>} : memref<208xi32, #tpu.memory_space<vmem>>, vector<16xi32>,
    %iota3A_96 = tpu.iota {dimensions = array<i32: 0>} : vector<16xi32>
    %add3A_97 = arith.constant 48 : i32
    %add3A_98 = arith.addi %mul3A_2, %add3A_97 : i32
    %add3A_99 = vector.broadcast %add3A_98 : i32 to vector<16xi32>
    %add3A_100 = arith.addi %iota3A_96, %add3A_99 : vector<16xi32>
    %shift_right_logical3A_101 = arith.constant 6 : i32
    %shift_right_logical3A_102 = vector.broadcast %shift_right_logical3A_101 : i32 to vector<16xi32>
    %shift_right_logical3A_103 = arith.shrui %add3A_100, %shift_right_logical3A_102 : vector<16xi32>
    %and3A_104 = arith.constant 63 : i32
    %and3A_105 = vector.broadcast %and3A_104 : i32 to vector<16xi32>
    %and3A_106 = arith.andi %add3A_100, %and3A_105 : vector<16xi32>
    %gather3A_107 = tpu.vector_load_idx %arg5[%shift_right_logical3A_103] : memref<96xi32, #tpu.memory_space<vmem>>[vector<16xi32>], vector<16xi32>,
    %mul3A_108 = arith.constant 64 : i32
    %mul3A_109 = vector.broadcast %mul3A_108 : i32 to vector<16xi32>
    %mul3A_110 = arith.muli %gather3A_107, %mul3A_109 : vector<16xi32>
    %add3A_111 = arith.addi %mul3A_110, %and3A_106 : vector<16xi32>
    %swap3A_112 = arith.constant 48 : index
    %swap3A_113 = tpu.vector_load %arg6[%swap3A_112] {strides = array<i32>} : memref<208xi32, #tpu.memory_space<vmem>>, vector<16xi32>,
    tpu.vector_store %arg6[%swap3A_112], %add3A_111 {strides = array<i32>} : memref<208xi32, #tpu.memory_space<vmem>>, vector<16xi32>,
    %iota3A_114 = tpu.iota {dimensions = array<i32: 0>} : vector<16xi32>
    %add3A_115 = arith.constant 64 : i32
    %add3A_116 = arith.addi %mul3A_2, %add3A_115 : i32
    %add3A_117 = vector.broadcast %add3A_116 : i32 to vector<16xi32>
    %add3A_118 = arith.addi %iota3A_114, %add3A_117 : vector<16xi32>
    %shift_right_logical3A_119 = arith.constant 6 : i32
    %shift_right_logical3A_120 = vector.broadcast %shift_right_logical3A_119 : i32 to vector<16xi32>
    %shift_right_logical3A_121 = arith.shrui %add3A_118, %shift_right_logical3A_120 : vector<16xi32>
    %and3A_122 = arith.constant 63 : i32
    %and3A_123 = vector.broadcast %and3A_122 : i32 to vector<16xi32>
    %and3A_124 = arith.andi %add3A_118, %and3A_123 : vector<16xi32>
    %gather3A_125 = tpu.vector_load_idx %arg5[%shift_right_logical3A_121] : memref<96xi32, #tpu.memory_space<vmem>>[vector<16xi32>], vector<16xi32>,
    %mul3A_126 = arith.constant 64 : i32
    %mul3A_127 = vector.broadcast %mul3A_126 : i32 to vector<16xi32>
    %mul3A_128 = arith.muli %gather3A_125, %mul3A_127 : vector<16xi32>
    %add3A_129 = arith.addi %mul3A_128, %and3A_124 : vector<16xi32>
    %swap3A_130 = arith.constant 64 : index
    %swap3A_131 = tpu.vector_load %arg6[%swap3A_130] {strides = array<i32>} : memref<208xi32, #tpu.memory_space<vmem>>, vector<16xi32>,
    tpu.vector_store %arg6[%swap3A_130], %add3A_129 {strides = array<i32>} : memref<208xi32, #tpu.memory_space<vmem>>, vector<16xi32>,
    %iota3A_132 = tpu.iota {dimensions = array<i32: 0>} : vector<16xi32>
    %add3A_133 = arith.constant 80 : i32
    %add3A_134 = arith.addi %mul3A_2, %add3A_133 : i32
    %add3A_135 = vector.broadcast %add3A_134 : i32 to vector<16xi32>
    %add3A_136 = arith.addi %iota3A_132, %add3A_135 : vector<16xi32>
    %shift_right_logical3A_137 = arith.constant 6 : i32
    %shift_right_logical3A_138 = vector.broadcast %shift_right_logical3A_137 : i32 to vector<16xi32>
    %shift_right_logical3A_139 = arith.shrui %add3A_136, %shift_right_logical3A_138 : vector<16xi32>
    %and3A_140 = arith.constant 63 : i32
    %and3A_141 = vector.broadcast %and3A_140 : i32 to vector<16xi32>
    %and3A_142 = arith.andi %add3A_136, %and3A_141 : vector<16xi32>
    %gather3A_143 = tpu.vector_load_idx %arg5[%shift_right_logical3A_139] : memref<96xi32, #tpu.memory_space<vmem>>[vector<16xi32>], vector<16xi32>,
    %mul3A_144 = arith.constant 64 : i32
    %mul3A_145 = vector.broadcast %mul3A_144 : i32 to vector<16xi32>
    %mul3A_146 = arith.muli %gather3A_143, %mul3A_145 : vector<16xi32>
    %add3A_147 = arith.addi %mul3A_146, %and3A_142 : vector<16xi32>
    %swap3A_148 = arith.constant 80 : index
    %swap3A_149 = tpu.vector_load %arg6[%swap3A_148] {strides = array<i32>} : memref<208xi32, #tpu.memory_space<vmem>>, vector<16xi32>,
    tpu.vector_store %arg6[%swap3A_148], %add3A_147 {strides = array<i32>} : memref<208xi32, #tpu.memory_space<vmem>>, vector<16xi32>,
    %iota3A_150 = tpu.iota {dimensions = array<i32: 0>} : vector<16xi32>
    %add3A_151 = arith.constant 96 : i32
    %add3A_152 = arith.addi %mul3A_2, %add3A_151 : i32
    %add3A_153 = vector.broadcast %add3A_152 : i32 to vector<16xi32>
    %add3A_154 = arith.addi %iota3A_150, %add3A_153 : vector<16xi32>
    %shift_right_logical3A_155 = arith.constant 6 : i32
    %shift_right_logical3A_156 = vector.broadcast %shift_right_logical3A_155 : i32 to vector<16xi32>
    %shift_right_logical3A_157 = arith.shrui %add3A_154, %shift_right_logical3A_156 : vector<16xi32>
    %and3A_158 = arith.constant 63 : i32
    %and3A_159 = vector.broadcast %and3A_158 : i32 to vector<16xi32>
    %and3A_160 = arith.andi %add3A_154, %and3A_159 : vector<16xi32>
    %gather3A_161 = tpu.vector_load_idx %arg5[%shift_right_logical3A_157] : memref<96xi32, #tpu.memory_space<vmem>>[vector<16xi32>], vector<16xi32>,
    %mul3A_162 = arith.constant 64 : i32
    %mul3A_163 = vector.broadcast %mul3A_162 : i32 to vector<16xi32>
    %mul3A_164 = arith.muli %gather3A_161, %mul3A_163 : vector<16xi32>
    %add3A_165 = arith.addi %mul3A_164, %and3A_160 : vector<16xi32>
    %swap3A_166 = arith.constant 96 : index
    %swap3A_167 = tpu.vector_load %arg6[%swap3A_166] {strides = array<i32>} : memref<208xi32, #tpu.memory_space<vmem>>, vector<16xi32>,
    tpu.vector_store %arg6[%swap3A_166], %add3A_165 {strides = array<i32>} : memref<208xi32, #tpu.memory_space<vmem>>, vector<16xi32>,
    %iota3A_168 = tpu.iota {dimensions = array<i32: 0>} : vector<16xi32>
    %add3A_169 = arith.constant 112 : i32
    %add3A_170 = arith.addi %mul3A_2, %add3A_169 : i32
    %add3A_171 = vector.broadcast %add3A_170 : i32 to vector<16xi32>
    %add3A_172 = arith.addi %iota3A_168, %add3A_171 : vector<16xi32>
    %shift_right_logical3A_173 = arith.constant 6 : i32
    %shift_right_logical3A_174 = vector.broadcast %shift_right_logical3A_173 : i32 to vector<16xi32>
    %shift_right_logical3A_175 = arith.shrui %add3A_172, %shift_right_logical3A_174 : vector<16xi32>
    %and3A_176 = arith.constant 63 : i32
    %and3A_177 = vector.broadcast %and3A_176 : i32 to vector<16xi32>
    %and3A_178 = arith.andi %add3A_172, %and3A_177 : vector<16xi32>
    %gather3A_179 = tpu.vector_load_idx %arg5[%shift_right_logical3A_175] : memref<96xi32, #tpu.memory_space<vmem>>[vector<16xi32>], vector<16xi32>,
    %mul3A_180 = arith.constant 64 : i32
    %mul3A_181 = vector.broadcast %mul3A_180 : i32 to vector<16xi32>
    %mul3A_182 = arith.muli %gather3A_179, %mul3A_181 : vector<16xi32>
    %add3A_183 = arith.addi %mul3A_182, %and3A_178 : vector<16xi32>
    %swap3A_184 = arith.constant 112 : index
    %swap3A_185 = tpu.vector_load %arg6[%swap3A_184] {strides = array<i32>} : memref<208xi32, #tpu.memory_space<vmem>>, vector<16xi32>,
    tpu.vector_store %arg6[%swap3A_184], %add3A_183 {strides = array<i32>} : memref<208xi32, #tpu.memory_space<vmem>>, vector<16xi32>,
    %iota3A_186 = tpu.iota {dimensions = array<i32: 0>} : vector<16xi32>
    %add3A_187 = arith.constant 128 : i32
    %add3A_188 = arith.addi %mul3A_2, %add3A_187 : i32
    %add3A_189 = vector.broadcast %add3A_188 : i32 to vector<16xi32>
    %add3A_190 = arith.addi %iota3A_186, %add3A_189 : vector<16xi32>
    %shift_right_logical3A_191 = arith.constant 6 : i32
    %shift_right_logical3A_192 = vector.broadcast %shift_right_logical3A_191 : i32 to vector<16xi32>
    %shift_right_logical3A_193 = arith.shrui %add3A_190, %shift_right_logical3A_192 : vector<16xi32>
    %and3A_194 = arith.constant 63 : i32
    %and3A_195 = vector.broadcast %and3A_194 : i32 to vector<16xi32>
    %and3A_196 = arith.andi %add3A_190, %and3A_195 : vector<16xi32>
    %gather3A_197 = tpu.vector_load_idx %arg5[%shift_right_logical3A_193] : memref<96xi32, #tpu.memory_space<vmem>>[vector<16xi32>], vector<16xi32>,
    %mul3A_198 = arith.constant 64 : i32
    %mul3A_199 = vector.broadcast %mul3A_198 : i32 to vector<16xi32>
    %mul3A_200 = arith.muli %gather3A_197, %mul3A_199 : vector<16xi32>
    %add3A_201 = arith.addi %mul3A_200, %and3A_196 : vector<16xi32>
    %swap3A_202 = arith.constant 128 : index
    %swap3A_203 = tpu.vector_load %arg6[%swap3A_202] {strides = array<i32>} : memref<208xi32, #tpu.memory_space<vmem>>, vector<16xi32>,
    tpu.vector_store %arg6[%swap3A_202], %add3A_201 {strides = array<i32>} : memref<208xi32, #tpu.memory_space<vmem>>, vector<16xi32>,
    %iota3A_204 = tpu.iota {dimensions = array<i32: 0>} : vector<16xi32>
    %add3A_205 = arith.constant 144 : i32
    %add3A_206 = arith.addi %mul3A_2, %add3A_205 : i32
    %add3A_207 = vector.broadcast %add3A_206 : i32 to vector<16xi32>
    %add3A_208 = arith.addi %iota3A_204, %add3A_207 : vector<16xi32>
    %shift_right_logical3A_209 = arith.constant 6 : i32
    %shift_right_logical3A_210 = vector.broadcast %shift_right_logical3A_209 : i32 to vector<16xi32>
    %shift_right_logical3A_211 = arith.shrui %add3A_208, %shift_right_logical3A_210 : vector<16xi32>
    %and3A_212 = arith.constant 63 : i32
    %and3A_213 = vector.broadcast %and3A_212 : i32 to vector<16xi32>
    %and3A_214 = arith.andi %add3A_208, %and3A_213 : vector<16xi32>
    %gather3A_215 = tpu.vector_load_idx %arg5[%shift_right_logical3A_211] : memref<96xi32, #tpu.memory_space<vmem>>[vector<16xi32>], vector<16xi32>,
    %mul3A_216 = arith.constant 64 : i32
    %mul3A_217 = vector.broadcast %mul3A_216 : i32 to vector<16xi32>
    %mul3A_218 = arith.muli %gather3A_215, %mul3A_217 : vector<16xi32>
    %add3A_219 = arith.addi %mul3A_218, %and3A_214 : vector<16xi32>
    %swap3A_220 = arith.constant 144 : index
    %swap3A_221 = tpu.vector_load %arg6[%swap3A_220] {strides = array<i32>} : memref<208xi32, #tpu.memory_space<vmem>>, vector<16xi32>,
    tpu.vector_store %arg6[%swap3A_220], %add3A_219 {strides = array<i32>} : memref<208xi32, #tpu.memory_space<vmem>>, vector<16xi32>,
    %iota3A_222 = tpu.iota {dimensions = array<i32: 0>} : vector<16xi32>
    %add3A_223 = arith.constant 160 : i32
    %add3A_224 = arith.addi %mul3A_2, %add3A_223 : i32
    %add3A_225 = vector.broadcast %add3A_224 : i32 to vector<16xi32>
    %add3A_226 = arith.addi %iota3A_222, %add3A_225 : vector<16xi32>
    %shift_right_logical3A_227 = arith.constant 6 : i32
    %shift_right_logical3A_228 = vector.broadcast %shift_right_logical3A_227 : i32 to vector<16xi32>
    %shift_right_logical3A_229 = arith.shrui %add3A_226, %shift_right_logical3A_228 : vector<16xi32>
    %and3A_230 = arith.constant 63 : i32
    %and3A_231 = vector.broadcast %and3A_230 : i32 to vector<16xi32>
    %and3A_232 = arith.andi %add3A_226, %and3A_231 : vector<16xi32>
    %gather3A_233 = tpu.vector_load_idx %arg5[%shift_right_logical3A_229] : memref<96xi32, #tpu.memory_space<vmem>>[vector<16xi32>], vector<16xi32>,
    %mul3A_234 = arith.constant 64 : i32
    %mul3A_235 = vector.broadcast %mul3A_234 : i32 to vector<16xi32>
    %mul3A_236 = arith.muli %gather3A_233, %mul3A_235 : vector<16xi32>
    %add3A_237 = arith.addi %mul3A_236, %and3A_232 : vector<16xi32>
    %swap3A_238 = arith.constant 160 : index
    %swap3A_239 = tpu.vector_load %arg6[%swap3A_238] {strides = array<i32>} : memref<208xi32, #tpu.memory_space<vmem>>, vector<16xi32>,
    tpu.vector_store %arg6[%swap3A_238], %add3A_237 {strides = array<i32>} : memref<208xi32, #tpu.memory_space<vmem>>, vector<16xi32>,
    %iota3A_240 = tpu.iota {dimensions = array<i32: 0>} : vector<16xi32>
    %add3A_241 = arith.constant 176 : i32
    %add3A_242 = arith.addi %mul3A_2, %add3A_241 : i32
    %add3A_243 = vector.broadcast %add3A_242 : i32 to vector<16xi32>
    %add3A_244 = arith.addi %iota3A_240, %add3A_243 : vector<16xi32>
    %shift_right_logical3A_245 = arith.constant 6 : i32
    %shift_right_logical3A_246 = vector.broadcast %shift_right_logical3A_245 : i32 to vector<16xi32>
    %shift_right_logical3A_247 = arith.shrui %add3A_244, %shift_right_logical3A_246 : vector<16xi32>
    %and3A_248 = arith.constant 63 : i32
    %and3A_249 = vector.broadcast %and3A_248 : i32 to vector<16xi32>
    %and3A_250 = arith.andi %add3A_244, %and3A_249 : vector<16xi32>
    %gather3A_251 = tpu.vector_load_idx %arg5[%shift_right_logical3A_247] : memref<96xi32, #tpu.memory_space<vmem>>[vector<16xi32>], vector<16xi32>,
    %mul3A_252 = arith.constant 64 : i32
    %mul3A_253 = vector.broadcast %mul3A_252 : i32 to vector<16xi32>
    %mul3A_254 = arith.muli %gather3A_251, %mul3A_253 : vector<16xi32>
    %add3A_255 = arith.addi %mul3A_254, %and3A_250 : vector<16xi32>
    %swap3A_256 = arith.constant 176 : index
    %swap3A_257 = tpu.vector_load %arg6[%swap3A_256] {strides = array<i32>} : memref<208xi32, #tpu.memory_space<vmem>>, vector<16xi32>,
    tpu.vector_store %arg6[%swap3A_256], %add3A_255 {strides = array<i32>} : memref<208xi32, #tpu.memory_space<vmem>>, vector<16xi32>,
    %get3A_258 = arith.constant 0 : index
    %get3A_259 = tpu.vector_load %arg6[%get3A_258] {strides = array<i32>} : memref<208xi32, #tpu.memory_space<vmem>>, vector<16xi32>,
    %slice3A_260 = vector.extract_strided_slice %get3A_259 {offsets = [0], sizes = [1], strides = [1]} : vector<16xi32> to vector<1xi32>
    %squeeze3A_261 = vector.extract %slice3A_260[0] : i32 from vector<1xi32>
    %dma_wait3A = arith.constant 0 : i32
    %dma_wait3A_262 = arith.constant 0 : i32
    %dma_wait3A_263 = arith.constant 0 : i32
    %dma_wait3A_264 = arith.constant 0 : i32
    %dma_wait3A_265 = arith.constant 0 : i32
    %dma_wait3A_266 = tpu.memref_slice %arg7[%dma_wait3A, %dma_wait3A_263, %dma_wait3A_264, %dma_wait3A_265] : memref<3x8x8x512xf32, #tpu.memory_space<vmem>> -> memref<1x8x8x512xf32, #tpu.memory_space<vmem>>
    %dma_wait3A_267 = tpu.memref_squeeze %dma_wait3A_266 : memref<1x8x8x512xf32, #tpu.memory_space<vmem>> -> memref<8x8x512xf32, #tpu.memory_space<vmem>>
    %dma_wait3A_268 = arith.constant 0 : i32
    %dma_wait3A_269 = arith.constant 0 : i32
    %dma_wait3A_270 = tpu.memref_slice %arg2[%squeeze3A_261, %dma_wait3A_268, %dma_wait3A_269] : memref<6144x8x512xf32, #tpu.memory_space<hbm>> -> memref<8x8x512xf32, #tpu.memory_space<hbm>>
    %dma_wait3A_271 = tpu.memref_slice %arg8[%dma_wait3A_262] : memref<3x!tpu.dma_semaphore, #tpu.memory_space<semaphore_mem>> -> memref<1x!tpu.dma_semaphore, #tpu.memory_space<semaphore_mem>>
    %dma_wait3A_272 = tpu.memref_squeeze %dma_wait3A_271 : memref<1x!tpu.dma_semaphore, #tpu.memory_space<semaphore_mem>> -> memref<!tpu.dma_semaphore, #tpu.memory_space<semaphore_mem>>
    %dma_wait3A_273 = arith.constant 0 : i32
    %dma_wait3A_274 = arith.constant 0 : i32
    %dma_wait3A_275 = arith.constant 0 : i32
    %dma_wait3A_276 = tpu.memref_slice %arg7[%dma_wait3A, %dma_wait3A_273, %dma_wait3A_274, %dma_wait3A_275] : memref<3x8x8x512xf32, #tpu.memory_space<vmem>> -> memref<1x8x8x512xf32, #tpu.memory_space<vmem>>
    %dma_wait3A_277 = tpu.memref_squeeze %dma_wait3A_276 : memref<1x8x8x512xf32, #tpu.memory_space<vmem>> -> memref<8x8x512xf32, #tpu.memory_space<vmem>>
    %dma_wait3A_278 = arith.constant 0 : i32
    %dma_wait3A_279 = arith.constant 0 : i32
    %dma_wait3A_280 = tpu.memref_slice %arg2[%squeeze3A_261, %dma_wait3A_278, %dma_wait3A_279] : memref<6144x8x512xf32, #tpu.memory_space<hbm>> -> memref<8x8x512xf32, #tpu.memory_space<hbm>>
    tpu.wait_dma2 semaphore(%dma_wait3A_272 : memref<!tpu.dma_semaphore, #tpu.memory_space<semaphore_mem>>) src(%dma_wait3A_280 : memref<8x8x512xf32, #tpu.memory_space<hbm>>) dst(%dma_wait3A_277 : memref<8x8x512xf32, #tpu.memory_space<vmem>>)
    %add3A_281 = arith.constant 0 : i32
    %add3A_282 = arith.addi %mul3A_2, %add3A_281 : i32
    %dma_start3A_283 = arith.constant 0 : i32
    %dma_start3A_284 = arith.constant 0 : i32
    %dma_start3A_285 = arith.constant 0 : i32
    %dma_start3A_286 = arith.constant 0 : i32
    %dma_start3A_287 = arith.constant 0 : i32
    %dma_start3A_288 = tpu.memref_slice %arg7[%dma_start3A_283, %dma_start3A_285, %dma_start3A_286, %dma_start3A_287] : memref<3x8x8x512xf32, #tpu.memory_space<vmem>> -> memref<1x8x8x512xf32, #tpu.memory_space<vmem>>
    %dma_start3A_289 = tpu.memref_squeeze %dma_start3A_288 : memref<1x8x8x512xf32, #tpu.memory_space<vmem>> -> memref<8x8x512xf32, #tpu.memory_space<vmem>>
    %dma_start3A_290 = arith.constant 0 : i32
    %dma_start3A_291 = arith.constant 0 : i32
    %dma_start3A_292 = tpu.memref_slice %arg4[%add3A_282, %dma_start3A_290, %dma_start3A_291] : memref<6144x8x512xf32, #tpu.memory_space<hbm>> -> memref<8x8x512xf32, #tpu.memory_space<hbm>>
    %dma_start3A_293 = tpu.memref_slice %arg9[%dma_start3A_284] : memref<3x!tpu.dma_semaphore, #tpu.memory_space<semaphore_mem>> -> memref<1x!tpu.dma_semaphore, #tpu.memory_space<semaphore_mem>>
    %dma_start3A_294 = tpu.memref_squeeze %dma_start3A_293 : memref<1x!tpu.dma_semaphore, #tpu.memory_space<semaphore_mem>> -> memref<!tpu.dma_semaphore, #tpu.memory_space<semaphore_mem>>
    %dma_start3A_295 = arith.constant 0 : i32
    %dma_start3A_296 = arith.constant 0 : i32
    %dma_start3A_297 = tpu.memref_slice %arg4[%add3A_282, %dma_start3A_295, %dma_start3A_296] : memref<6144x8x512xf32, #tpu.memory_space<hbm>> -> memref<8x8x512xf32, #tpu.memory_space<hbm>>
    %dma_start3A_298 = arith.constant 0 : i32
    %dma_start3A_299 = arith.constant 0 : i32
    %dma_start3A_300 = arith.constant 0 : i32
    %dma_start3A_301 = tpu.memref_slice %arg7[%dma_start3A_283, %dma_start3A_298, %dma_start3A_299, %dma_start3A_300] : memref<3x8x8x512xf32, #tpu.memory_space<vmem>> -> memref<1x8x8x512xf32, #tpu.memory_space<vmem>>
    %dma_start3A_302 = tpu.memref_squeeze %dma_start3A_301 : memref<1x8x8x512xf32, #tpu.memory_space<vmem>> -> memref<8x8x512xf32, #tpu.memory_space<vmem>>
    tpu.enqueue_dma source(%dma_start3A_302 : memref<8x8x512xf32, #tpu.memory_space<vmem>>) target(%dma_start3A_297 : memref<8x8x512xf32, #tpu.memory_space<hbm>>) target_semaphore(%dma_start3A_294 : memref<!tpu.dma_semaphore, #tpu.memory_space<semaphore_mem>>)
    %get3A_303 = arith.constant 16 : index
    %get3A_304 = tpu.vector_load %arg6[%get3A_303] {strides = array<i32>} : memref<208xi32, #tpu.memory_space<vmem>>, vector<16xi32>,
    %slice3A_305 = vector.extract_strided_slice %get3A_304 {offsets = [0], sizes = [1], strides = [1]} : vector<16xi32> to vector<1xi32>
    %squeeze3A_306 = vector.extract %slice3A_305[0] : i32 from vector<1xi32>
    %dma_start3A_307 = arith.constant 2 : i32
    %dma_start3A_308 = arith.constant 2 : i32
    %dma_start3A_309 = arith.constant 0 : i32
    %dma_start3A_310 = arith.constant 0 : i32
    %dma_start3A_311 = arith.constant 0 : i32
    %dma_start3A_312 = tpu.memref_slice %arg7[%dma_start3A_307, %dma_start3A_309, %dma_start3A_310, %dma_start3A_311] : memref<3x8x8x512xf32, #tpu.memory_space<vmem>> -> memref<1x8x8x512xf32, #tpu.memory_space<vmem>>
    %dma_start3A_313 = tpu.memref_squeeze %dma_start3A_312 : memref<1x8x8x512xf32, #tpu.memory_space<vmem>> -> memref<8x8x512xf32, #tpu.memory_space<vmem>>
    %dma_start3A_314 = arith.constant 0 : i32
    %dma_start3A_315 = arith.constant 0 : i32
    %dma_start3A_316 = tpu.memref_slice %arg2[%squeeze3A_306, %dma_start3A_314, %dma_start3A_315] : memref<6144x8x512xf32, #tpu.memory_space<hbm>> -> memref<8x8x512xf32, #tpu.memory_space<hbm>>
    %dma_start3A_317 = tpu.memref_slice %arg8[%dma_start3A_308] : memref<3x!tpu.dma_semaphore, #tpu.memory_space<semaphore_mem>> -> memref<1x!tpu.dma_semaphore, #tpu.memory_space<semaphore_mem>>
    %dma_start3A_318 = tpu.memref_squeeze %dma_start3A_317 : memref<1x!tpu.dma_semaphore, #tpu.memory_space<semaphore_mem>> -> memref<!tpu.dma_semaphore, #tpu.memory_space<semaphore_mem>>
    %dma_start3A_319 = arith.constant 0 : i32
    %dma_start3A_320 = arith.constant 0 : i32
    %dma_start3A_321 = arith.constant 0 : i32
    %dma_start3A_322 = tpu.memref_slice %arg7[%dma_start3A_307, %dma_start3A_319, %dma_start3A_320, %dma_start3A_321] : memref<3x8x8x512xf32, #tpu.memory_space<vmem>> -> memref<1x8x8x512xf32, #tpu.memory_space<vmem>>
    %dma_start3A_323 = tpu.memref_squeeze %dma_start3A_322 : memref<1x8x8x512xf32, #tpu.memory_space<vmem>> -> memref<8x8x512xf32, #tpu.memory_space<vmem>>
    %dma_start3A_324 = arith.constant 0 : i32
    %dma_start3A_325 = arith.constant 0 : i32
    %dma_start3A_326 = tpu.memref_slice %arg2[%squeeze3A_306, %dma_start3A_324, %dma_start3A_325] : memref<6144x8x512xf32, #tpu.memory_space<hbm>> -> memref<8x8x512xf32, #tpu.memory_space<hbm>>
    tpu.enqueue_dma source(%dma_start3A_326 : memref<8x8x512xf32, #tpu.memory_space<hbm>>) target(%dma_start3A_323 : memref<8x8x512xf32, #tpu.memory_space<vmem>>) target_semaphore(%dma_start3A_318 : memref<!tpu.dma_semaphore, #tpu.memory_space<semaphore_mem>>)
    %get3A_327 = arith.constant 8 : index
    %get3A_328 = tpu.vector_load %arg6[%get3A_327] {strides = array<i32>} : memref<208xi32, #tpu.memory_space<vmem>>, vector<16xi32>,
    %slice3A_329 = vector.extract_strided_slice %get3A_328 {offsets = [0], sizes = [1], strides = [1]} : vector<16xi32> to vector<1xi32>
    %squeeze3A_330 = vector.extract %slice3A_329[0] : i32 from vector<1xi32>
    %dma_wait3A_331 = arith.constant 1 : i32
    %dma_wait3A_332 = arith.constant 1 : i32
    %dma_wait3A_333 = arith.constant 0 : i32
    %dma_wait3A_334 = arith.constant 0 : i32
    %dma_wait3A_335 = arith.constant 0 : i32
    %dma_wait3A_336 = tpu.memref_slice %arg7[%dma_wait3A_331, %dma_wait3A_333, %dma_wait3A_334, %dma_wait3A_335] : memref<3x8x8x512xf32, #tpu.memory_space<vmem>> -> memref<1x8x8x512xf32, #tpu.memory_space<vmem>>
    %dma_wait3A_337 = tpu.memref_squeeze %dma_wait3A_336 : memref<1x8x8x512xf32, #tpu.memory_space<vmem>> -> memref<8x8x512xf32, #tpu.memory_space<vmem>>
    %dma_wait3A_338 = arith.constant 0 : i32
    %dma_wait3A_339 = arith.constant 0 : i32
    %dma_wait3A_340 = tpu.memref_slice %arg2[%squeeze3A_330, %dma_wait3A_338, %dma_wait3A_339] : memref<6144x8x512xf32, #tpu.memory_space<hbm>> -> memref<8x8x512xf32, #tpu.memory_space<hbm>>
    %dma_wait3A_341 = tpu.memref_slice %arg8[%dma_wait3A_332] : memref<3x!tpu.dma_semaphore, #tpu.memory_space<semaphore_mem>> -> memref<1x!tpu.dma_semaphore, #tpu.memory_space<semaphore_mem>>
    %dma_wait3A_342 = tpu.memref_squeeze %dma_wait3A_341 : memref<1x!tpu.dma_semaphore, #tpu.memory_space<semaphore_mem>> -> memref<!tpu.dma_semaphore, #tpu.memory_space<semaphore_mem>>
    %dma_wait3A_343 = arith.constant 0 : i32
    %dma_wait3A_344 = arith.constant 0 : i32
    %dma_wait3A_345 = arith.constant 0 : i32
    %dma_wait3A_346 = tpu.memref_slice %arg7[%dma_wait3A_331, %dma_wait3A_343, %dma_wait3A_344, %dma_wait3A_345] : memref<3x8x8x512xf32, #tpu.memory_space<vmem>> -> memref<1x8x8x512xf32, #tpu.memory_space<vmem>>
    %dma_wait3A_347 = tpu.memref_squeeze %dma_wait3A_346 : memref<1x8x8x512xf32, #tpu.memory_space<vmem>> -> memref<8x8x512xf32, #tpu.memory_space<vmem>>
    %dma_wait3A_348 = arith.constant 0 : i32
    %dma_wait3A_349 = arith.constant 0 : i32
    %dma_wait3A_350 = tpu.memref_slice %arg2[%squeeze3A_330, %dma_wait3A_348, %dma_wait3A_349] : memref<6144x8x512xf32, #tpu.memory_space<hbm>> -> memref<8x8x512xf32, #tpu.memory_space<hbm>>
    tpu.wait_dma2 semaphore(%dma_wait3A_342 : memref<!tpu.dma_semaphore, #tpu.memory_space<semaphore_mem>>) src(%dma_wait3A_350 : memref<8x8x512xf32, #tpu.memory_space<hbm>>) dst(%dma_wait3A_347 : memref<8x8x512xf32, #tpu.memory_space<vmem>>)
    %add3A_351 = arith.constant 8 : i32
    %add3A_352 = arith.addi %mul3A_2, %add3A_351 : i32
    %dma_start3A_353 = arith.constant 1 : i32
    %dma_start3A_354 = arith.constant 1 : i32
    %dma_start3A_355 = arith.constant 0 : i32
    %dma_start3A_356 = arith.constant 0 : i32
    %dma_start3A_357 = arith.constant 0 : i32
    %dma_start3A_358 = tpu.memref_slice %arg7[%dma_start3A_353, %dma_start3A_355, %dma_start3A_356, %dma_start3A_357] : memref<3x8x8x512xf32, #tpu.memory_space<vmem>> -> memref<1x8x8x512xf32, #tpu.memory_space<vmem>>
    %dma_start3A_359 = tpu.memref_squeeze %dma_start3A_358 : memref<1x8x8x512xf32, #tpu.memory_space<vmem>> -> memref<8x8x512xf32, #tpu.memory_space<vmem>>
    %dma_start3A_360 = arith.constant 0 : i32
    %dma_start3A_361 = arith.constant 0 : i32
    %dma_start3A_362 = tpu.memref_slice %arg4[%add3A_352, %dma_start3A_360, %dma_start3A_361] : memref<6144x8x512xf32, #tpu.memory_space<hbm>> -> memref<8x8x512xf32, #tpu.memory_space<hbm>>
    %dma_start3A_363 = tpu.memref_slice %arg9[%dma_start3A_354] : memref<3x!tpu.dma_semaphore, #tpu.memory_space<semaphore_mem>> -> memref<1x!tpu.dma_semaphore, #tpu.memory_space<semaphore_mem>>
    %dma_start3A_364 = tpu.memref_squeeze %dma_start3A_363 : memref<1x!tpu.dma_semaphore, #tpu.memory_space<semaphore_mem>> -> memref<!tpu.dma_semaphore, #tpu.memory_space<semaphore_mem>>
    %dma_start3A_365 = arith.constant 0 : i32
    %dma_start3A_366 = arith.constant 0 : i32
    %dma_start3A_367 = tpu.memref_slice %arg4[%add3A_352, %dma_start3A_365, %dma_start3A_366] : memref<6144x8x512xf32, #tpu.memory_space<hbm>> -> memref<8x8x512xf32, #tpu.memory_space<hbm>>
    %dma_start3A_368 = arith.constant 0 : i32
    %dma_start3A_369 = arith.constant 0 : i32
    %dma_start3A_370 = arith.constant 0 : i32
    %dma_start3A_371 = tpu.memref_slice %arg7[%dma_start3A_353, %dma_start3A_368, %dma_start3A_369, %dma_start3A_370] : memref<3x8x8x512xf32, #tpu.memory_space<vmem>> -> memref<1x8x8x512xf32, #tpu.memory_space<vmem>>
    %dma_start3A_372 = tpu.memref_squeeze %dma_start3A_371 : memref<1x8x8x512xf32, #tpu.memory_space<vmem>> -> memref<8x8x512xf32, #tpu.memory_space<vmem>>
    tpu.enqueue_dma source(%dma_start3A_372 : memref<8x8x512xf32, #tpu.memory_space<vmem>>) target(%dma_start3A_367 : memref<8x8x512xf32, #tpu.memory_space<hbm>>) target_semaphore(%dma_start3A_364 : memref<!tpu.dma_semaphore, #tpu.memory_space<semaphore_mem>>)
    %add3A_373 = arith.constant 0 : i32
    %add3A_374 = arith.addi %mul3A_2, %add3A_373 : i32
    %dma_wait3A_375 = arith.constant 0 : i32
    %dma_wait3A_376 = arith.constant 0 : i32
    %dma_wait3A_377 = arith.constant 0 : i32
    %dma_wait3A_378 = arith.constant 0 : i32
    %dma_wait3A_379 = arith.constant 0 : i32
    %dma_wait3A_380 = tpu.memref_slice %arg7[%dma_wait3A_375, %dma_wait3A_377, %dma_wait3A_378, %dma_wait3A_379] : memref<3x8x8x512xf32, #tpu.memory_space<vmem>> -> memref<1x8x8x512xf32, #tpu.memory_space<vmem>>
    %dma_wait3A_381 = tpu.memref_squeeze %dma_wait3A_380 : memref<1x8x8x512xf32, #tpu.memory_space<vmem>> -> memref<8x8x512xf32, #tpu.memory_space<vmem>>
    %dma_wait3A_382 = arith.constant 0 : i32
    %dma_wait3A_383 = arith.constant 0 : i32
    %dma_wait3A_384 = tpu.memref_slice %arg4[%add3A_374, %dma_wait3A_382, %dma_wait3A_383] : memref<6144x8x512xf32, #tpu.memory_space<hbm>> -> memref<8x8x512xf32, #tpu.memory_space<hbm>>
    %dma_wait3A_385 = tpu.memref_slice %arg9[%dma_wait3A_376] : memref<3x!tpu.dma_semaphore, #tpu.memory_space<semaphore_mem>> -> memref<1x!tpu.dma_semaphore, #tpu.memory_space<semaphore_mem>>
    %dma_wait3A_386 = tpu.memref_squeeze %dma_wait3A_385 : memref<1x!tpu.dma_semaphore, #tpu.memory_space<semaphore_mem>> -> memref<!tpu.dma_semaphore, #tpu.memory_space<semaphore_mem>>
    %dma_wait3A_387 = arith.constant 0 : i32
    %dma_wait3A_388 = arith.constant 0 : i32
    %dma_wait3A_389 = tpu.memref_slice %arg4[%add3A_374, %dma_wait3A_387, %dma_wait3A_388] : memref<6144x8x512xf32, #tpu.memory_space<hbm>> -> memref<8x8x512xf32, #tpu.memory_space<hbm>>
    %dma_wait3A_390 = arith.constant 0 : i32
    %dma_wait3A_391 = arith.constant 0 : i32
    %dma_wait3A_392 = arith.constant 0 : i32
    %dma_wait3A_393 = tpu.memref_slice %arg7[%dma_wait3A_375, %dma_wait3A_390, %dma_wait3A_391, %dma_wait3A_392] : memref<3x8x8x512xf32, #tpu.memory_space<vmem>> -> memref<1x8x8x512xf32, #tpu.memory_space<vmem>>
    %dma_wait3A_394 = tpu.memref_squeeze %dma_wait3A_393 : memref<1x8x8x512xf32, #tpu.memory_space<vmem>> -> memref<8x8x512xf32, #tpu.memory_space<vmem>>
    tpu.wait_dma2 semaphore(%dma_wait3A_386 : memref<!tpu.dma_semaphore, #tpu.memory_space<semaphore_mem>>) src(%dma_wait3A_394 : memref<8x8x512xf32, #tpu.memory_space<vmem>>) dst(%dma_wait3A_389 : memref<8x8x512xf32, #tpu.memory_space<hbm>>)
    %get3A_395 = arith.constant 24 : index
    %get3A_396 = tpu.vector_load %arg6[%get3A_395] {strides = array<i32>} : memref<208xi32, #tpu.memory_space<vmem>>, vector<16xi32>,
    %slice3A_397 = vector.extract_strided_slice %get3A_396 {offsets = [0], sizes = [1], strides = [1]} : vector<16xi32> to vector<1xi32>
    %squeeze3A_398 = vector.extract %slice3A_397[0] : i32 from vector<1xi32>
    %dma_start3A_399 = arith.constant 0 : i32
    %dma_start3A_400 = arith.constant 0 : i32
    %dma_start3A_401 = arith.constant 0 : i32
    %dma_start3A_402 = arith.constant 0 : i32
    %dma_start3A_403 = arith.constant 0 : i32
    %dma_start3A_404 = tpu.memref_slice %arg7[%dma_start3A_399, %dma_start3A_401, %dma_start3A_402, %dma_start3A_403] : memref<3x8x8x512xf32, #tpu.memory_space<vmem>> -> memref<1x8x8x512xf32, #tpu.memory_space<vmem>>
    %dma_start3A_405 = tpu.memref_squeeze %dma_start3A_404 : memref<1x8x8x512xf32, #tpu.memory_space<vmem>> -> memref<8x8x512xf32, #tpu.memory_space<vmem>>
    %dma_start3A_406 = arith.constant 0 : i32
    %dma_start3A_407 = arith.constant 0 : i32
    %dma_start3A_408 = tpu.memref_slice %arg2[%squeeze3A_398, %dma_start3A_406, %dma_start3A_407] : memref<6144x8x512xf32, #tpu.memory_space<hbm>> -> memref<8x8x512xf32, #tpu.memory_space<hbm>>
    %dma_start3A_409 = tpu.memref_slice %arg8[%dma_start3A_400] : memref<3x!tpu.dma_semaphore, #tpu.memory_space<semaphore_mem>> -> memref<1x!tpu.dma_semaphore, #tpu.memory_space<semaphore_mem>>
    %dma_start3A_410 = tpu.memref_squeeze %dma_start3A_409 : memref<1x!tpu.dma_semaphore, #tpu.memory_space<semaphore_mem>> -> memref<!tpu.dma_semaphore, #tpu.memory_space<semaphore_mem>>
    %dma_start3A_411 = arith.constant 0 : i32
    %dma_start3A_412 = arith.constant 0 : i32
    %dma_start3A_413 = arith.constant 0 : i32
    %dma_start3A_414 = tpu.memref_slice %arg7[%dma_start3A_399, %dma_start3A_411, %dma_start3A_412, %dma_start3A_413] : memref<3x8x8x512xf32, #tpu.memory_space<vmem>> -> memref<1x8x8x512xf32, #tpu.memory_space<vmem>>
    %dma_start3A_415 = tpu.memref_squeeze %dma_start3A_414 : memref<1x8x8x512xf32, #tpu.memory_space<vmem>> -> memref<8x8x512xf32, #tpu.memory_space<vmem>>
    %dma_start3A_416 = arith.constant 0 : i32
    %dma_start3A_417 = arith.constant 0 : i32
    %dma_start3A_418 = tpu.memref_slice %arg2[%squeeze3A_398, %dma_start3A_416, %dma_start3A_417] : memref<6144x8x512xf32, #tpu.memory_space<hbm>> -> memref<8x8x512xf32, #tpu.memory_space<hbm>>
    tpu.enqueue_dma source(%dma_start3A_418 : memref<8x8x512xf32, #tpu.memory_space<hbm>>) target(%dma_start3A_415 : memref<8x8x512xf32, #tpu.memory_space<vmem>>) target_semaphore(%dma_start3A_410 : memref<!tpu.dma_semaphore, #tpu.memory_space<semaphore_mem>>)
    %get3A_419 = arith.constant 16 : index
    %get3A_420 = tpu.vector_load %arg6[%get3A_419] {strides = array<i32>} : memref<208xi32, #tpu.memory_space<vmem>>, vector<16xi32>,
    %slice3A_421 = vector.extract_strided_slice %get3A_420 {offsets = [0], sizes = [1], strides = [1]} : vector<16xi32> to vector<1xi32>
    %squeeze3A_422 = vector.extract %slice3A_421[0] : i32 from vector<1xi32>
    %dma_wait3A_423 = arith.constant 2 : i32
    %dma_wait3A_424 = arith.constant 2 : i32
    %dma_wait3A_425 = arith.constant 0 : i32
    %dma_wait3A_426 = arith.constant 0 : i32
    %dma_wait3A_427 = arith.constant 0 : i32
    %dma_wait3A_428 = tpu.memref_slice %arg7[%dma_wait3A_423, %dma_wait3A_425, %dma_wait3A_426, %dma_wait3A_427] : memref<3x8x8x512xf32, #tpu.memory_space<vmem>> -> memref<1x8x8x512xf32, #tpu.memory_space<vmem>>
    %dma_wait3A_429 = tpu.memref_squeeze %dma_wait3A_428 : memref<1x8x8x512xf32, #tpu.memory_space<vmem>> -> memref<8x8x512xf32, #tpu.memory_space<vmem>>
    %dma_wait3A_430 = arith.constant 0 : i32
    %dma_wait3A_431 = arith.constant 0 : i32
    %dma_wait3A_432 = tpu.memref_slice %arg2[%squeeze3A_422, %dma_wait3A_430, %dma_wait3A_431] : memref<6144x8x512xf32, #tpu.memory_space<hbm>> -> memref<8x8x512xf32, #tpu.memory_space<hbm>>
    %dma_wait3A_433 = tpu.memref_slice %arg8[%dma_wait3A_424] : memref<3x!tpu.dma_semaphore, #tpu.memory_space<semaphore_mem>> -> memref<1x!tpu.dma_semaphore, #tpu.memory_space<semaphore_mem>>
    %dma_wait3A_434 = tpu.memref_squeeze %dma_wait3A_433 : memref<1x!tpu.dma_semaphore, #tpu.memory_space<semaphore_mem>> -> memref<!tpu.dma_semaphore, #tpu.memory_space<semaphore_mem>>
    %dma_wait3A_435 = arith.constant 0 : i32
    %dma_wait3A_436 = arith.constant 0 : i32
    %dma_wait3A_437 = arith.constant 0 : i32
    %dma_wait3A_438 = tpu.memref_slice %arg7[%dma_wait3A_423, %dma_wait3A_435, %dma_wait3A_436, %dma_wait3A_437] : memref<3x8x8x512xf32, #tpu.memory_space<vmem>> -> memref<1x8x8x512xf32, #tpu.memory_space<vmem>>
    %dma_wait3A_439 = tpu.memref_squeeze %dma_wait3A_438 : memref<1x8x8x512xf32, #tpu.memory_space<vmem>> -> memref<8x8x512xf32, #tpu.memory_space<vmem>>
    %dma_wait3A_440 = arith.constant 0 : i32
    %dma_wait3A_441 = arith.constant 0 : i32
    %dma_wait3A_442 = tpu.memref_slice %arg2[%squeeze3A_422, %dma_wait3A_440, %dma_wait3A_441] : memref<6144x8x512xf32, #tpu.memory_space<hbm>> -> memref<8x8x512xf32, #tpu.memory_space<hbm>>
    tpu.wait_dma2 semaphore(%dma_wait3A_434 : memref<!tpu.dma_semaphore, #tpu.memory_space<semaphore_mem>>) src(%dma_wait3A_442 : memref<8x8x512xf32, #tpu.memory_space<hbm>>) dst(%dma_wait3A_439 : memref<8x8x512xf32, #tpu.memory_space<vmem>>)
    %add3A_443 = arith.constant 16 : i32
    %add3A_444 = arith.addi %mul3A_2, %add3A_443 : i32
    %dma_start3A_445 = arith.constant 2 : i32
    %dma_start3A_446 = arith.constant 2 : i32
    %dma_start3A_447 = arith.constant 0 : i32
    %dma_start3A_448 = arith.constant 0 : i32
    %dma_start3A_449 = arith.constant 0 : i32
    %dma_start3A_450 = tpu.memref_slice %arg7[%dma_start3A_445, %dma_start3A_447, %dma_start3A_448, %dma_start3A_449] : memref<3x8x8x512xf32, #tpu.memory_space<vmem>> -> memref<1x8x8x512xf32, #tpu.memory_space<vmem>>
    %dma_start3A_451 = tpu.memref_squeeze %dma_start3A_450 : memref<1x8x8x512xf32, #tpu.memory_space<vmem>> -> memref<8x8x512xf32, #tpu.memory_space<vmem>>
    %dma_start3A_452 = arith.constant 0 : i32
    %dma_start3A_453 = arith.constant 0 : i32
    %dma_start3A_454 = tpu.memref_slice %arg4[%add3A_444, %dma_start3A_452, %dma_start3A_453] : memref<6144x8x512xf32, #tpu.memory_space<hbm>> -> memref<8x8x512xf32, #tpu.memory_space<hbm>>
    %dma_start3A_455 = tpu.memref_slice %arg9[%dma_start3A_446] : memref<3x!tpu.dma_semaphore, #tpu.memory_space<semaphore_mem>> -> memref<1x!tpu.dma_semaphore, #tpu.memory_space<semaphore_mem>>
    %dma_start3A_456 = tpu.memref_squeeze %dma_start3A_455 : memref<1x!tpu.dma_semaphore, #tpu.memory_space<semaphore_mem>> -> memref<!tpu.dma_semaphore, #tpu.memory_space<semaphore_mem>>
    %dma_start3A_457 = arith.constant 0 : i32
    %dma_start3A_458 = arith.constant 0 : i32
    %dma_start3A_459 = tpu.memref_slice %arg4[%add3A_444, %dma_start3A_457, %dma_start3A_458] : memref<6144x8x512xf32, #tpu.memory_space<hbm>> -> memref<8x8x512xf32, #tpu.memory_space<hbm>>
    %dma_start3A_460 = arith.constant 0 : i32
    %dma_start3A_461 = arith.constant 0 : i32
    %dma_start3A_462 = arith.constant 0 : i32
    %dma_start3A_463 = tpu.memref_slice %arg7[%dma_start3A_445, %dma_start3A_460, %dma_start3A_461, %dma_start3A_462] : memref<3x8x8x512xf32, #tpu.memory_space<vmem>> -> memref<1x8x8x512xf32, #tpu.memory_space<vmem>>
    %dma_start3A_464 = tpu.memref_squeeze %dma_start3A_463 : memref<1x8x8x512xf32, #tpu.memory_space<vmem>> -> memref<8x8x512xf32, #tpu.memory_space<vmem>>
    tpu.enqueue_dma source(%dma_start3A_464 : memref<8x8x512xf32, #tpu.memory_space<vmem>>) target(%dma_start3A_459 : memref<8x8x512xf32, #tpu.memory_space<hbm>>) target_semaphore(%dma_start3A_456 : memref<!tpu.dma_semaphore, #tpu.memory_space<semaphore_mem>>)
    %add3A_465 = arith.constant 8 : i32
    %add3A_466 = arith.addi %mul3A_2, %add3A_465 : i32
    %dma_wait3A_467 = arith.constant 1 : i32
    %dma_wait3A_468 = arith.constant 1 : i32
    %dma_wait3A_469 = arith.constant 0 : i32
    %dma_wait3A_470 = arith.constant 0 : i32
    %dma_wait3A_471 = arith.constant 0 : i32
    %dma_wait3A_472 = tpu.memref_slice %arg7[%dma_wait3A_467, %dma_wait3A_469, %dma_wait3A_470, %dma_wait3A_471] : memref<3x8x8x512xf32, #tpu.memory_space<vmem>> -> memref<1x8x8x512xf32, #tpu.memory_space<vmem>>
    %dma_wait3A_473 = tpu.memref_squeeze %dma_wait3A_472 : memref<1x8x8x512xf32, #tpu.memory_space<vmem>> -> memref<8x8x512xf32, #tpu.memory_space<vmem>>
    %dma_wait3A_474 = arith.constant 0 : i32
    %dma_wait3A_475 = arith.constant 0 : i32
    %dma_wait3A_476 = tpu.memref_slice %arg4[%add3A_466, %dma_wait3A_474, %dma_wait3A_475] : memref<6144x8x512xf32, #tpu.memory_space<hbm>> -> memref<8x8x512xf32, #tpu.memory_space<hbm>>
    %dma_wait3A_477 = tpu.memref_slice %arg9[%dma_wait3A_468] : memref<3x!tpu.dma_semaphore, #tpu.memory_space<semaphore_mem>> -> memref<1x!tpu.dma_semaphore, #tpu.memory_space<semaphore_mem>>
    %dma_wait3A_478 = tpu.memref_squeeze %dma_wait3A_477 : memref<1x!tpu.dma_semaphore, #tpu.memory_space<semaphore_mem>> -> memref<!tpu.dma_semaphore, #tpu.memory_space<semaphore_mem>>
    %dma_wait3A_479 = arith.constant 0 : i32
    %dma_wait3A_480 = arith.constant 0 : i32
    %dma_wait3A_481 = tpu.memref_slice %arg4[%add3A_466, %dma_wait3A_479, %dma_wait3A_480] : memref<6144x8x512xf32, #tpu.memory_space<hbm>> -> memref<8x8x512xf32, #tpu.memory_space<hbm>>
    %dma_wait3A_482 = arith.constant 0 : i32
    %dma_wait3A_483 = arith.constant 0 : i32
    %dma_wait3A_484 = arith.constant 0 : i32
    %dma_wait3A_485 = tpu.memref_slice %arg7[%dma_wait3A_467, %dma_wait3A_482, %dma_wait3A_483, %dma_wait3A_484] : memref<3x8x8x512xf32, #tpu.memory_space<vmem>> -> memref<1x8x8x512xf32, #tpu.memory_space<vmem>>
    %dma_wait3A_486 = tpu.memref_squeeze %dma_wait3A_485 : memref<1x8x8x512xf32, #tpu.memory_space<vmem>> -> memref<8x8x512xf32, #tpu.memory_space<vmem>>
    tpu.wait_dma2 semaphore(%dma_wait3A_478 : memref<!tpu.dma_semaphore, #tpu.memory_space<semaphore_mem>>) src(%dma_wait3A_486 : memref<8x8x512xf32, #tpu.memory_space<vmem>>) dst(%dma_wait3A_481 : memref<8x8x512xf32, #tpu.memory_space<hbm>>)
    %get3A_487 = arith.constant 32 : index
    %get3A_488 = tpu.vector_load %arg6[%get3A_487] {strides = array<i32>} : memref<208xi32, #tpu.memory_space<vmem>>, vector<16xi32>,
    %slice3A_489 = vector.extract_strided_slice %get3A_488 {offsets = [0], sizes = [1], strides = [1]} : vector<16xi32> to vector<1xi32>
    %squeeze3A_490 = vector.extract %slice3A_489[0] : i32 from vector<1xi32>
    %dma_start3A_491 = arith.constant 1 : i32
    %dma_start3A_492 = arith.constant 1 : i32
    %dma_start3A_493 = arith.constant 0 : i32
    %dma_start3A_494 = arith.constant 0 : i32
    %dma_start3A_495 = arith.constant 0 : i32
    %dma_start3A_496 = tpu.memref_slice %arg7[%dma_start3A_491, %dma_start3A_493, %dma_start3A_494, %dma_start3A_495] : memref<3x8x8x512xf32, #tpu.memory_space<vmem>> -> memref<1x8x8x512xf32, #tpu.memory_space<vmem>>
    %dma_start3A_497 = tpu.memref_squeeze %dma_start3A_496 : memref<1x8x8x512xf32, #tpu.memory_space<vmem>> -> memref<8x8x512xf32, #tpu.memory_space<vmem>>
    %dma_start3A_498 = arith.constant 0 : i32
    %dma_start3A_499 = arith.constant 0 : i32
    %dma_start3A_500 = tpu.memref_slice %arg2[%squeeze3A_490, %dma_start3A_498, %dma_start3A_499] : memref<6144x8x512xf32, #tpu.memory_space<hbm>> -> memref<8x8x512xf32, #tpu.memory_space<hbm>>
    %dma_start3A_501 = tpu.memref_slice %arg8[%dma_start3A_492] : memref<3x!tpu.dma_semaphore, #tpu.memory_space<semaphore_mem>> -> memref<1x!tpu.dma_semaphore, #tpu.memory_space<semaphore_mem>>
    %dma_start3A_502 = tpu.memref_squeeze %dma_start3A_501 : memref<1x!tpu.dma_semaphore, #tpu.memory_space<semaphore_mem>> -> memref<!tpu.dma_semaphore, #tpu.memory_space<semaphore_mem>>
    %dma_start3A_503 = arith.constant 0 : i32
    %dma_start3A_504 = arith.constant 0 : i32
    %dma_start3A_505 = arith.constant 0 : i32
    %dma_start3A_506 = tpu.memref_slice %arg7[%dma_start3A_491, %dma_start3A_503, %dma_start3A_504, %dma_start3A_505] : memref<3x8x8x512xf32, #tpu.memory_space<vmem>> -> memref<1x8x8x512xf32, #tpu.memory_space<vmem>>
    %dma_start3A_507 = tpu.memref_squeeze %dma_start3A_506 : memref<1x8x8x512xf32, #tpu.memory_space<vmem>> -> memref<8x8x512xf32, #tpu.memory_space<vmem>>
    %dma_start3A_508 = arith.constant 0 : i32
    %dma_start3A_509 = arith.constant 0 : i32
    %dma_start3A_510 = tpu.memref_slice %arg2[%squeeze3A_490, %dma_start3A_508, %dma_start3A_509] : memref<6144x8x512xf32, #tpu.memory_space<hbm>> -> memref<8x8x512xf32, #tpu.memory_space<hbm>>
    tpu.enqueue_dma source(%dma_start3A_510 : memref<8x8x512xf32, #tpu.memory_space<hbm>>) target(%dma_start3A_507 : memref<8x8x512xf32, #tpu.memory_space<vmem>>) target_semaphore(%dma_start3A_502 : memref<!tpu.dma_semaphore, #tpu.memory_space<semaphore_mem>>)
    %get3A_511 = arith.constant 24 : index
    %get3A_512 = tpu.vector_load %arg6[%get3A_511] {strides = array<i32>} : memref<208xi32, #tpu.memory_space<vmem>>, vector<16xi32>,
    %slice3A_513 = vector.extract_strided_slice %get3A_512 {offsets = [0], sizes = [1], strides = [1]} : vector<16xi32> to vector<1xi32>
    %squeeze3A_514 = vector.extract %slice3A_513[0] : i32 from vector<1xi32>
    %dma_wait3A_515 = arith.constant 0 : i32
    %dma_wait3A_516 = arith.constant 0 : i32
    %dma_wait3A_517 = arith.constant 0 : i32
    %dma_wait3A_518 = arith.constant 0 : i32
    %dma_wait3A_519 = arith.constant 0 : i32
    %dma_wait3A_520 = tpu.memref_slice %arg7[%dma_wait3A_515, %dma_wait3A_517, %dma_wait3A_518, %dma_wait3A_519] : memref<3x8x8x512xf32, #tpu.memory_space<vmem>> -> memref<1x8x8x512xf32, #tpu.memory_space<vmem>>
    %dma_wait3A_521 = tpu.memref_squeeze %dma_wait3A_520 : memref<1x8x8x512xf32, #tpu.memory_space<vmem>> -> memref<8x8x512xf32, #tpu.memory_space<vmem>>
    %dma_wait3A_522 = arith.constant 0 : i32
    %dma_wait3A_523 = arith.constant 0 : i32
    %dma_wait3A_524 = tpu.memref_slice %arg2[%squeeze3A_514, %dma_wait3A_522, %dma_wait3A_523] : memref<6144x8x512xf32, #tpu.memory_space<hbm>> -> memref<8x8x512xf32, #tpu.memory_space<hbm>>
    %dma_wait3A_525 = tpu.memref_slice %arg8[%dma_wait3A_516] : memref<3x!tpu.dma_semaphore, #tpu.memory_space<semaphore_mem>> -> memref<1x!tpu.dma_semaphore, #tpu.memory_space<semaphore_mem>>
    %dma_wait3A_526 = tpu.memref_squeeze %dma_wait3A_525 : memref<1x!tpu.dma_semaphore, #tpu.memory_space<semaphore_mem>> -> memref<!tpu.dma_semaphore, #tpu.memory_space<semaphore_mem>>
    %dma_wait3A_527 = arith.constant 0 : i32
    %dma_wait3A_528 = arith.constant 0 : i32
    %dma_wait3A_529 = arith.constant 0 : i32
    %dma_wait3A_530 = tpu.memref_slice %arg7[%dma_wait3A_515, %dma_wait3A_527, %dma_wait3A_528, %dma_wait3A_529] : memref<3x8x8x512xf32, #tpu.memory_space<vmem>> -> memref<1x8x8x512xf32, #tpu.memory_space<vmem>>
    %dma_wait3A_531 = tpu.memref_squeeze %dma_wait3A_530 : memref<1x8x8x512xf32, #tpu.memory_space<vmem>> -> memref<8x8x512xf32, #tpu.memory_space<vmem>>
    %dma_wait3A_532 = arith.constant 0 : i32
    %dma_wait3A_533 = arith.constant 0 : i32
    %dma_wait3A_534 = tpu.memref_slice %arg2[%squeeze3A_514, %dma_wait3A_532, %dma_wait3A_533] : memref<6144x8x512xf32, #tpu.memory_space<hbm>> -> memref<8x8x512xf32, #tpu.memory_space<hbm>>
    tpu.wait_dma2 semaphore(%dma_wait3A_526 : memref<!tpu.dma_semaphore, #tpu.memory_space<semaphore_mem>>) src(%dma_wait3A_534 : memref<8x8x512xf32, #tpu.memory_space<hbm>>) dst(%dma_wait3A_531 : memref<8x8x512xf32, #tpu.memory_space<vmem>>)
    %add3A_535 = arith.constant 24 : i32
    %add3A_536 = arith.addi %mul3A_2, %add3A_535 : i32
    %dma_start3A_537 = arith.constant 0 : i32
    %dma_start3A_538 = arith.constant 0 : i32
    %dma_start3A_539 = arith.constant 0 : i32
    %dma_start3A_540 = arith.constant 0 : i32
    %dma_start3A_541 = arith.constant 0 : i32
    %dma_start3A_542 = tpu.memref_slice %arg7[%dma_start3A_537, %dma_start3A_539, %dma_start3A_540, %dma_start3A_541] : memref<3x8x8x512xf32, #tpu.memory_space<vmem>> -> memref<1x8x8x512xf32, #tpu.memory_space<vmem>>
    %dma_start3A_543 = tpu.memref_squeeze %dma_start3A_542 : memref<1x8x8x512xf32, #tpu.memory_space<vmem>> -> memref<8x8x512xf32, #tpu.memory_space<vmem>>
    %dma_start3A_544 = arith.constant 0 : i32
    %dma_start3A_545 = arith.constant 0 : i32
    %dma_start3A_546 = tpu.memref_slice %arg4[%add3A_536, %dma_start3A_544, %dma_start3A_545] : memref<6144x8x512xf32, #tpu.memory_space<hbm>> -> memref<8x8x512xf32, #tpu.memory_space<hbm>>
    %dma_start3A_547 = tpu.memref_slice %arg9[%dma_start3A_538] : memref<3x!tpu.dma_semaphore, #tpu.memory_space<semaphore_mem>> -> memref<1x!tpu.dma_semaphore, #tpu.memory_space<semaphore_mem>>
    %dma_start3A_548 = tpu.memref_squeeze %dma_start3A_547 : memref<1x!tpu.dma_semaphore, #tpu.memory_space<semaphore_mem>> -> memref<!tpu.dma_semaphore, #tpu.memory_space<semaphore_mem>>
    %dma_start3A_549 = arith.constant 0 : i32
    %dma_start3A_550 = arith.constant 0 : i32
    %dma_start3A_551 = tpu.memref_slice %arg4[%add3A_536, %dma_start3A_549, %dma_start3A_550] : memref<6144x8x512xf32, #tpu.memory_space<hbm>> -> memref<8x8x512xf32, #tpu.memory_space<hbm>>
    %dma_start3A_552 = arith.constant 0 : i32
    %dma_start3A_553 = arith.constant 0 : i32
    %dma_start3A_554 = arith.constant 0 : i32
    %dma_start3A_555 = tpu.memref_slice %arg7[%dma_start3A_537, %dma_start3A_552, %dma_start3A_553, %dma_start3A_554] : memref<3x8x8x512xf32, #tpu.memory_space<vmem>> -> memref<1x8x8x512xf32, #tpu.memory_space<vmem>>
    %dma_start3A_556 = tpu.memref_squeeze %dma_start3A_555 : memref<1x8x8x512xf32, #tpu.memory_space<vmem>> -> memref<8x8x512xf32, #tpu.memory_space<vmem>>
    tpu.enqueue_dma source(%dma_start3A_556 : memref<8x8x512xf32, #tpu.memory_space<vmem>>) target(%dma_start3A_551 : memref<8x8x512xf32, #tpu.memory_space<hbm>>) target_semaphore(%dma_start3A_548 : memref<!tpu.dma_semaphore, #tpu.memory_space<semaphore_mem>>)
    %add3A_557 = arith.constant 16 : i32
    %add3A_558 = arith.addi %mul3A_2, %add3A_557 : i32
    %dma_wait3A_559 = arith.constant 2 : i32
    %dma_wait3A_560 = arith.constant 2 : i32
    %dma_wait3A_561 = arith.constant 0 : i32
    %dma_wait3A_562 = arith.constant 0 : i32
    %dma_wait3A_563 = arith.constant 0 : i32
    %dma_wait3A_564 = tpu.memref_slice %arg7[%dma_wait3A_559, %dma_wait3A_561, %dma_wait3A_562, %dma_wait3A_563] : memref<3x8x8x512xf32, #tpu.memory_space<vmem>> -> memref<1x8x8x512xf32, #tpu.memory_space<vmem>>
    %dma_wait3A_565 = tpu.memref_squeeze %dma_wait3A_564 : memref<1x8x8x512xf32, #tpu.memory_space<vmem>> -> memref<8x8x512xf32, #tpu.memory_space<vmem>>
    %dma_wait3A_566 = arith.constant 0 : i32
    %dma_wait3A_567 = arith.constant 0 : i32
    %dma_wait3A_568 = tpu.memref_slice %arg4[%add3A_558, %dma_wait3A_566, %dma_wait3A_567] : memref<6144x8x512xf32, #tpu.memory_space<hbm>> -> memref<8x8x512xf32, #tpu.memory_space<hbm>>
    %dma_wait3A_569 = tpu.memref_slice %arg9[%dma_wait3A_560] : memref<3x!tpu.dma_semaphore, #tpu.memory_space<semaphore_mem>> -> memref<1x!tpu.dma_semaphore, #tpu.memory_space<semaphore_mem>>
    %dma_wait3A_570 = tpu.memref_squeeze %dma_wait3A_569 : memref<1x!tpu.dma_semaphore, #tpu.memory_space<semaphore_mem>> -> memref<!tpu.dma_semaphore, #tpu.memory_space<semaphore_mem>>
    %dma_wait3A_571 = arith.constant 0 : i32
    %dma_wait3A_572 = arith.constant 0 : i32
    %dma_wait3A_573 = tpu.memref_slice %arg4[%add3A_558, %dma_wait3A_571, %dma_wait3A_572] : memref<6144x8x512xf32, #tpu.memory_space<hbm>> -> memref<8x8x512xf32, #tpu.memory_space<hbm>>
    %dma_wait3A_574 = arith.constant 0 : i32
    %dma_wait3A_575 = arith.constant 0 : i32
    %dma_wait3A_576 = arith.constant 0 : i32
    %dma_wait3A_577 = tpu.memref_slice %arg7[%dma_wait3A_559, %dma_wait3A_574, %dma_wait3A_575, %dma_wait3A_576] : memref<3x8x8x512xf32, #tpu.memory_space<vmem>> -> memref<1x8x8x512xf32, #tpu.memory_space<vmem>>
    %dma_wait3A_578 = tpu.memref_squeeze %dma_wait3A_577 : memref<1x8x8x512xf32, #tpu.memory_space<vmem>> -> memref<8x8x512xf32, #tpu.memory_space<vmem>>
    tpu.wait_dma2 semaphore(%dma_wait3A_570 : memref<!tpu.dma_semaphore, #tpu.memory_space<semaphore_mem>>) src(%dma_wait3A_578 : memref<8x8x512xf32, #tpu.memory_space<vmem>>) dst(%dma_wait3A_573 : memref<8x8x512xf32, #tpu.memory_space<hbm>>)
    %get3A_579 = arith.constant 40 : index
    %get3A_580 = tpu.vector_load %arg6[%get3A_579] {strides = array<i32>} : memref<208xi32, #tpu.memory_space<vmem>>, vector<16xi32>,
    %slice3A_581 = vector.extract_strided_slice %get3A_580 {offsets = [0], sizes = [1], strides = [1]} : vector<16xi32> to vector<1xi32>
    %squeeze3A_582 = vector.extract %slice3A_581[0] : i32 from vector<1xi32>
    %dma_start3A_583 = arith.constant 2 : i32
    %dma_start3A_584 = arith.constant 2 : i32
    %dma_start3A_585 = arith.constant 0 : i32
    %dma_start3A_586 = arith.constant 0 : i32
    %dma_start3A_587 = arith.constant 0 : i32
    %dma_start3A_588 = tpu.memref_slice %arg7[%dma_start3A_583, %dma_start3A_585, %dma_start3A_586, %dma_start3A_587] : memref<3x8x8x512xf32, #tpu.memory_space<vmem>> -> memref<1x8x8x512xf32, #tpu.memory_space<vmem>>
    %dma_start3A_589 = tpu.memref_squeeze %dma_start3A_588 : memref<1x8x8x512xf32, #tpu.memory_space<vmem>> -> memref<8x8x512xf32, #tpu.memory_space<vmem>>
    %dma_start3A_590 = arith.constant 0 : i32
    %dma_start3A_591 = arith.constant 0 : i32
    %dma_start3A_592 = tpu.memref_slice %arg2[%squeeze3A_582, %dma_start3A_590, %dma_start3A_591] : memref<6144x8x512xf32, #tpu.memory_space<hbm>> -> memref<8x8x512xf32, #tpu.memory_space<hbm>>
    %dma_start3A_593 = tpu.memref_slice %arg8[%dma_start3A_584] : memref<3x!tpu.dma_semaphore, #tpu.memory_space<semaphore_mem>> -> memref<1x!tpu.dma_semaphore, #tpu.memory_space<semaphore_mem>>
    %dma_start3A_594 = tpu.memref_squeeze %dma_start3A_593 : memref<1x!tpu.dma_semaphore, #tpu.memory_space<semaphore_mem>> -> memref<!tpu.dma_semaphore, #tpu.memory_space<semaphore_mem>>
    %dma_start3A_595 = arith.constant 0 : i32
    %dma_start3A_596 = arith.constant 0 : i32
    %dma_start3A_597 = arith.constant 0 : i32
    %dma_start3A_598 = tpu.memref_slice %arg7[%dma_start3A_583, %dma_start3A_595, %dma_start3A_596, %dma_start3A_597] : memref<3x8x8x512xf32, #tpu.memory_space<vmem>> -> memref<1x8x8x512xf32, #tpu.memory_space<vmem>>
    %dma_start3A_599 = tpu.memref_squeeze %dma_start3A_598 : memref<1x8x8x512xf32, #tpu.memory_space<vmem>> -> memref<8x8x512xf32, #tpu.memory_space<vmem>>
    %dma_start3A_600 = arith.constant 0 : i32
    %dma_start3A_601 = arith.constant 0 : i32
    %dma_start3A_602 = tpu.memref_slice %arg2[%squeeze3A_582, %dma_start3A_600, %dma_start3A_601] : memref<6144x8x512xf32, #tpu.memory_space<hbm>> -> memref<8x8x512xf32, #tpu.memory_space<hbm>>
    tpu.enqueue_dma source(%dma_start3A_602 : memref<8x8x512xf32, #tpu.memory_space<hbm>>) target(%dma_start3A_599 : memref<8x8x512xf32, #tpu.memory_space<vmem>>) target_semaphore(%dma_start3A_594 : memref<!tpu.dma_semaphore, #tpu.memory_space<semaphore_mem>>)
    %get3A_603 = arith.constant 32 : index
    %get3A_604 = tpu.vector_load %arg6[%get3A_603] {strides = array<i32>} : memref<208xi32, #tpu.memory_space<vmem>>, vector<16xi32>,
    %slice3A_605 = vector.extract_strided_slice %get3A_604 {offsets = [0], sizes = [1], strides = [1]} : vector<16xi32> to vector<1xi32>
    %squeeze3A_606 = vector.extract %slice3A_605[0] : i32 from vector<1xi32>
    %dma_wait3A_607 = arith.constant 1 : i32
    %dma_wait3A_608 = arith.constant 1 : i32
    %dma_wait3A_609 = arith.constant 0 : i32
    %dma_wait3A_610 = arith.constant 0 : i32
    %dma_wait3A_611 = arith.constant 0 : i32
    %dma_wait3A_612 = tpu.memref_slice %arg7[%dma_wait3A_607, %dma_wait3A_609, %dma_wait3A_610, %dma_wait3A_611] : memref<3x8x8x512xf32, #tpu.memory_space<vmem>> -> memref<1x8x8x512xf32, #tpu.memory_space<vmem>>
    %dma_wait3A_613 = tpu.memref_squeeze %dma_wait3A_612 : memref<1x8x8x512xf32, #tpu.memory_space<vmem>> -> memref<8x8x512xf32, #tpu.memory_space<vmem>>
    %dma_wait3A_614 = arith.constant 0 : i32
    %dma_wait3A_615 = arith.constant 0 : i32
    %dma_wait3A_616 = tpu.memref_slice %arg2[%squeeze3A_606, %dma_wait3A_614, %dma_wait3A_615] : memref<6144x8x512xf32, #tpu.memory_space<hbm>> -> memref<8x8x512xf32, #tpu.memory_space<hbm>>
    %dma_wait3A_617 = tpu.memref_slice %arg8[%dma_wait3A_608] : memref<3x!tpu.dma_semaphore, #tpu.memory_space<semaphore_mem>> -> memref<1x!tpu.dma_semaphore, #tpu.memory_space<semaphore_mem>>
    %dma_wait3A_618 = tpu.memref_squeeze %dma_wait3A_617 : memref<1x!tpu.dma_semaphore, #tpu.memory_space<semaphore_mem>> -> memref<!tpu.dma_semaphore, #tpu.memory_space<semaphore_mem>>
    %dma_wait3A_619 = arith.constant 0 : i32
    %dma_wait3A_620 = arith.constant 0 : i32
    %dma_wait3A_621 = arith.constant 0 : i32
    %dma_wait3A_622 = tpu.memref_slice %arg7[%dma_wait3A_607, %dma_wait3A_619, %dma_wait3A_620, %dma_wait3A_621] : memref<3x8x8x512xf32, #tpu.memory_space<vmem>> -> memref<1x8x8x512xf32, #tpu.memory_space<vmem>>
    %dma_wait3A_623 = tpu.memref_squeeze %dma_wait3A_622 : memref<1x8x8x512xf32, #tpu.memory_space<vmem>> -> memref<8x8x512xf32, #tpu.memory_space<vmem>>
    %dma_wait3A_624 = arith.constant 0 : i32
    %dma_wait3A_625 = arith.constant 0 : i32
    %dma_wait3A_626 = tpu.memref_slice %arg2[%squeeze3A_606, %dma_wait3A_624, %dma_wait3A_625] : memref<6144x8x512xf32, #tpu.memory_space<hbm>> -> memref<8x8x512xf32, #tpu.memory_space<hbm>>
    tpu.wait_dma2 semaphore(%dma_wait3A_618 : memref<!tpu.dma_semaphore, #tpu.memory_space<semaphore_mem>>) src(%dma_wait3A_626 : memref<8x8x512xf32, #tpu.memory_space<hbm>>) dst(%dma_wait3A_623 : memref<8x8x512xf32, #tpu.memory_space<vmem>>)
    %add3A_627 = arith.constant 32 : i32
    %add3A_628 = arith.addi %mul3A_2, %add3A_627 : i32
    %dma_start3A_629 = arith.constant 1 : i32
    %dma_start3A_630 = arith.constant 1 : i32
    %dma_start3A_631 = arith.constant 0 : i32
    %dma_start3A_632 = arith.constant 0 : i32
    %dma_start3A_633 = arith.constant 0 : i32
    %dma_start3A_634 = tpu.memref_slice %arg7[%dma_start3A_629, %dma_start3A_631, %dma_start3A_632, %dma_start3A_633] : memref<3x8x8x512xf32, #tpu.memory_space<vmem>> -> memref<1x8x8x512xf32, #tpu.memory_space<vmem>>
    %dma_start3A_635 = tpu.memref_squeeze %dma_start3A_634 : memref<1x8x8x512xf32, #tpu.memory_space<vmem>> -> memref<8x8x512xf32, #tpu.memory_space<vmem>>
    %dma_start3A_636 = arith.constant 0 : i32
    %dma_start3A_637 = arith.constant 0 : i32
    %dma_start3A_638 = tpu.memref_slice %arg4[%add3A_628, %dma_start3A_636, %dma_start3A_637] : memref<6144x8x512xf32, #tpu.memory_space<hbm>> -> memref<8x8x512xf32, #tpu.memory_space<hbm>>
    %dma_start3A_639 = tpu.memref_slice %arg9[%dma_start3A_630] : memref<3x!tpu.dma_semaphore, #tpu.memory_space<semaphore_mem>> -> memref<1x!tpu.dma_semaphore, #tpu.memory_space<semaphore_mem>>
    %dma_start3A_640 = tpu.memref_squeeze %dma_start3A_639 : memref<1x!tpu.dma_semaphore, #tpu.memory_space<semaphore_mem>> -> memref<!tpu.dma_semaphore, #tpu.memory_space<semaphore_mem>>
    %dma_start3A_641 = arith.constant 0 : i32
    %dma_start3A_642 = arith.constant 0 : i32
    %dma_start3A_643 = tpu.memref_slice %arg4[%add3A_628, %dma_start3A_641, %dma_start3A_642] : memref<6144x8x512xf32, #tpu.memory_space<hbm>> -> memref<8x8x512xf32, #tpu.memory_space<hbm>>
    %dma_start3A_644 = arith.constant 0 : i32
    %dma_start3A_645 = arith.constant 0 : i32
    %dma_start3A_646 = arith.constant 0 : i32
    %dma_start3A_647 = tpu.memref_slice %arg7[%dma_start3A_629, %dma_start3A_644, %dma_start3A_645, %dma_start3A_646] : memref<3x8x8x512xf32, #tpu.memory_space<vmem>> -> memref<1x8x8x512xf32, #tpu.memory_space<vmem>>
    %dma_start3A_648 = tpu.memref_squeeze %dma_start3A_647 : memref<1x8x8x512xf32, #tpu.memory_space<vmem>> -> memref<8x8x512xf32, #tpu.memory_space<vmem>>
    tpu.enqueue_dma source(%dma_start3A_648 : memref<8x8x512xf32, #tpu.memory_space<vmem>>) target(%dma_start3A_643 : memref<8x8x512xf32, #tpu.memory_space<hbm>>) target_semaphore(%dma_start3A_640 : memref<!tpu.dma_semaphore, #tpu.memory_space<semaphore_mem>>)
    %add3A_649 = arith.constant 24 : i32
    %add3A_650 = arith.addi %mul3A_2, %add3A_649 : i32
    %dma_wait3A_651 = arith.constant 0 : i32
    %dma_wait3A_652 = arith.constant 0 : i32
    %dma_wait3A_653 = arith.constant 0 : i32
    %dma_wait3A_654 = arith.constant 0 : i32
    %dma_wait3A_655 = arith.constant 0 : i32
    %dma_wait3A_656 = tpu.memref_slice %arg7[%dma_wait3A_651, %dma_wait3A_653, %dma_wait3A_654, %dma_wait3A_655] : memref<3x8x8x512xf32, #tpu.memory_space<vmem>> -> memref<1x8x8x512xf32, #tpu.memory_space<vmem>>
    %dma_wait3A_657 = tpu.memref_squeeze %dma_wait3A_656 : memref<1x8x8x512xf32, #tpu.memory_space<vmem>> -> memref<8x8x512xf32, #tpu.memory_space<vmem>>
    %dma_wait3A_658 = arith.constant 0 : i32
    %dma_wait3A_659 = arith.constant 0 : i32
    %dma_wait3A_660 = tpu.memref_slice %arg4[%add3A_650, %dma_wait3A_658, %dma_wait3A_659] : memref<6144x8x512xf32, #tpu.memory_space<hbm>> -> memref<8x8x512xf32, #tpu.memory_space<hbm>>
    %dma_wait3A_661 = tpu.memref_slice %arg9[%dma_wait3A_652] : memref<3x!tpu.dma_semaphore, #tpu.memory_space<semaphore_mem>> -> memref<1x!tpu.dma_semaphore, #tpu.memory_space<semaphore_mem>>
    %dma_wait3A_662 = tpu.memref_squeeze %dma_wait3A_661 : memref<1x!tpu.dma_semaphore, #tpu.memory_space<semaphore_mem>> -> memref<!tpu.dma_semaphore, #tpu.memory_space<semaphore_mem>>
    %dma_wait3A_663 = arith.constant 0 : i32
    %dma_wait3A_664 = arith.constant 0 : i32
    %dma_wait3A_665 = tpu.memref_slice %arg4[%add3A_650, %dma_wait3A_663, %dma_wait3A_664] : memref<6144x8x512xf32, #tpu.memory_space<hbm>> -> memref<8x8x512xf32, #tpu.memory_space<hbm>>
    %dma_wait3A_666 = arith.constant 0 : i32
    %dma_wait3A_667 = arith.constant 0 : i32
    %dma_wait3A_668 = arith.constant 0 : i32
    %dma_wait3A_669 = tpu.memref_slice %arg7[%dma_wait3A_651, %dma_wait3A_666, %dma_wait3A_667, %dma_wait3A_668] : memref<3x8x8x512xf32, #tpu.memory_space<vmem>> -> memref<1x8x8x512xf32, #tpu.memory_space<vmem>>
    %dma_wait3A_670 = tpu.memref_squeeze %dma_wait3A_669 : memref<1x8x8x512xf32, #tpu.memory_space<vmem>> -> memref<8x8x512xf32, #tpu.memory_space<vmem>>
    tpu.wait_dma2 semaphore(%dma_wait3A_662 : memref<!tpu.dma_semaphore, #tpu.memory_space<semaphore_mem>>) src(%dma_wait3A_670 : memref<8x8x512xf32, #tpu.memory_space<vmem>>) dst(%dma_wait3A_665 : memref<8x8x512xf32, #tpu.memory_space<hbm>>)
    %get3A_671 = arith.constant 48 : index
    %get3A_672 = tpu.vector_load %arg6[%get3A_671] {strides = array<i32>} : memref<208xi32, #tpu.memory_space<vmem>>, vector<16xi32>,
    %slice3A_673 = vector.extract_strided_slice %get3A_672 {offsets = [0], sizes = [1], strides = [1]} : vector<16xi32> to vector<1xi32>
    %squeeze3A_674 = vector.extract %slice3A_673[0] : i32 from vector<1xi32>
    %dma_start3A_675 = arith.constant 0 : i32
    %dma_start3A_676 = arith.constant 0 : i32
    %dma_start3A_677 = arith.constant 0 : i32
    %dma_start3A_678 = arith.constant 0 : i32
    %dma_start3A_679 = arith.constant 0 : i32
    %dma_start3A_680 = tpu.memref_slice %arg7[%dma_start3A_675, %dma_start3A_677, %dma_start3A_678, %dma_start3A_679] : memref<3x8x8x512xf32, #tpu.memory_space<vmem>> -> memref<1x8x8x512xf32, #tpu.memory_space<vmem>>
    %dma_start3A_681 = tpu.memref_squeeze %dma_start3A_680 : memref<1x8x8x512xf32, #tpu.memory_space<vmem>> -> memref<8x8x512xf32, #tpu.memory_space<vmem>>
    %dma_start3A_682 = arith.constant 0 : i32
    %dma_start3A_683 = arith.constant 0 : i32
    %dma_start3A_684 = tpu.memref_slice %arg2[%squeeze3A_674, %dma_start3A_682, %dma_start3A_683] : memref<6144x8x512xf32, #tpu.memory_space<hbm>> -> memref<8x8x512xf32, #tpu.memory_space<hbm>>
    %dma_start3A_685 = tpu.memref_slice %arg8[%dma_start3A_676] : memref<3x!tpu.dma_semaphore, #tpu.memory_space<semaphore_mem>> -> memref<1x!tpu.dma_semaphore, #tpu.memory_space<semaphore_mem>>
    %dma_start3A_686 = tpu.memref_squeeze %dma_start3A_685 : memref<1x!tpu.dma_semaphore, #tpu.memory_space<semaphore_mem>> -> memref<!tpu.dma_semaphore, #tpu.memory_space<semaphore_mem>>
    %dma_start3A_687 = arith.constant 0 : i32
    %dma_start3A_688 = arith.constant 0 : i32
    %dma_start3A_689 = arith.constant 0 : i32
    %dma_start3A_690 = tpu.memref_slice %arg7[%dma_start3A_675, %dma_start3A_687, %dma_start3A_688, %dma_start3A_689] : memref<3x8x8x512xf32, #tpu.memory_space<vmem>> -> memref<1x8x8x512xf32, #tpu.memory_space<vmem>>
    %dma_start3A_691 = tpu.memref_squeeze %dma_start3A_690 : memref<1x8x8x512xf32, #tpu.memory_space<vmem>> -> memref<8x8x512xf32, #tpu.memory_space<vmem>>
    %dma_start3A_692 = arith.constant 0 : i32
    %dma_start3A_693 = arith.constant 0 : i32
    %dma_start3A_694 = tpu.memref_slice %arg2[%squeeze3A_674, %dma_start3A_692, %dma_start3A_693] : memref<6144x8x512xf32, #tpu.memory_space<hbm>> -> memref<8x8x512xf32, #tpu.memory_space<hbm>>
    tpu.enqueue_dma source(%dma_start3A_694 : memref<8x8x512xf32, #tpu.memory_space<hbm>>) target(%dma_start3A_691 : memref<8x8x512xf32, #tpu.memory_space<vmem>>) target_semaphore(%dma_start3A_686 : memref<!tpu.dma_semaphore, #tpu.memory_space<semaphore_mem>>)
    %get3A_695 = arith.constant 40 : index
    %get3A_696 = tpu.vector_load %arg6[%get3A_695] {strides = array<i32>} : memref<208xi32, #tpu.memory_space<vmem>>, vector<16xi32>,
    %slice3A_697 = vector.extract_strided_slice %get3A_696 {offsets = [0], sizes = [1], strides = [1]} : vector<16xi32> to vector<1xi32>
    %squeeze3A_698 = vector.extract %slice3A_697[0] : i32 from vector<1xi32>
    %dma_wait3A_699 = arith.constant 2 : i32
    %dma_wait3A_700 = arith.constant 2 : i32
    %dma_wait3A_701 = arith.constant 0 : i32
    %dma_wait3A_702 = arith.constant 0 : i32
    %dma_wait3A_703 = arith.constant 0 : i32
    %dma_wait3A_704 = tpu.memref_slice %arg7[%dma_wait3A_699, %dma_wait3A_701, %dma_wait3A_702, %dma_wait3A_703] : memref<3x8x8x512xf32, #tpu.memory_space<vmem>> -> memref<1x8x8x512xf32, #tpu.memory_space<vmem>>
    %dma_wait3A_705 = tpu.memref_squeeze %dma_wait3A_704 : memref<1x8x8x512xf32, #tpu.memory_space<vmem>> -> memref<8x8x512xf32, #tpu.memory_space<vmem>>
    %dma_wait3A_706 = arith.constant 0 : i32
    %dma_wait3A_707 = arith.constant 0 : i32
    %dma_wait3A_708 = tpu.memref_slice %arg2[%squeeze3A_698, %dma_wait3A_706, %dma_wait3A_707] : memref<6144x8x512xf32, #tpu.memory_space<hbm>> -> memref<8x8x512xf32, #tpu.memory_space<hbm>>
    %dma_wait3A_709 = tpu.memref_slice %arg8[%dma_wait3A_700] : memref<3x!tpu.dma_semaphore, #tpu.memory_space<semaphore_mem>> -> memref<1x!tpu.dma_semaphore, #tpu.memory_space<semaphore_mem>>
    %dma_wait3A_710 = tpu.memref_squeeze %dma_wait3A_709 : memref<1x!tpu.dma_semaphore, #tpu.memory_space<semaphore_mem>> -> memref<!tpu.dma_semaphore, #tpu.memory_space<semaphore_mem>>
    %dma_wait3A_711 = arith.constant 0 : i32
    %dma_wait3A_712 = arith.constant 0 : i32
    %dma_wait3A_713 = arith.constant 0 : i32
    %dma_wait3A_714 = tpu.memref_slice %arg7[%dma_wait3A_699, %dma_wait3A_711, %dma_wait3A_712, %dma_wait3A_713] : memref<3x8x8x512xf32, #tpu.memory_space<vmem>> -> memref<1x8x8x512xf32, #tpu.memory_space<vmem>>
    %dma_wait3A_715 = tpu.memref_squeeze %dma_wait3A_714 : memref<1x8x8x512xf32, #tpu.memory_space<vmem>> -> memref<8x8x512xf32, #tpu.memory_space<vmem>>
    %dma_wait3A_716 = arith.constant 0 : i32
    %dma_wait3A_717 = arith.constant 0 : i32
    %dma_wait3A_718 = tpu.memref_slice %arg2[%squeeze3A_698, %dma_wait3A_716, %dma_wait3A_717] : memref<6144x8x512xf32, #tpu.memory_space<hbm>> -> memref<8x8x512xf32, #tpu.memory_space<hbm>>
    tpu.wait_dma2 semaphore(%dma_wait3A_710 : memref<!tpu.dma_semaphore, #tpu.memory_space<semaphore_mem>>) src(%dma_wait3A_718 : memref<8x8x512xf32, #tpu.memory_space<hbm>>) dst(%dma_wait3A_715 : memref<8x8x512xf32, #tpu.memory_space<vmem>>)
    %add3A_719 = arith.constant 40 : i32
    %add3A_720 = arith.addi %mul3A_2, %add3A_719 : i32
    %dma_start3A_721 = arith.constant 2 : i32
    %dma_start3A_722 = arith.constant 2 : i32
    %dma_start3A_723 = arith.constant 0 : i32
    %dma_start3A_724 = arith.constant 0 : i32
    %dma_start3A_725 = arith.constant 0 : i32
    %dma_start3A_726 = tpu.memref_slice %arg7[%dma_start3A_721, %dma_start3A_723, %dma_start3A_724, %dma_start3A_725] : memref<3x8x8x512xf32, #tpu.memory_space<vmem>> -> memref<1x8x8x512xf32, #tpu.memory_space<vmem>>
    %dma_start3A_727 = tpu.memref_squeeze %dma_start3A_726 : memref<1x8x8x512xf32, #tpu.memory_space<vmem>> -> memref<8x8x512xf32, #tpu.memory_space<vmem>>
    %dma_start3A_728 = arith.constant 0 : i32
    %dma_start3A_729 = arith.constant 0 : i32
    %dma_start3A_730 = tpu.memref_slice %arg4[%add3A_720, %dma_start3A_728, %dma_start3A_729] : memref<6144x8x512xf32, #tpu.memory_space<hbm>> -> memref<8x8x512xf32, #tpu.memory_space<hbm>>
    %dma_start3A_731 = tpu.memref_slice %arg9[%dma_start3A_722] : memref<3x!tpu.dma_semaphore, #tpu.memory_space<semaphore_mem>> -> memref<1x!tpu.dma_semaphore, #tpu.memory_space<semaphore_mem>>
    %dma_start3A_732 = tpu.memref_squeeze %dma_start3A_731 : memref<1x!tpu.dma_semaphore, #tpu.memory_space<semaphore_mem>> -> memref<!tpu.dma_semaphore, #tpu.memory_space<semaphore_mem>>
    %dma_start3A_733 = arith.constant 0 : i32
    %dma_start3A_734 = arith.constant 0 : i32
    %dma_start3A_735 = tpu.memref_slice %arg4[%add3A_720, %dma_start3A_733, %dma_start3A_734] : memref<6144x8x512xf32, #tpu.memory_space<hbm>> -> memref<8x8x512xf32, #tpu.memory_space<hbm>>
    %dma_start3A_736 = arith.constant 0 : i32
    %dma_start3A_737 = arith.constant 0 : i32
    %dma_start3A_738 = arith.constant 0 : i32
    %dma_start3A_739 = tpu.memref_slice %arg7[%dma_start3A_721, %dma_start3A_736, %dma_start3A_737, %dma_start3A_738] : memref<3x8x8x512xf32, #tpu.memory_space<vmem>> -> memref<1x8x8x512xf32, #tpu.memory_space<vmem>>
    %dma_start3A_740 = tpu.memref_squeeze %dma_start3A_739 : memref<1x8x8x512xf32, #tpu.memory_space<vmem>> -> memref<8x8x512xf32, #tpu.memory_space<vmem>>
    tpu.enqueue_dma source(%dma_start3A_740 : memref<8x8x512xf32, #tpu.memory_space<vmem>>) target(%dma_start3A_735 : memref<8x8x512xf32, #tpu.memory_space<hbm>>) target_semaphore(%dma_start3A_732 : memref<!tpu.dma_semaphore, #tpu.memory_space<semaphore_mem>>)
    %add3A_741 = arith.constant 32 : i32
    %add3A_742 = arith.addi %mul3A_2, %add3A_741 : i32
    %dma_wait3A_743 = arith.constant 1 : i32
    %dma_wait3A_744 = arith.constant 1 : i32
    %dma_wait3A_745 = arith.constant 0 : i32
    %dma_wait3A_746 = arith.constant 0 : i32
    %dma_wait3A_747 = arith.constant 0 : i32
    %dma_wait3A_748 = tpu.memref_slice %arg7[%dma_wait3A_743, %dma_wait3A_745, %dma_wait3A_746, %dma_wait3A_747] : memref<3x8x8x512xf32, #tpu.memory_space<vmem>> -> memref<1x8x8x512xf32, #tpu.memory_space<vmem>>
    %dma_wait3A_749 = tpu.memref_squeeze %dma_wait3A_748 : memref<1x8x8x512xf32, #tpu.memory_space<vmem>> -> memref<8x8x512xf32, #tpu.memory_space<vmem>>
    %dma_wait3A_750 = arith.constant 0 : i32
    %dma_wait3A_751 = arith.constant 0 : i32
    %dma_wait3A_752 = tpu.memref_slice %arg4[%add3A_742, %dma_wait3A_750, %dma_wait3A_751] : memref<6144x8x512xf32, #tpu.memory_space<hbm>> -> memref<8x8x512xf32, #tpu.memory_space<hbm>>
    %dma_wait3A_753 = tpu.memref_slice %arg9[%dma_wait3A_744] : memref<3x!tpu.dma_semaphore, #tpu.memory_space<semaphore_mem>> -> memref<1x!tpu.dma_semaphore, #tpu.memory_space<semaphore_mem>>
    %dma_wait3A_754 = tpu.memref_squeeze %dma_wait3A_753 : memref<1x!tpu.dma_semaphore, #tpu.memory_space<semaphore_mem>> -> memref<!tpu.dma_semaphore, #tpu.memory_space<semaphore_mem>>
    %dma_wait3A_755 = arith.constant 0 : i32
    %dma_wait3A_756 = arith.constant 0 : i32
    %dma_wait3A_757 = tpu.memref_slice %arg4[%add3A_742, %dma_wait3A_755, %dma_wait3A_756] : memref<6144x8x512xf32, #tpu.memory_space<hbm>> -> memref<8x8x512xf32, #tpu.memory_space<hbm>>
    %dma_wait3A_758 = arith.constant 0 : i32
    %dma_wait3A_759 = arith.constant 0 : i32
    %dma_wait3A_760 = arith.constant 0 : i32
    %dma_wait3A_761 = tpu.memref_slice %arg7[%dma_wait3A_743, %dma_wait3A_758, %dma_wait3A_759, %dma_wait3A_760] : memref<3x8x8x512xf32, #tpu.memory_space<vmem>> -> memref<1x8x8x512xf32, #tpu.memory_space<vmem>>
    %dma_wait3A_762 = tpu.memref_squeeze %dma_wait3A_761 : memref<1x8x8x512xf32, #tpu.memory_space<vmem>> -> memref<8x8x512xf32, #tpu.memory_space<vmem>>
    tpu.wait_dma2 semaphore(%dma_wait3A_754 : memref<!tpu.dma_semaphore, #tpu.memory_space<semaphore_mem>>) src(%dma_wait3A_762 : memref<8x8x512xf32, #tpu.memory_space<vmem>>) dst(%dma_wait3A_757 : memref<8x8x512xf32, #tpu.memory_space<hbm>>)
    %get3A_763 = arith.constant 56 : index
    %get3A_764 = tpu.vector_load %arg6[%get3A_763] {strides = array<i32>} : memref<208xi32, #tpu.memory_space<vmem>>, vector<16xi32>,
    %slice3A_765 = vector.extract_strided_slice %get3A_764 {offsets = [0], sizes = [1], strides = [1]} : vector<16xi32> to vector<1xi32>
    %squeeze3A_766 = vector.extract %slice3A_765[0] : i32 from vector<1xi32>
    %dma_start3A_767 = arith.constant 1 : i32
    %dma_start3A_768 = arith.constant 1 : i32
    %dma_start3A_769 = arith.constant 0 : i32
    %dma_start3A_770 = arith.constant 0 : i32
    %dma_start3A_771 = arith.constant 0 : i32
    %dma_start3A_772 = tpu.memref_slice %arg7[%dma_start3A_767, %dma_start3A_769, %dma_start3A_770, %dma_start3A_771] : memref<3x8x8x512xf32, #tpu.memory_space<vmem>> -> memref<1x8x8x512xf32, #tpu.memory_space<vmem>>
    %dma_start3A_773 = tpu.memref_squeeze %dma_start3A_772 : memref<1x8x8x512xf32, #tpu.memory_space<vmem>> -> memref<8x8x512xf32, #tpu.memory_space<vmem>>
    %dma_start3A_774 = arith.constant 0 : i32
    %dma_start3A_775 = arith.constant 0 : i32
    %dma_start3A_776 = tpu.memref_slice %arg2[%squeeze3A_766, %dma_start3A_774, %dma_start3A_775] : memref<6144x8x512xf32, #tpu.memory_space<hbm>> -> memref<8x8x512xf32, #tpu.memory_space<hbm>>
    %dma_start3A_777 = tpu.memref_slice %arg8[%dma_start3A_768] : memref<3x!tpu.dma_semaphore, #tpu.memory_space<semaphore_mem>> -> memref<1x!tpu.dma_semaphore, #tpu.memory_space<semaphore_mem>>
    %dma_start3A_778 = tpu.memref_squeeze %dma_start3A_777 : memref<1x!tpu.dma_semaphore, #tpu.memory_space<semaphore_mem>> -> memref<!tpu.dma_semaphore, #tpu.memory_space<semaphore_mem>>
    %dma_start3A_779 = arith.constant 0 : i32
    %dma_start3A_780 = arith.constant 0 : i32
    %dma_start3A_781 = arith.constant 0 : i32
    %dma_start3A_782 = tpu.memref_slice %arg7[%dma_start3A_767, %dma_start3A_779, %dma_start3A_780, %dma_start3A_781] : memref<3x8x8x512xf32, #tpu.memory_space<vmem>> -> memref<1x8x8x512xf32, #tpu.memory_space<vmem>>
    %dma_start3A_783 = tpu.memref_squeeze %dma_start3A_782 : memref<1x8x8x512xf32, #tpu.memory_space<vmem>> -> memref<8x8x512xf32, #tpu.memory_space<vmem>>
    %dma_start3A_784 = arith.constant 0 : i32
    %dma_start3A_785 = arith.constant 0 : i32
    %dma_start3A_786 = tpu.memref_slice %arg2[%squeeze3A_766, %dma_start3A_784, %dma_start3A_785] : memref<6144x8x512xf32, #tpu.memory_space<hbm>> -> memref<8x8x512xf32, #tpu.memory_space<hbm>>
    tpu.enqueue_dma source(%dma_start3A_786 : memref<8x8x512xf32, #tpu.memory_space<hbm>>) target(%dma_start3A_783 : memref<8x8x512xf32, #tpu.memory_space<vmem>>) target_semaphore(%dma_start3A_778 : memref<!tpu.dma_semaphore, #tpu.memory_space<semaphore_mem>>)
    %get3A_787 = arith.constant 48 : index
    %get3A_788 = tpu.vector_load %arg6[%get3A_787] {strides = array<i32>} : memref<208xi32, #tpu.memory_space<vmem>>, vector<16xi32>,
    %slice3A_789 = vector.extract_strided_slice %get3A_788 {offsets = [0], sizes = [1], strides = [1]} : vector<16xi32> to vector<1xi32>
    %squeeze3A_790 = vector.extract %slice3A_789[0] : i32 from vector<1xi32>
    %dma_wait3A_791 = arith.constant 0 : i32
    %dma_wait3A_792 = arith.constant 0 : i32
    %dma_wait3A_793 = arith.constant 0 : i32
    %dma_wait3A_794 = arith.constant 0 : i32
    %dma_wait3A_795 = arith.constant 0 : i32
    %dma_wait3A_796 = tpu.memref_slice %arg7[%dma_wait3A_791, %dma_wait3A_793, %dma_wait3A_794, %dma_wait3A_795] : memref<3x8x8x512xf32, #tpu.memory_space<vmem>> -> memref<1x8x8x512xf32, #tpu.memory_space<vmem>>
    %dma_wait3A_797 = tpu.memref_squeeze %dma_wait3A_796 : memref<1x8x8x512xf32, #tpu.memory_space<vmem>> -> memref<8x8x512xf32, #tpu.memory_space<vmem>>
    %dma_wait3A_798 = arith.constant 0 : i32
    %dma_wait3A_799 = arith.constant 0 : i32
    %dma_wait3A_800 = tpu.memref_slice %arg2[%squeeze3A_790, %dma_wait3A_798, %dma_wait3A_799] : memref<6144x8x512xf32, #tpu.memory_space<hbm>> -> memref<8x8x512xf32, #tpu.memory_space<hbm>>
    %dma_wait3A_801 = tpu.memref_slice %arg8[%dma_wait3A_792] : memref<3x!tpu.dma_semaphore, #tpu.memory_space<semaphore_mem>> -> memref<1x!tpu.dma_semaphore, #tpu.memory_space<semaphore_mem>>
    %dma_wait3A_802 = tpu.memref_squeeze %dma_wait3A_801 : memref<1x!tpu.dma_semaphore, #tpu.memory_space<semaphore_mem>> -> memref<!tpu.dma_semaphore, #tpu.memory_space<semaphore_mem>>
    %dma_wait3A_803 = arith.constant 0 : i32
    %dma_wait3A_804 = arith.constant 0 : i32
    %dma_wait3A_805 = arith.constant 0 : i32
    %dma_wait3A_806 = tpu.memref_slice %arg7[%dma_wait3A_791, %dma_wait3A_803, %dma_wait3A_804, %dma_wait3A_805] : memref<3x8x8x512xf32, #tpu.memory_space<vmem>> -> memref<1x8x8x512xf32, #tpu.memory_space<vmem>>
    %dma_wait3A_807 = tpu.memref_squeeze %dma_wait3A_806 : memref<1x8x8x512xf32, #tpu.memory_space<vmem>> -> memref<8x8x512xf32, #tpu.memory_space<vmem>>
    %dma_wait3A_808 = arith.constant 0 : i32
    %dma_wait3A_809 = arith.constant 0 : i32
    %dma_wait3A_810 = tpu.memref_slice %arg2[%squeeze3A_790, %dma_wait3A_808, %dma_wait3A_809] : memref<6144x8x512xf32, #tpu.memory_space<hbm>> -> memref<8x8x512xf32, #tpu.memory_space<hbm>>
    tpu.wait_dma2 semaphore(%dma_wait3A_802 : memref<!tpu.dma_semaphore, #tpu.memory_space<semaphore_mem>>) src(%dma_wait3A_810 : memref<8x8x512xf32, #tpu.memory_space<hbm>>) dst(%dma_wait3A_807 : memref<8x8x512xf32, #tpu.memory_space<vmem>>)
    %add3A_811 = arith.constant 48 : i32
    %add3A_812 = arith.addi %mul3A_2, %add3A_811 : i32
    %dma_start3A_813 = arith.constant 0 : i32
    %dma_start3A_814 = arith.constant 0 : i32
    %dma_start3A_815 = arith.constant 0 : i32
    %dma_start3A_816 = arith.constant 0 : i32
    %dma_start3A_817 = arith.constant 0 : i32
    %dma_start3A_818 = tpu.memref_slice %arg7[%dma_start3A_813, %dma_start3A_815, %dma_start3A_816, %dma_start3A_817] : memref<3x8x8x512xf32, #tpu.memory_space<vmem>> -> memref<1x8x8x512xf32, #tpu.memory_space<vmem>>
    %dma_start3A_819 = tpu.memref_squeeze %dma_start3A_818 : memref<1x8x8x512xf32, #tpu.memory_space<vmem>> -> memref<8x8x512xf32, #tpu.memory_space<vmem>>
    %dma_start3A_820 = arith.constant 0 : i32
    %dma_start3A_821 = arith.constant 0 : i32
    %dma_start3A_822 = tpu.memref_slice %arg4[%add3A_812, %dma_start3A_820, %dma_start3A_821] : memref<6144x8x512xf32, #tpu.memory_space<hbm>> -> memref<8x8x512xf32, #tpu.memory_space<hbm>>
    %dma_start3A_823 = tpu.memref_slice %arg9[%dma_start3A_814] : memref<3x!tpu.dma_semaphore, #tpu.memory_space<semaphore_mem>> -> memref<1x!tpu.dma_semaphore, #tpu.memory_space<semaphore_mem>>
    %dma_start3A_824 = tpu.memref_squeeze %dma_start3A_823 : memref<1x!tpu.dma_semaphore, #tpu.memory_space<semaphore_mem>> -> memref<!tpu.dma_semaphore, #tpu.memory_space<semaphore_mem>>
    %dma_start3A_825 = arith.constant 0 : i32
    %dma_start3A_826 = arith.constant 0 : i32
    %dma_start3A_827 = tpu.memref_slice %arg4[%add3A_812, %dma_start3A_825, %dma_start3A_826] : memref<6144x8x512xf32, #tpu.memory_space<hbm>> -> memref<8x8x512xf32, #tpu.memory_space<hbm>>
    %dma_start3A_828 = arith.constant 0 : i32
    %dma_start3A_829 = arith.constant 0 : i32
    %dma_start3A_830 = arith.constant 0 : i32
    %dma_start3A_831 = tpu.memref_slice %arg7[%dma_start3A_813, %dma_start3A_828, %dma_start3A_829, %dma_start3A_830] : memref<3x8x8x512xf32, #tpu.memory_space<vmem>> -> memref<1x8x8x512xf32, #tpu.memory_space<vmem>>
    %dma_start3A_832 = tpu.memref_squeeze %dma_start3A_831 : memref<1x8x8x512xf32, #tpu.memory_space<vmem>> -> memref<8x8x512xf32, #tpu.memory_space<vmem>>
    tpu.enqueue_dma source(%dma_start3A_832 : memref<8x8x512xf32, #tpu.memory_space<vmem>>) target(%dma_start3A_827 : memref<8x8x512xf32, #tpu.memory_space<hbm>>) target_semaphore(%dma_start3A_824 : memref<!tpu.dma_semaphore, #tpu.memory_space<semaphore_mem>>)
    %add3A_833 = arith.constant 40 : i32
    %add3A_834 = arith.addi %mul3A_2, %add3A_833 : i32
    %dma_wait3A_835 = arith.constant 2 : i32
    %dma_wait3A_836 = arith.constant 2 : i32
    %dma_wait3A_837 = arith.constant 0 : i32
    %dma_wait3A_838 = arith.constant 0 : i32
    %dma_wait3A_839 = arith.constant 0 : i32
    %dma_wait3A_840 = tpu.memref_slice %arg7[%dma_wait3A_835, %dma_wait3A_837, %dma_wait3A_838, %dma_wait3A_839] : memref<3x8x8x512xf32, #tpu.memory_space<vmem>> -> memref<1x8x8x512xf32, #tpu.memory_space<vmem>>
    %dma_wait3A_841 = tpu.memref_squeeze %dma_wait3A_840 : memref<1x8x8x512xf32, #tpu.memory_space<vmem>> -> memref<8x8x512xf32, #tpu.memory_space<vmem>>
    %dma_wait3A_842 = arith.constant 0 : i32
    %dma_wait3A_843 = arith.constant 0 : i32
    %dma_wait3A_844 = tpu.memref_slice %arg4[%add3A_834, %dma_wait3A_842, %dma_wait3A_843] : memref<6144x8x512xf32, #tpu.memory_space<hbm>> -> memref<8x8x512xf32, #tpu.memory_space<hbm>>
    %dma_wait3A_845 = tpu.memref_slice %arg9[%dma_wait3A_836] : memref<3x!tpu.dma_semaphore, #tpu.memory_space<semaphore_mem>> -> memref<1x!tpu.dma_semaphore, #tpu.memory_space<semaphore_mem>>
    %dma_wait3A_846 = tpu.memref_squeeze %dma_wait3A_845 : memref<1x!tpu.dma_semaphore, #tpu.memory_space<semaphore_mem>> -> memref<!tpu.dma_semaphore, #tpu.memory_space<semaphore_mem>>
    %dma_wait3A_847 = arith.constant 0 : i32
    %dma_wait3A_848 = arith.constant 0 : i32
    %dma_wait3A_849 = tpu.memref_slice %arg4[%add3A_834, %dma_wait3A_847, %dma_wait3A_848] : memref<6144x8x512xf32, #tpu.memory_space<hbm>> -> memref<8x8x512xf32, #tpu.memory_space<hbm>>
    %dma_wait3A_850 = arith.constant 0 : i32
    %dma_wait3A_851 = arith.constant 0 : i32
    %dma_wait3A_852 = arith.constant 0 : i32
    %dma_wait3A_853 = tpu.memref_slice %arg7[%dma_wait3A_835, %dma_wait3A_850, %dma_wait3A_851, %dma_wait3A_852] : memref<3x8x8x512xf32, #tpu.memory_space<vmem>> -> memref<1x8x8x512xf32, #tpu.memory_space<vmem>>
    %dma_wait3A_854 = tpu.memref_squeeze %dma_wait3A_853 : memref<1x8x8x512xf32, #tpu.memory_space<vmem>> -> memref<8x8x512xf32, #tpu.memory_space<vmem>>
    tpu.wait_dma2 semaphore(%dma_wait3A_846 : memref<!tpu.dma_semaphore, #tpu.memory_space<semaphore_mem>>) src(%dma_wait3A_854 : memref<8x8x512xf32, #tpu.memory_space<vmem>>) dst(%dma_wait3A_849 : memref<8x8x512xf32, #tpu.memory_space<hbm>>)
    %get3A_855 = arith.constant 64 : index
    %get3A_856 = tpu.vector_load %arg6[%get3A_855] {strides = array<i32>} : memref<208xi32, #tpu.memory_space<vmem>>, vector<16xi32>,
    %slice3A_857 = vector.extract_strided_slice %get3A_856 {offsets = [0], sizes = [1], strides = [1]} : vector<16xi32> to vector<1xi32>
    %squeeze3A_858 = vector.extract %slice3A_857[0] : i32 from vector<1xi32>
    %dma_start3A_859 = arith.constant 2 : i32
    %dma_start3A_860 = arith.constant 2 : i32
    %dma_start3A_861 = arith.constant 0 : i32
    %dma_start3A_862 = arith.constant 0 : i32
    %dma_start3A_863 = arith.constant 0 : i32
    %dma_start3A_864 = tpu.memref_slice %arg7[%dma_start3A_859, %dma_start3A_861, %dma_start3A_862, %dma_start3A_863] : memref<3x8x8x512xf32, #tpu.memory_space<vmem>> -> memref<1x8x8x512xf32, #tpu.memory_space<vmem>>
    %dma_start3A_865 = tpu.memref_squeeze %dma_start3A_864 : memref<1x8x8x512xf32, #tpu.memory_space<vmem>> -> memref<8x8x512xf32, #tpu.memory_space<vmem>>
    %dma_start3A_866 = arith.constant 0 : i32
    %dma_start3A_867 = arith.constant 0 : i32
    %dma_start3A_868 = tpu.memref_slice %arg2[%squeeze3A_858, %dma_start3A_866, %dma_start3A_867] : memref<6144x8x512xf32, #tpu.memory_space<hbm>> -> memref<8x8x512xf32, #tpu.memory_space<hbm>>
    %dma_start3A_869 = tpu.memref_slice %arg8[%dma_start3A_860] : memref<3x!tpu.dma_semaphore, #tpu.memory_space<semaphore_mem>> -> memref<1x!tpu.dma_semaphore, #tpu.memory_space<semaphore_mem>>
    %dma_start3A_870 = tpu.memref_squeeze %dma_start3A_869 : memref<1x!tpu.dma_semaphore, #tpu.memory_space<semaphore_mem>> -> memref<!tpu.dma_semaphore, #tpu.memory_space<semaphore_mem>>
    %dma_start3A_871 = arith.constant 0 : i32
    %dma_start3A_872 = arith.constant 0 : i32
    %dma_start3A_873 = arith.constant 0 : i32
    %dma_start3A_874 = tpu.memref_slice %arg7[%dma_start3A_859, %dma_start3A_871, %dma_start3A_872, %dma_start3A_873] : memref<3x8x8x512xf32, #tpu.memory_space<vmem>> -> memref<1x8x8x512xf32, #tpu.memory_space<vmem>>
    %dma_start3A_875 = tpu.memref_squeeze %dma_start3A_874 : memref<1x8x8x512xf32, #tpu.memory_space<vmem>> -> memref<8x8x512xf32, #tpu.memory_space<vmem>>
    %dma_start3A_876 = arith.constant 0 : i32
    %dma_start3A_877 = arith.constant 0 : i32
    %dma_start3A_878 = tpu.memref_slice %arg2[%squeeze3A_858, %dma_start3A_876, %dma_start3A_877] : memref<6144x8x512xf32, #tpu.memory_space<hbm>> -> memref<8x8x512xf32, #tpu.memory_space<hbm>>
    tpu.enqueue_dma source(%dma_start3A_878 : memref<8x8x512xf32, #tpu.memory_space<hbm>>) target(%dma_start3A_875 : memref<8x8x512xf32, #tpu.memory_space<vmem>>) target_semaphore(%dma_start3A_870 : memref<!tpu.dma_semaphore, #tpu.memory_space<semaphore_mem>>)
    %get3A_879 = arith.constant 56 : index
    %get3A_880 = tpu.vector_load %arg6[%get3A_879] {strides = array<i32>} : memref<208xi32, #tpu.memory_space<vmem>>, vector<16xi32>,
    %slice3A_881 = vector.extract_strided_slice %get3A_880 {offsets = [0], sizes = [1], strides = [1]} : vector<16xi32> to vector<1xi32>
    %squeeze3A_882 = vector.extract %slice3A_881[0] : i32 from vector<1xi32>
    %dma_wait3A_883 = arith.constant 1 : i32
    %dma_wait3A_884 = arith.constant 1 : i32
    %dma_wait3A_885 = arith.constant 0 : i32
    %dma_wait3A_886 = arith.constant 0 : i32
    %dma_wait3A_887 = arith.constant 0 : i32
    %dma_wait3A_888 = tpu.memref_slice %arg7[%dma_wait3A_883, %dma_wait3A_885, %dma_wait3A_886, %dma_wait3A_887] : memref<3x8x8x512xf32, #tpu.memory_space<vmem>> -> memref<1x8x8x512xf32, #tpu.memory_space<vmem>>
    %dma_wait3A_889 = tpu.memref_squeeze %dma_wait3A_888 : memref<1x8x8x512xf32, #tpu.memory_space<vmem>> -> memref<8x8x512xf32, #tpu.memory_space<vmem>>
    %dma_wait3A_890 = arith.constant 0 : i32
    %dma_wait3A_891 = arith.constant 0 : i32
    %dma_wait3A_892 = tpu.memref_slice %arg2[%squeeze3A_882, %dma_wait3A_890, %dma_wait3A_891] : memref<6144x8x512xf32, #tpu.memory_space<hbm>> -> memref<8x8x512xf32, #tpu.memory_space<hbm>>
    %dma_wait3A_893 = tpu.memref_slice %arg8[%dma_wait3A_884] : memref<3x!tpu.dma_semaphore, #tpu.memory_space<semaphore_mem>> -> memref<1x!tpu.dma_semaphore, #tpu.memory_space<semaphore_mem>>
    %dma_wait3A_894 = tpu.memref_squeeze %dma_wait3A_893 : memref<1x!tpu.dma_semaphore, #tpu.memory_space<semaphore_mem>> -> memref<!tpu.dma_semaphore, #tpu.memory_space<semaphore_mem>>
    %dma_wait3A_895 = arith.constant 0 : i32
    %dma_wait3A_896 = arith.constant 0 : i32
    %dma_wait3A_897 = arith.constant 0 : i32
    %dma_wait3A_898 = tpu.memref_slice %arg7[%dma_wait3A_883, %dma_wait3A_895, %dma_wait3A_896, %dma_wait3A_897] : memref<3x8x8x512xf32, #tpu.memory_space<vmem>> -> memref<1x8x8x512xf32, #tpu.memory_space<vmem>>
    %dma_wait3A_899 = tpu.memref_squeeze %dma_wait3A_898 : memref<1x8x8x512xf32, #tpu.memory_space<vmem>> -> memref<8x8x512xf32, #tpu.memory_space<vmem>>
    %dma_wait3A_900 = arith.constant 0 : i32
    %dma_wait3A_901 = arith.constant 0 : i32
    %dma_wait3A_902 = tpu.memref_slice %arg2[%squeeze3A_882, %dma_wait3A_900, %dma_wait3A_901] : memref<6144x8x512xf32, #tpu.memory_space<hbm>> -> memref<8x8x512xf32, #tpu.memory_space<hbm>>
    tpu.wait_dma2 semaphore(%dma_wait3A_894 : memref<!tpu.dma_semaphore, #tpu.memory_space<semaphore_mem>>) src(%dma_wait3A_902 : memref<8x8x512xf32, #tpu.memory_space<hbm>>) dst(%dma_wait3A_899 : memref<8x8x512xf32, #tpu.memory_space<vmem>>)
    %add3A_903 = arith.constant 56 : i32
    %add3A_904 = arith.addi %mul3A_2, %add3A_903 : i32
    %dma_start3A_905 = arith.constant 1 : i32
    %dma_start3A_906 = arith.constant 1 : i32
    %dma_start3A_907 = arith.constant 0 : i32
    %dma_start3A_908 = arith.constant 0 : i32
    %dma_start3A_909 = arith.constant 0 : i32
    %dma_start3A_910 = tpu.memref_slice %arg7[%dma_start3A_905, %dma_start3A_907, %dma_start3A_908, %dma_start3A_909] : memref<3x8x8x512xf32, #tpu.memory_space<vmem>> -> memref<1x8x8x512xf32, #tpu.memory_space<vmem>>
    %dma_start3A_911 = tpu.memref_squeeze %dma_start3A_910 : memref<1x8x8x512xf32, #tpu.memory_space<vmem>> -> memref<8x8x512xf32, #tpu.memory_space<vmem>>
    %dma_start3A_912 = arith.constant 0 : i32
    %dma_start3A_913 = arith.constant 0 : i32
    %dma_start3A_914 = tpu.memref_slice %arg4[%add3A_904, %dma_start3A_912, %dma_start3A_913] : memref<6144x8x512xf32, #tpu.memory_space<hbm>> -> memref<8x8x512xf32, #tpu.memory_space<hbm>>
    %dma_start3A_915 = tpu.memref_slice %arg9[%dma_start3A_906] : memref<3x!tpu.dma_semaphore, #tpu.memory_space<semaphore_mem>> -> memref<1x!tpu.dma_semaphore, #tpu.memory_space<semaphore_mem>>
    %dma_start3A_916 = tpu.memref_squeeze %dma_start3A_915 : memref<1x!tpu.dma_semaphore, #tpu.memory_space<semaphore_mem>> -> memref<!tpu.dma_semaphore, #tpu.memory_space<semaphore_mem>>
    %dma_start3A_917 = arith.constant 0 : i32
    %dma_start3A_918 = arith.constant 0 : i32
    %dma_start3A_919 = tpu.memref_slice %arg4[%add3A_904, %dma_start3A_917, %dma_start3A_918] : memref<6144x8x512xf32, #tpu.memory_space<hbm>> -> memref<8x8x512xf32, #tpu.memory_space<hbm>>
    %dma_start3A_920 = arith.constant 0 : i32
    %dma_start3A_921 = arith.constant 0 : i32
    %dma_start3A_922 = arith.constant 0 : i32
    %dma_start3A_923 = tpu.memref_slice %arg7[%dma_start3A_905, %dma_start3A_920, %dma_start3A_921, %dma_start3A_922] : memref<3x8x8x512xf32, #tpu.memory_space<vmem>> -> memref<1x8x8x512xf32, #tpu.memory_space<vmem>>
    %dma_start3A_924 = tpu.memref_squeeze %dma_start3A_923 : memref<1x8x8x512xf32, #tpu.memory_space<vmem>> -> memref<8x8x512xf32, #tpu.memory_space<vmem>>
    tpu.enqueue_dma source(%dma_start3A_924 : memref<8x8x512xf32, #tpu.memory_space<vmem>>) target(%dma_start3A_919 : memref<8x8x512xf32, #tpu.memory_space<hbm>>) target_semaphore(%dma_start3A_916 : memref<!tpu.dma_semaphore, #tpu.memory_space<semaphore_mem>>)
    %add3A_925 = arith.constant 48 : i32
    %add3A_926 = arith.addi %mul3A_2, %add3A_925 : i32
    %dma_wait3A_927 = arith.constant 0 : i32
    %dma_wait3A_928 = arith.constant 0 : i32
    %dma_wait3A_929 = arith.constant 0 : i32
    %dma_wait3A_930 = arith.constant 0 : i32
    %dma_wait3A_931 = arith.constant 0 : i32
    %dma_wait3A_932 = tpu.memref_slice %arg7[%dma_wait3A_927, %dma_wait3A_929, %dma_wait3A_930, %dma_wait3A_931] : memref<3x8x8x512xf32, #tpu.memory_space<vmem>> -> memref<1x8x8x512xf32, #tpu.memory_space<vmem>>
    %dma_wait3A_933 = tpu.memref_squeeze %dma_wait3A_932 : memref<1x8x8x512xf32, #tpu.memory_space<vmem>> -> memref<8x8x512xf32, #tpu.memory_space<vmem>>
    %dma_wait3A_934 = arith.constant 0 : i32
    %dma_wait3A_935 = arith.constant 0 : i32
    %dma_wait3A_936 = tpu.memref_slice %arg4[%add3A_926, %dma_wait3A_934, %dma_wait3A_935] : memref<6144x8x512xf32, #tpu.memory_space<hbm>> -> memref<8x8x512xf32, #tpu.memory_space<hbm>>
    %dma_wait3A_937 = tpu.memref_slice %arg9[%dma_wait3A_928] : memref<3x!tpu.dma_semaphore, #tpu.memory_space<semaphore_mem>> -> memref<1x!tpu.dma_semaphore, #tpu.memory_space<semaphore_mem>>
    %dma_wait3A_938 = tpu.memref_squeeze %dma_wait3A_937 : memref<1x!tpu.dma_semaphore, #tpu.memory_space<semaphore_mem>> -> memref<!tpu.dma_semaphore, #tpu.memory_space<semaphore_mem>>
    %dma_wait3A_939 = arith.constant 0 : i32
    %dma_wait3A_940 = arith.constant 0 : i32
    %dma_wait3A_941 = tpu.memref_slice %arg4[%add3A_926, %dma_wait3A_939, %dma_wait3A_940] : memref<6144x8x512xf32, #tpu.memory_space<hbm>> -> memref<8x8x512xf32, #tpu.memory_space<hbm>>
    %dma_wait3A_942 = arith.constant 0 : i32
    %dma_wait3A_943 = arith.constant 0 : i32
    %dma_wait3A_944 = arith.constant 0 : i32
    %dma_wait3A_945 = tpu.memref_slice %arg7[%dma_wait3A_927, %dma_wait3A_942, %dma_wait3A_943, %dma_wait3A_944] : memref<3x8x8x512xf32, #tpu.memory_space<vmem>> -> memref<1x8x8x512xf32, #tpu.memory_space<vmem>>
    %dma_wait3A_946 = tpu.memref_squeeze %dma_wait3A_945 : memref<1x8x8x512xf32, #tpu.memory_space<vmem>> -> memref<8x8x512xf32, #tpu.memory_space<vmem>>
    tpu.wait_dma2 semaphore(%dma_wait3A_938 : memref<!tpu.dma_semaphore, #tpu.memory_space<semaphore_mem>>) src(%dma_wait3A_946 : memref<8x8x512xf32, #tpu.memory_space<vmem>>) dst(%dma_wait3A_941 : memref<8x8x512xf32, #tpu.memory_space<hbm>>)
    %get3A_947 = arith.constant 72 : index
    %get3A_948 = tpu.vector_load %arg6[%get3A_947] {strides = array<i32>} : memref<208xi32, #tpu.memory_space<vmem>>, vector<16xi32>,
    %slice3A_949 = vector.extract_strided_slice %get3A_948 {offsets = [0], sizes = [1], strides = [1]} : vector<16xi32> to vector<1xi32>
    %squeeze3A_950 = vector.extract %slice3A_949[0] : i32 from vector<1xi32>
    %dma_start3A_951 = arith.constant 0 : i32
    %dma_start3A_952 = arith.constant 0 : i32
    %dma_start3A_953 = arith.constant 0 : i32
    %dma_start3A_954 = arith.constant 0 : i32
    %dma_start3A_955 = arith.constant 0 : i32
    %dma_start3A_956 = tpu.memref_slice %arg7[%dma_start3A_951, %dma_start3A_953, %dma_start3A_954, %dma_start3A_955] : memref<3x8x8x512xf32, #tpu.memory_space<vmem>> -> memref<1x8x8x512xf32, #tpu.memory_space<vmem>>
    %dma_start3A_957 = tpu.memref_squeeze %dma_start3A_956 : memref<1x8x8x512xf32, #tpu.memory_space<vmem>> -> memref<8x8x512xf32, #tpu.memory_space<vmem>>
    %dma_start3A_958 = arith.constant 0 : i32
    %dma_start3A_959 = arith.constant 0 : i32
    %dma_start3A_960 = tpu.memref_slice %arg2[%squeeze3A_950, %dma_start3A_958, %dma_start3A_959] : memref<6144x8x512xf32, #tpu.memory_space<hbm>> -> memref<8x8x512xf32, #tpu.memory_space<hbm>>
    %dma_start3A_961 = tpu.memref_slice %arg8[%dma_start3A_952] : memref<3x!tpu.dma_semaphore, #tpu.memory_space<semaphore_mem>> -> memref<1x!tpu.dma_semaphore, #tpu.memory_space<semaphore_mem>>
    %dma_start3A_962 = tpu.memref_squeeze %dma_start3A_961 : memref<1x!tpu.dma_semaphore, #tpu.memory_space<semaphore_mem>> -> memref<!tpu.dma_semaphore, #tpu.memory_space<semaphore_mem>>
    %dma_start3A_963 = arith.constant 0 : i32
    %dma_start3A_964 = arith.constant 0 : i32
    %dma_start3A_965 = arith.constant 0 : i32
    %dma_start3A_966 = tpu.memref_slice %arg7[%dma_start3A_951, %dma_start3A_963, %dma_start3A_964, %dma_start3A_965] : memref<3x8x8x512xf32, #tpu.memory_space<vmem>> -> memref<1x8x8x512xf32, #tpu.memory_space<vmem>>
    %dma_start3A_967 = tpu.memref_squeeze %dma_start3A_966 : memref<1x8x8x512xf32, #tpu.memory_space<vmem>> -> memref<8x8x512xf32, #tpu.memory_space<vmem>>
    %dma_start3A_968 = arith.constant 0 : i32
    %dma_start3A_969 = arith.constant 0 : i32
    %dma_start3A_970 = tpu.memref_slice %arg2[%squeeze3A_950, %dma_start3A_968, %dma_start3A_969] : memref<6144x8x512xf32, #tpu.memory_space<hbm>> -> memref<8x8x512xf32, #tpu.memory_space<hbm>>
    tpu.enqueue_dma source(%dma_start3A_970 : memref<8x8x512xf32, #tpu.memory_space<hbm>>) target(%dma_start3A_967 : memref<8x8x512xf32, #tpu.memory_space<vmem>>) target_semaphore(%dma_start3A_962 : memref<!tpu.dma_semaphore, #tpu.memory_space<semaphore_mem>>)
    %get3A_971 = arith.constant 64 : index
    %get3A_972 = tpu.vector_load %arg6[%get3A_971] {strides = array<i32>} : memref<208xi32, #tpu.memory_space<vmem>>, vector<16xi32>,
    %slice3A_973 = vector.extract_strided_slice %get3A_972 {offsets = [0], sizes = [1], strides = [1]} : vector<16xi32> to vector<1xi32>
    %squeeze3A_974 = vector.extract %slice3A_973[0] : i32 from vector<1xi32>
    %dma_wait3A_975 = arith.constant 2 : i32
    %dma_wait3A_976 = arith.constant 2 : i32
    %dma_wait3A_977 = arith.constant 0 : i32
    %dma_wait3A_978 = arith.constant 0 : i32
    %dma_wait3A_979 = arith.constant 0 : i32
    %dma_wait3A_980 = tpu.memref_slice %arg7[%dma_wait3A_975, %dma_wait3A_977, %dma_wait3A_978, %dma_wait3A_979] : memref<3x8x8x512xf32, #tpu.memory_space<vmem>> -> memref<1x8x8x512xf32, #tpu.memory_space<vmem>>
    %dma_wait3A_981 = tpu.memref_squeeze %dma_wait3A_980 : memref<1x8x8x512xf32, #tpu.memory_space<vmem>> -> memref<8x8x512xf32, #tpu.memory_space<vmem>>
    %dma_wait3A_982 = arith.constant 0 : i32
    %dma_wait3A_983 = arith.constant 0 : i32
    %dma_wait3A_984 = tpu.memref_slice %arg2[%squeeze3A_974, %dma_wait3A_982, %dma_wait3A_983] : memref<6144x8x512xf32, #tpu.memory_space<hbm>> -> memref<8x8x512xf32, #tpu.memory_space<hbm>>
    %dma_wait3A_985 = tpu.memref_slice %arg8[%dma_wait3A_976] : memref<3x!tpu.dma_semaphore, #tpu.memory_space<semaphore_mem>> -> memref<1x!tpu.dma_semaphore, #tpu.memory_space<semaphore_mem>>
    %dma_wait3A_986 = tpu.memref_squeeze %dma_wait3A_985 : memref<1x!tpu.dma_semaphore, #tpu.memory_space<semaphore_mem>> -> memref<!tpu.dma_semaphore, #tpu.memory_space<semaphore_mem>>
    %dma_wait3A_987 = arith.constant 0 : i32
    %dma_wait3A_988 = arith.constant 0 : i32
    %dma_wait3A_989 = arith.constant 0 : i32
    %dma_wait3A_990 = tpu.memref_slice %arg7[%dma_wait3A_975, %dma_wait3A_987, %dma_wait3A_988, %dma_wait3A_989] : memref<3x8x8x512xf32, #tpu.memory_space<vmem>> -> memref<1x8x8x512xf32, #tpu.memory_space<vmem>>
    %dma_wait3A_991 = tpu.memref_squeeze %dma_wait3A_990 : memref<1x8x8x512xf32, #tpu.memory_space<vmem>> -> memref<8x8x512xf32, #tpu.memory_space<vmem>>
    %dma_wait3A_992 = arith.constant 0 : i32
    %dma_wait3A_993 = arith.constant 0 : i32
    %dma_wait3A_994 = tpu.memref_slice %arg2[%squeeze3A_974, %dma_wait3A_992, %dma_wait3A_993] : memref<6144x8x512xf32, #tpu.memory_space<hbm>> -> memref<8x8x512xf32, #tpu.memory_space<hbm>>
    tpu.wait_dma2 semaphore(%dma_wait3A_986 : memref<!tpu.dma_semaphore, #tpu.memory_space<semaphore_mem>>) src(%dma_wait3A_994 : memref<8x8x512xf32, #tpu.memory_space<hbm>>) dst(%dma_wait3A_991 : memref<8x8x512xf32, #tpu.memory_space<vmem>>)
    %add3A_995 = arith.constant 64 : i32
    %add3A_996 = arith.addi %mul3A_2, %add3A_995 : i32
    %dma_start3A_997 = arith.constant 2 : i32
    %dma_start3A_998 = arith.constant 2 : i32
    %dma_start3A_999 = arith.constant 0 : i32
    %dma_start3A_1000 = arith.constant 0 : i32
    %dma_start3A_1001 = arith.constant 0 : i32
    %dma_start3A_1002 = tpu.memref_slice %arg7[%dma_start3A_997, %dma_start3A_999, %dma_start3A_1000, %dma_start3A_1001] : memref<3x8x8x512xf32, #tpu.memory_space<vmem>> -> memref<1x8x8x512xf32, #tpu.memory_space<vmem>>
    %dma_start3A_1003 = tpu.memref_squeeze %dma_start3A_1002 : memref<1x8x8x512xf32, #tpu.memory_space<vmem>> -> memref<8x8x512xf32, #tpu.memory_space<vmem>>
    %dma_start3A_1004 = arith.constant 0 : i32
    %dma_start3A_1005 = arith.constant 0 : i32
    %dma_start3A_1006 = tpu.memref_slice %arg4[%add3A_996, %dma_start3A_1004, %dma_start3A_1005] : memref<6144x8x512xf32, #tpu.memory_space<hbm>> -> memref<8x8x512xf32, #tpu.memory_space<hbm>>
    %dma_start3A_1007 = tpu.memref_slice %arg9[%dma_start3A_998] : memref<3x!tpu.dma_semaphore, #tpu.memory_space<semaphore_mem>> -> memref<1x!tpu.dma_semaphore, #tpu.memory_space<semaphore_mem>>
    %dma_start3A_1008 = tpu.memref_squeeze %dma_start3A_1007 : memref<1x!tpu.dma_semaphore, #tpu.memory_space<semaphore_mem>> -> memref<!tpu.dma_semaphore, #tpu.memory_space<semaphore_mem>>
    %dma_start3A_1009 = arith.constant 0 : i32
    %dma_start3A_1010 = arith.constant 0 : i32
    %dma_start3A_1011 = tpu.memref_slice %arg4[%add3A_996, %dma_start3A_1009, %dma_start3A_1010] : memref<6144x8x512xf32, #tpu.memory_space<hbm>> -> memref<8x8x512xf32, #tpu.memory_space<hbm>>
    %dma_start3A_1012 = arith.constant 0 : i32
    %dma_start3A_1013 = arith.constant 0 : i32
    %dma_start3A_1014 = arith.constant 0 : i32
    %dma_start3A_1015 = tpu.memref_slice %arg7[%dma_start3A_997, %dma_start3A_1012, %dma_start3A_1013, %dma_start3A_1014] : memref<3x8x8x512xf32, #tpu.memory_space<vmem>> -> memref<1x8x8x512xf32, #tpu.memory_space<vmem>>
    %dma_start3A_1016 = tpu.memref_squeeze %dma_start3A_1015 : memref<1x8x8x512xf32, #tpu.memory_space<vmem>> -> memref<8x8x512xf32, #tpu.memory_space<vmem>>
    tpu.enqueue_dma source(%dma_start3A_1016 : memref<8x8x512xf32, #tpu.memory_space<vmem>>) target(%dma_start3A_1011 : memref<8x8x512xf32, #tpu.memory_space<hbm>>) target_semaphore(%dma_start3A_1008 : memref<!tpu.dma_semaphore, #tpu.memory_space<semaphore_mem>>)
    %add3A_1017 = arith.constant 56 : i32
    %add3A_1018 = arith.addi %mul3A_2, %add3A_1017 : i32
    %dma_wait3A_1019 = arith.constant 1 : i32
    %dma_wait3A_1020 = arith.constant 1 : i32
    %dma_wait3A_1021 = arith.constant 0 : i32
    %dma_wait3A_1022 = arith.constant 0 : i32
    %dma_wait3A_1023 = arith.constant 0 : i32
    %dma_wait3A_1024 = tpu.memref_slice %arg7[%dma_wait3A_1019, %dma_wait3A_1021, %dma_wait3A_1022, %dma_wait3A_1023] : memref<3x8x8x512xf32, #tpu.memory_space<vmem>> -> memref<1x8x8x512xf32, #tpu.memory_space<vmem>>
    %dma_wait3A_1025 = tpu.memref_squeeze %dma_wait3A_1024 : memref<1x8x8x512xf32, #tpu.memory_space<vmem>> -> memref<8x8x512xf32, #tpu.memory_space<vmem>>
    %dma_wait3A_1026 = arith.constant 0 : i32
    %dma_wait3A_1027 = arith.constant 0 : i32
    %dma_wait3A_1028 = tpu.memref_slice %arg4[%add3A_1018, %dma_wait3A_1026, %dma_wait3A_1027] : memref<6144x8x512xf32, #tpu.memory_space<hbm>> -> memref<8x8x512xf32, #tpu.memory_space<hbm>>
    %dma_wait3A_1029 = tpu.memref_slice %arg9[%dma_wait3A_1020] : memref<3x!tpu.dma_semaphore, #tpu.memory_space<semaphore_mem>> -> memref<1x!tpu.dma_semaphore, #tpu.memory_space<semaphore_mem>>
    %dma_wait3A_1030 = tpu.memref_squeeze %dma_wait3A_1029 : memref<1x!tpu.dma_semaphore, #tpu.memory_space<semaphore_mem>> -> memref<!tpu.dma_semaphore, #tpu.memory_space<semaphore_mem>>
    %dma_wait3A_1031 = arith.constant 0 : i32
    %dma_wait3A_1032 = arith.constant 0 : i32
    %dma_wait3A_1033 = tpu.memref_slice %arg4[%add3A_1018, %dma_wait3A_1031, %dma_wait3A_1032] : memref<6144x8x512xf32, #tpu.memory_space<hbm>> -> memref<8x8x512xf32, #tpu.memory_space<hbm>>
    %dma_wait3A_1034 = arith.constant 0 : i32
    %dma_wait3A_1035 = arith.constant 0 : i32
    %dma_wait3A_1036 = arith.constant 0 : i32
    %dma_wait3A_1037 = tpu.memref_slice %arg7[%dma_wait3A_1019, %dma_wait3A_1034, %dma_wait3A_1035, %dma_wait3A_1036] : memref<3x8x8x512xf32, #tpu.memory_space<vmem>> -> memref<1x8x8x512xf32, #tpu.memory_space<vmem>>
    %dma_wait3A_1038 = tpu.memref_squeeze %dma_wait3A_1037 : memref<1x8x8x512xf32, #tpu.memory_space<vmem>> -> memref<8x8x512xf32, #tpu.memory_space<vmem>>
    tpu.wait_dma2 semaphore(%dma_wait3A_1030 : memref<!tpu.dma_semaphore, #tpu.memory_space<semaphore_mem>>) src(%dma_wait3A_1038 : memref<8x8x512xf32, #tpu.memory_space<vmem>>) dst(%dma_wait3A_1033 : memref<8x8x512xf32, #tpu.memory_space<hbm>>)
    %get3A_1039 = arith.constant 80 : index
    %get3A_1040 = tpu.vector_load %arg6[%get3A_1039] {strides = array<i32>} : memref<208xi32, #tpu.memory_space<vmem>>, vector<16xi32>,
    %slice3A_1041 = vector.extract_strided_slice %get3A_1040 {offsets = [0], sizes = [1], strides = [1]} : vector<16xi32> to vector<1xi32>
    %squeeze3A_1042 = vector.extract %slice3A_1041[0] : i32 from vector<1xi32>
    %dma_start3A_1043 = arith.constant 1 : i32
    %dma_start3A_1044 = arith.constant 1 : i32
    %dma_start3A_1045 = arith.constant 0 : i32
    %dma_start3A_1046 = arith.constant 0 : i32
    %dma_start3A_1047 = arith.constant 0 : i32
    %dma_start3A_1048 = tpu.memref_slice %arg7[%dma_start3A_1043, %dma_start3A_1045, %dma_start3A_1046, %dma_start3A_1047] : memref<3x8x8x512xf32, #tpu.memory_space<vmem>> -> memref<1x8x8x512xf32, #tpu.memory_space<vmem>>
    %dma_start3A_1049 = tpu.memref_squeeze %dma_start3A_1048 : memref<1x8x8x512xf32, #tpu.memory_space<vmem>> -> memref<8x8x512xf32, #tpu.memory_space<vmem>>
    %dma_start3A_1050 = arith.constant 0 : i32
    %dma_start3A_1051 = arith.constant 0 : i32
    %dma_start3A_1052 = tpu.memref_slice %arg2[%squeeze3A_1042, %dma_start3A_1050, %dma_start3A_1051] : memref<6144x8x512xf32, #tpu.memory_space<hbm>> -> memref<8x8x512xf32, #tpu.memory_space<hbm>>
    %dma_start3A_1053 = tpu.memref_slice %arg8[%dma_start3A_1044] : memref<3x!tpu.dma_semaphore, #tpu.memory_space<semaphore_mem>> -> memref<1x!tpu.dma_semaphore, #tpu.memory_space<semaphore_mem>>
    %dma_start3A_1054 = tpu.memref_squeeze %dma_start3A_1053 : memref<1x!tpu.dma_semaphore, #tpu.memory_space<semaphore_mem>> -> memref<!tpu.dma_semaphore, #tpu.memory_space<semaphore_mem>>
    %dma_start3A_1055 = arith.constant 0 : i32
    %dma_start3A_1056 = arith.constant 0 : i32
    %dma_start3A_1057 = arith.constant 0 : i32
    %dma_start3A_1058 = tpu.memref_slice %arg7[%dma_start3A_1043, %dma_start3A_1055, %dma_start3A_1056, %dma_start3A_1057] : memref<3x8x8x512xf32, #tpu.memory_space<vmem>> -> memref<1x8x8x512xf32, #tpu.memory_space<vmem>>
    %dma_start3A_1059 = tpu.memref_squeeze %dma_start3A_1058 : memref<1x8x8x512xf32, #tpu.memory_space<vmem>> -> memref<8x8x512xf32, #tpu.memory_space<vmem>>
    %dma_start3A_1060 = arith.constant 0 : i32
    %dma_start3A_1061 = arith.constant 0 : i32
    %dma_start3A_1062 = tpu.memref_slice %arg2[%squeeze3A_1042, %dma_start3A_1060, %dma_start3A_1061] : memref<6144x8x512xf32, #tpu.memory_space<hbm>> -> memref<8x8x512xf32, #tpu.memory_space<hbm>>
    tpu.enqueue_dma source(%dma_start3A_1062 : memref<8x8x512xf32, #tpu.memory_space<hbm>>) target(%dma_start3A_1059 : memref<8x8x512xf32, #tpu.memory_space<vmem>>) target_semaphore(%dma_start3A_1054 : memref<!tpu.dma_semaphore, #tpu.memory_space<semaphore_mem>>)
    %get3A_1063 = arith.constant 72 : index
    %get3A_1064 = tpu.vector_load %arg6[%get3A_1063] {strides = array<i32>} : memref<208xi32, #tpu.memory_space<vmem>>, vector<16xi32>,
    %slice3A_1065 = vector.extract_strided_slice %get3A_1064 {offsets = [0], sizes = [1], strides = [1]} : vector<16xi32> to vector<1xi32>
    %squeeze3A_1066 = vector.extract %slice3A_1065[0] : i32 from vector<1xi32>
    %dma_wait3A_1067 = arith.constant 0 : i32
    %dma_wait3A_1068 = arith.constant 0 : i32
    %dma_wait3A_1069 = arith.constant 0 : i32
    %dma_wait3A_1070 = arith.constant 0 : i32
    %dma_wait3A_1071 = arith.constant 0 : i32
    %dma_wait3A_1072 = tpu.memref_slice %arg7[%dma_wait3A_1067, %dma_wait3A_1069, %dma_wait3A_1070, %dma_wait3A_1071] : memref<3x8x8x512xf32, #tpu.memory_space<vmem>> -> memref<1x8x8x512xf32, #tpu.memory_space<vmem>>
    %dma_wait3A_1073 = tpu.memref_squeeze %dma_wait3A_1072 : memref<1x8x8x512xf32, #tpu.memory_space<vmem>> -> memref<8x8x512xf32, #tpu.memory_space<vmem>>
    %dma_wait3A_1074 = arith.constant 0 : i32
    %dma_wait3A_1075 = arith.constant 0 : i32
    %dma_wait3A_1076 = tpu.memref_slice %arg2[%squeeze3A_1066, %dma_wait3A_1074, %dma_wait3A_1075] : memref<6144x8x512xf32, #tpu.memory_space<hbm>> -> memref<8x8x512xf32, #tpu.memory_space<hbm>>
    %dma_wait3A_1077 = tpu.memref_slice %arg8[%dma_wait3A_1068] : memref<3x!tpu.dma_semaphore, #tpu.memory_space<semaphore_mem>> -> memref<1x!tpu.dma_semaphore, #tpu.memory_space<semaphore_mem>>
    %dma_wait3A_1078 = tpu.memref_squeeze %dma_wait3A_1077 : memref<1x!tpu.dma_semaphore, #tpu.memory_space<semaphore_mem>> -> memref<!tpu.dma_semaphore, #tpu.memory_space<semaphore_mem>>
    %dma_wait3A_1079 = arith.constant 0 : i32
    %dma_wait3A_1080 = arith.constant 0 : i32
    %dma_wait3A_1081 = arith.constant 0 : i32
    %dma_wait3A_1082 = tpu.memref_slice %arg7[%dma_wait3A_1067, %dma_wait3A_1079, %dma_wait3A_1080, %dma_wait3A_1081] : memref<3x8x8x512xf32, #tpu.memory_space<vmem>> -> memref<1x8x8x512xf32, #tpu.memory_space<vmem>>
    %dma_wait3A_1083 = tpu.memref_squeeze %dma_wait3A_1082 : memref<1x8x8x512xf32, #tpu.memory_space<vmem>> -> memref<8x8x512xf32, #tpu.memory_space<vmem>>
    %dma_wait3A_1084 = arith.constant 0 : i32
    %dma_wait3A_1085 = arith.constant 0 : i32
    %dma_wait3A_1086 = tpu.memref_slice %arg2[%squeeze3A_1066, %dma_wait3A_1084, %dma_wait3A_1085] : memref<6144x8x512xf32, #tpu.memory_space<hbm>> -> memref<8x8x512xf32, #tpu.memory_space<hbm>>
    tpu.wait_dma2 semaphore(%dma_wait3A_1078 : memref<!tpu.dma_semaphore, #tpu.memory_space<semaphore_mem>>) src(%dma_wait3A_1086 : memref<8x8x512xf32, #tpu.memory_space<hbm>>) dst(%dma_wait3A_1083 : memref<8x8x512xf32, #tpu.memory_space<vmem>>)
    %add3A_1087 = arith.constant 72 : i32
    %add3A_1088 = arith.addi %mul3A_2, %add3A_1087 : i32
    %dma_start3A_1089 = arith.constant 0 : i32
    %dma_start3A_1090 = arith.constant 0 : i32
    %dma_start3A_1091 = arith.constant 0 : i32
    %dma_start3A_1092 = arith.constant 0 : i32
    %dma_start3A_1093 = arith.constant 0 : i32
    %dma_start3A_1094 = tpu.memref_slice %arg7[%dma_start3A_1089, %dma_start3A_1091, %dma_start3A_1092, %dma_start3A_1093] : memref<3x8x8x512xf32, #tpu.memory_space<vmem>> -> memref<1x8x8x512xf32, #tpu.memory_space<vmem>>
    %dma_start3A_1095 = tpu.memref_squeeze %dma_start3A_1094 : memref<1x8x8x512xf32, #tpu.memory_space<vmem>> -> memref<8x8x512xf32, #tpu.memory_space<vmem>>
    %dma_start3A_1096 = arith.constant 0 : i32
    %dma_start3A_1097 = arith.constant 0 : i32
    %dma_start3A_1098 = tpu.memref_slice %arg4[%add3A_1088, %dma_start3A_1096, %dma_start3A_1097] : memref<6144x8x512xf32, #tpu.memory_space<hbm>> -> memref<8x8x512xf32, #tpu.memory_space<hbm>>
    %dma_start3A_1099 = tpu.memref_slice %arg9[%dma_start3A_1090] : memref<3x!tpu.dma_semaphore, #tpu.memory_space<semaphore_mem>> -> memref<1x!tpu.dma_semaphore, #tpu.memory_space<semaphore_mem>>
    %dma_start3A_1100 = tpu.memref_squeeze %dma_start3A_1099 : memref<1x!tpu.dma_semaphore, #tpu.memory_space<semaphore_mem>> -> memref<!tpu.dma_semaphore, #tpu.memory_space<semaphore_mem>>
    %dma_start3A_1101 = arith.constant 0 : i32
    %dma_start3A_1102 = arith.constant 0 : i32
    %dma_start3A_1103 = tpu.memref_slice %arg4[%add3A_1088, %dma_start3A_1101, %dma_start3A_1102] : memref<6144x8x512xf32, #tpu.memory_space<hbm>> -> memref<8x8x512xf32, #tpu.memory_space<hbm>>
    %dma_start3A_1104 = arith.constant 0 : i32
    %dma_start3A_1105 = arith.constant 0 : i32
    %dma_start3A_1106 = arith.constant 0 : i32
    %dma_start3A_1107 = tpu.memref_slice %arg7[%dma_start3A_1089, %dma_start3A_1104, %dma_start3A_1105, %dma_start3A_1106] : memref<3x8x8x512xf32, #tpu.memory_space<vmem>> -> memref<1x8x8x512xf32, #tpu.memory_space<vmem>>
    %dma_start3A_1108 = tpu.memref_squeeze %dma_start3A_1107 : memref<1x8x8x512xf32, #tpu.memory_space<vmem>> -> memref<8x8x512xf32, #tpu.memory_space<vmem>>
    tpu.enqueue_dma source(%dma_start3A_1108 : memref<8x8x512xf32, #tpu.memory_space<vmem>>) target(%dma_start3A_1103 : memref<8x8x512xf32, #tpu.memory_space<hbm>>) target_semaphore(%dma_start3A_1100 : memref<!tpu.dma_semaphore, #tpu.memory_space<semaphore_mem>>)
    %add3A_1109 = arith.constant 64 : i32
    %add3A_1110 = arith.addi %mul3A_2, %add3A_1109 : i32
    %dma_wait3A_1111 = arith.constant 2 : i32
    %dma_wait3A_1112 = arith.constant 2 : i32
    %dma_wait3A_1113 = arith.constant 0 : i32
    %dma_wait3A_1114 = arith.constant 0 : i32
    %dma_wait3A_1115 = arith.constant 0 : i32
    %dma_wait3A_1116 = tpu.memref_slice %arg7[%dma_wait3A_1111, %dma_wait3A_1113, %dma_wait3A_1114, %dma_wait3A_1115] : memref<3x8x8x512xf32, #tpu.memory_space<vmem>> -> memref<1x8x8x512xf32, #tpu.memory_space<vmem>>
    %dma_wait3A_1117 = tpu.memref_squeeze %dma_wait3A_1116 : memref<1x8x8x512xf32, #tpu.memory_space<vmem>> -> memref<8x8x512xf32, #tpu.memory_space<vmem>>
    %dma_wait3A_1118 = arith.constant 0 : i32
    %dma_wait3A_1119 = arith.constant 0 : i32
    %dma_wait3A_1120 = tpu.memref_slice %arg4[%add3A_1110, %dma_wait3A_1118, %dma_wait3A_1119] : memref<6144x8x512xf32, #tpu.memory_space<hbm>> -> memref<8x8x512xf32, #tpu.memory_space<hbm>>
    %dma_wait3A_1121 = tpu.memref_slice %arg9[%dma_wait3A_1112] : memref<3x!tpu.dma_semaphore, #tpu.memory_space<semaphore_mem>> -> memref<1x!tpu.dma_semaphore, #tpu.memory_space<semaphore_mem>>
    %dma_wait3A_1122 = tpu.memref_squeeze %dma_wait3A_1121 : memref<1x!tpu.dma_semaphore, #tpu.memory_space<semaphore_mem>> -> memref<!tpu.dma_semaphore, #tpu.memory_space<semaphore_mem>>
    %dma_wait3A_1123 = arith.constant 0 : i32
    %dma_wait3A_1124 = arith.constant 0 : i32
    %dma_wait3A_1125 = tpu.memref_slice %arg4[%add3A_1110, %dma_wait3A_1123, %dma_wait3A_1124] : memref<6144x8x512xf32, #tpu.memory_space<hbm>> -> memref<8x8x512xf32, #tpu.memory_space<hbm>>
    %dma_wait3A_1126 = arith.constant 0 : i32
    %dma_wait3A_1127 = arith.constant 0 : i32
    %dma_wait3A_1128 = arith.constant 0 : i32
    %dma_wait3A_1129 = tpu.memref_slice %arg7[%dma_wait3A_1111, %dma_wait3A_1126, %dma_wait3A_1127, %dma_wait3A_1128] : memref<3x8x8x512xf32, #tpu.memory_space<vmem>> -> memref<1x8x8x512xf32, #tpu.memory_space<vmem>>
    %dma_wait3A_1130 = tpu.memref_squeeze %dma_wait3A_1129 : memref<1x8x8x512xf32, #tpu.memory_space<vmem>> -> memref<8x8x512xf32, #tpu.memory_space<vmem>>
    tpu.wait_dma2 semaphore(%dma_wait3A_1122 : memref<!tpu.dma_semaphore, #tpu.memory_space<semaphore_mem>>) src(%dma_wait3A_1130 : memref<8x8x512xf32, #tpu.memory_space<vmem>>) dst(%dma_wait3A_1125 : memref<8x8x512xf32, #tpu.memory_space<hbm>>)
    %get3A_1131 = arith.constant 88 : index
    %get3A_1132 = tpu.vector_load %arg6[%get3A_1131] {strides = array<i32>} : memref<208xi32, #tpu.memory_space<vmem>>, vector<16xi32>,
    %slice3A_1133 = vector.extract_strided_slice %get3A_1132 {offsets = [0], sizes = [1], strides = [1]} : vector<16xi32> to vector<1xi32>
    %squeeze3A_1134 = vector.extract %slice3A_1133[0] : i32 from vector<1xi32>
    %dma_start3A_1135 = arith.constant 2 : i32
    %dma_start3A_1136 = arith.constant 2 : i32
    %dma_start3A_1137 = arith.constant 0 : i32
    %dma_start3A_1138 = arith.constant 0 : i32
    %dma_start3A_1139 = arith.constant 0 : i32
    %dma_start3A_1140 = tpu.memref_slice %arg7[%dma_start3A_1135, %dma_start3A_1137, %dma_start3A_1138, %dma_start3A_1139] : memref<3x8x8x512xf32, #tpu.memory_space<vmem>> -> memref<1x8x8x512xf32, #tpu.memory_space<vmem>>
    %dma_start3A_1141 = tpu.memref_squeeze %dma_start3A_1140 : memref<1x8x8x512xf32, #tpu.memory_space<vmem>> -> memref<8x8x512xf32, #tpu.memory_space<vmem>>
    %dma_start3A_1142 = arith.constant 0 : i32
    %dma_start3A_1143 = arith.constant 0 : i32
    %dma_start3A_1144 = tpu.memref_slice %arg2[%squeeze3A_1134, %dma_start3A_1142, %dma_start3A_1143] : memref<6144x8x512xf32, #tpu.memory_space<hbm>> -> memref<8x8x512xf32, #tpu.memory_space<hbm>>
    %dma_start3A_1145 = tpu.memref_slice %arg8[%dma_start3A_1136] : memref<3x!tpu.dma_semaphore, #tpu.memory_space<semaphore_mem>> -> memref<1x!tpu.dma_semaphore, #tpu.memory_space<semaphore_mem>>
    %dma_start3A_1146 = tpu.memref_squeeze %dma_start3A_1145 : memref<1x!tpu.dma_semaphore, #tpu.memory_space<semaphore_mem>> -> memref<!tpu.dma_semaphore, #tpu.memory_space<semaphore_mem>>
    %dma_start3A_1147 = arith.constant 0 : i32
    %dma_start3A_1148 = arith.constant 0 : i32
    %dma_start3A_1149 = arith.constant 0 : i32
    %dma_start3A_1150 = tpu.memref_slice %arg7[%dma_start3A_1135, %dma_start3A_1147, %dma_start3A_1148, %dma_start3A_1149] : memref<3x8x8x512xf32, #tpu.memory_space<vmem>> -> memref<1x8x8x512xf32, #tpu.memory_space<vmem>>
    %dma_start3A_1151 = tpu.memref_squeeze %dma_start3A_1150 : memref<1x8x8x512xf32, #tpu.memory_space<vmem>> -> memref<8x8x512xf32, #tpu.memory_space<vmem>>
    %dma_start3A_1152 = arith.constant 0 : i32
    %dma_start3A_1153 = arith.constant 0 : i32
    %dma_start3A_1154 = tpu.memref_slice %arg2[%squeeze3A_1134, %dma_start3A_1152, %dma_start3A_1153] : memref<6144x8x512xf32, #tpu.memory_space<hbm>> -> memref<8x8x512xf32, #tpu.memory_space<hbm>>
    tpu.enqueue_dma source(%dma_start3A_1154 : memref<8x8x512xf32, #tpu.memory_space<hbm>>) target(%dma_start3A_1151 : memref<8x8x512xf32, #tpu.memory_space<vmem>>) target_semaphore(%dma_start3A_1146 : memref<!tpu.dma_semaphore, #tpu.memory_space<semaphore_mem>>)
    %get3A_1155 = arith.constant 80 : index
    %get3A_1156 = tpu.vector_load %arg6[%get3A_1155] {strides = array<i32>} : memref<208xi32, #tpu.memory_space<vmem>>, vector<16xi32>,
    %slice3A_1157 = vector.extract_strided_slice %get3A_1156 {offsets = [0], sizes = [1], strides = [1]} : vector<16xi32> to vector<1xi32>
    %squeeze3A_1158 = vector.extract %slice3A_1157[0] : i32 from vector<1xi32>
    %dma_wait3A_1159 = arith.constant 1 : i32
    %dma_wait3A_1160 = arith.constant 1 : i32
    %dma_wait3A_1161 = arith.constant 0 : i32
    %dma_wait3A_1162 = arith.constant 0 : i32
    %dma_wait3A_1163 = arith.constant 0 : i32
    %dma_wait3A_1164 = tpu.memref_slice %arg7[%dma_wait3A_1159, %dma_wait3A_1161, %dma_wait3A_1162, %dma_wait3A_1163] : memref<3x8x8x512xf32, #tpu.memory_space<vmem>> -> memref<1x8x8x512xf32, #tpu.memory_space<vmem>>
    %dma_wait3A_1165 = tpu.memref_squeeze %dma_wait3A_1164 : memref<1x8x8x512xf32, #tpu.memory_space<vmem>> -> memref<8x8x512xf32, #tpu.memory_space<vmem>>
    %dma_wait3A_1166 = arith.constant 0 : i32
    %dma_wait3A_1167 = arith.constant 0 : i32
    %dma_wait3A_1168 = tpu.memref_slice %arg2[%squeeze3A_1158, %dma_wait3A_1166, %dma_wait3A_1167] : memref<6144x8x512xf32, #tpu.memory_space<hbm>> -> memref<8x8x512xf32, #tpu.memory_space<hbm>>
    %dma_wait3A_1169 = tpu.memref_slice %arg8[%dma_wait3A_1160] : memref<3x!tpu.dma_semaphore, #tpu.memory_space<semaphore_mem>> -> memref<1x!tpu.dma_semaphore, #tpu.memory_space<semaphore_mem>>
    %dma_wait3A_1170 = tpu.memref_squeeze %dma_wait3A_1169 : memref<1x!tpu.dma_semaphore, #tpu.memory_space<semaphore_mem>> -> memref<!tpu.dma_semaphore, #tpu.memory_space<semaphore_mem>>
    %dma_wait3A_1171 = arith.constant 0 : i32
    %dma_wait3A_1172 = arith.constant 0 : i32
    %dma_wait3A_1173 = arith.constant 0 : i32
    %dma_wait3A_1174 = tpu.memref_slice %arg7[%dma_wait3A_1159, %dma_wait3A_1171, %dma_wait3A_1172, %dma_wait3A_1173] : memref<3x8x8x512xf32, #tpu.memory_space<vmem>> -> memref<1x8x8x512xf32, #tpu.memory_space<vmem>>
    %dma_wait3A_1175 = tpu.memref_squeeze %dma_wait3A_1174 : memref<1x8x8x512xf32, #tpu.memory_space<vmem>> -> memref<8x8x512xf32, #tpu.memory_space<vmem>>
    %dma_wait3A_1176 = arith.constant 0 : i32
    %dma_wait3A_1177 = arith.constant 0 : i32
    %dma_wait3A_1178 = tpu.memref_slice %arg2[%squeeze3A_1158, %dma_wait3A_1176, %dma_wait3A_1177] : memref<6144x8x512xf32, #tpu.memory_space<hbm>> -> memref<8x8x512xf32, #tpu.memory_space<hbm>>
    tpu.wait_dma2 semaphore(%dma_wait3A_1170 : memref<!tpu.dma_semaphore, #tpu.memory_space<semaphore_mem>>) src(%dma_wait3A_1178 : memref<8x8x512xf32, #tpu.memory_space<hbm>>) dst(%dma_wait3A_1175 : memref<8x8x512xf32, #tpu.memory_space<vmem>>)
    %add3A_1179 = arith.constant 80 : i32
    %add3A_1180 = arith.addi %mul3A_2, %add3A_1179 : i32
    %dma_start3A_1181 = arith.constant 1 : i32
    %dma_start3A_1182 = arith.constant 1 : i32
    %dma_start3A_1183 = arith.constant 0 : i32
    %dma_start3A_1184 = arith.constant 0 : i32
    %dma_start3A_1185 = arith.constant 0 : i32
    %dma_start3A_1186 = tpu.memref_slice %arg7[%dma_start3A_1181, %dma_start3A_1183, %dma_start3A_1184, %dma_start3A_1185] : memref<3x8x8x512xf32, #tpu.memory_space<vmem>> -> memref<1x8x8x512xf32, #tpu.memory_space<vmem>>
    %dma_start3A_1187 = tpu.memref_squeeze %dma_start3A_1186 : memref<1x8x8x512xf32, #tpu.memory_space<vmem>> -> memref<8x8x512xf32, #tpu.memory_space<vmem>>
    %dma_start3A_1188 = arith.constant 0 : i32
    %dma_start3A_1189 = arith.constant 0 : i32
    %dma_start3A_1190 = tpu.memref_slice %arg4[%add3A_1180, %dma_start3A_1188, %dma_start3A_1189] : memref<6144x8x512xf32, #tpu.memory_space<hbm>> -> memref<8x8x512xf32, #tpu.memory_space<hbm>>
    %dma_start3A_1191 = tpu.memref_slice %arg9[%dma_start3A_1182] : memref<3x!tpu.dma_semaphore, #tpu.memory_space<semaphore_mem>> -> memref<1x!tpu.dma_semaphore, #tpu.memory_space<semaphore_mem>>
    %dma_start3A_1192 = tpu.memref_squeeze %dma_start3A_1191 : memref<1x!tpu.dma_semaphore, #tpu.memory_space<semaphore_mem>> -> memref<!tpu.dma_semaphore, #tpu.memory_space<semaphore_mem>>
    %dma_start3A_1193 = arith.constant 0 : i32
    %dma_start3A_1194 = arith.constant 0 : i32
    %dma_start3A_1195 = tpu.memref_slice %arg4[%add3A_1180, %dma_start3A_1193, %dma_start3A_1194] : memref<6144x8x512xf32, #tpu.memory_space<hbm>> -> memref<8x8x512xf32, #tpu.memory_space<hbm>>
    %dma_start3A_1196 = arith.constant 0 : i32
    %dma_start3A_1197 = arith.constant 0 : i32
    %dma_start3A_1198 = arith.constant 0 : i32
    %dma_start3A_1199 = tpu.memref_slice %arg7[%dma_start3A_1181, %dma_start3A_1196, %dma_start3A_1197, %dma_start3A_1198] : memref<3x8x8x512xf32, #tpu.memory_space<vmem>> -> memref<1x8x8x512xf32, #tpu.memory_space<vmem>>
    %dma_start3A_1200 = tpu.memref_squeeze %dma_start3A_1199 : memref<1x8x8x512xf32, #tpu.memory_space<vmem>> -> memref<8x8x512xf32, #tpu.memory_space<vmem>>
    tpu.enqueue_dma source(%dma_start3A_1200 : memref<8x8x512xf32, #tpu.memory_space<vmem>>) target(%dma_start3A_1195 : memref<8x8x512xf32, #tpu.memory_space<hbm>>) target_semaphore(%dma_start3A_1192 : memref<!tpu.dma_semaphore, #tpu.memory_space<semaphore_mem>>)
    %add3A_1201 = arith.constant 72 : i32
    %add3A_1202 = arith.addi %mul3A_2, %add3A_1201 : i32
    %dma_wait3A_1203 = arith.constant 0 : i32
    %dma_wait3A_1204 = arith.constant 0 : i32
    %dma_wait3A_1205 = arith.constant 0 : i32
    %dma_wait3A_1206 = arith.constant 0 : i32
    %dma_wait3A_1207 = arith.constant 0 : i32
    %dma_wait3A_1208 = tpu.memref_slice %arg7[%dma_wait3A_1203, %dma_wait3A_1205, %dma_wait3A_1206, %dma_wait3A_1207] : memref<3x8x8x512xf32, #tpu.memory_space<vmem>> -> memref<1x8x8x512xf32, #tpu.memory_space<vmem>>
    %dma_wait3A_1209 = tpu.memref_squeeze %dma_wait3A_1208 : memref<1x8x8x512xf32, #tpu.memory_space<vmem>> -> memref<8x8x512xf32, #tpu.memory_space<vmem>>
    %dma_wait3A_1210 = arith.constant 0 : i32
    %dma_wait3A_1211 = arith.constant 0 : i32
    %dma_wait3A_1212 = tpu.memref_slice %arg4[%add3A_1202, %dma_wait3A_1210, %dma_wait3A_1211] : memref<6144x8x512xf32, #tpu.memory_space<hbm>> -> memref<8x8x512xf32, #tpu.memory_space<hbm>>
    %dma_wait3A_1213 = tpu.memref_slice %arg9[%dma_wait3A_1204] : memref<3x!tpu.dma_semaphore, #tpu.memory_space<semaphore_mem>> -> memref<1x!tpu.dma_semaphore, #tpu.memory_space<semaphore_mem>>
    %dma_wait3A_1214 = tpu.memref_squeeze %dma_wait3A_1213 : memref<1x!tpu.dma_semaphore, #tpu.memory_space<semaphore_mem>> -> memref<!tpu.dma_semaphore, #tpu.memory_space<semaphore_mem>>
    %dma_wait3A_1215 = arith.constant 0 : i32
    %dma_wait3A_1216 = arith.constant 0 : i32
    %dma_wait3A_1217 = tpu.memref_slice %arg4[%add3A_1202, %dma_wait3A_1215, %dma_wait3A_1216] : memref<6144x8x512xf32, #tpu.memory_space<hbm>> -> memref<8x8x512xf32, #tpu.memory_space<hbm>>
    %dma_wait3A_1218 = arith.constant 0 : i32
    %dma_wait3A_1219 = arith.constant 0 : i32
    %dma_wait3A_1220 = arith.constant 0 : i32
    %dma_wait3A_1221 = tpu.memref_slice %arg7[%dma_wait3A_1203, %dma_wait3A_1218, %dma_wait3A_1219, %dma_wait3A_1220] : memref<3x8x8x512xf32, #tpu.memory_space<vmem>> -> memref<1x8x8x512xf32, #tpu.memory_space<vmem>>
    %dma_wait3A_1222 = tpu.memref_squeeze %dma_wait3A_1221 : memref<1x8x8x512xf32, #tpu.memory_space<vmem>> -> memref<8x8x512xf32, #tpu.memory_space<vmem>>
    tpu.wait_dma2 semaphore(%dma_wait3A_1214 : memref<!tpu.dma_semaphore, #tpu.memory_space<semaphore_mem>>) src(%dma_wait3A_1222 : memref<8x8x512xf32, #tpu.memory_space<vmem>>) dst(%dma_wait3A_1217 : memref<8x8x512xf32, #tpu.memory_space<hbm>>)
    %get3A_1223 = arith.constant 96 : index
    %get3A_1224 = tpu.vector_load %arg6[%get3A_1223] {strides = array<i32>} : memref<208xi32, #tpu.memory_space<vmem>>, vector<16xi32>,
    %slice3A_1225 = vector.extract_strided_slice %get3A_1224 {offsets = [0], sizes = [1], strides = [1]} : vector<16xi32> to vector<1xi32>
    %squeeze3A_1226 = vector.extract %slice3A_1225[0] : i32 from vector<1xi32>
    %dma_start3A_1227 = arith.constant 0 : i32
    %dma_start3A_1228 = arith.constant 0 : i32
    %dma_start3A_1229 = arith.constant 0 : i32
    %dma_start3A_1230 = arith.constant 0 : i32
    %dma_start3A_1231 = arith.constant 0 : i32
    %dma_start3A_1232 = tpu.memref_slice %arg7[%dma_start3A_1227, %dma_start3A_1229, %dma_start3A_1230, %dma_start3A_1231] : memref<3x8x8x512xf32, #tpu.memory_space<vmem>> -> memref<1x8x8x512xf32, #tpu.memory_space<vmem>>
    %dma_start3A_1233 = tpu.memref_squeeze %dma_start3A_1232 : memref<1x8x8x512xf32, #tpu.memory_space<vmem>> -> memref<8x8x512xf32, #tpu.memory_space<vmem>>
    %dma_start3A_1234 = arith.constant 0 : i32
    %dma_start3A_1235 = arith.constant 0 : i32
    %dma_start3A_1236 = tpu.memref_slice %arg2[%squeeze3A_1226, %dma_start3A_1234, %dma_start3A_1235] : memref<6144x8x512xf32, #tpu.memory_space<hbm>> -> memref<8x8x512xf32, #tpu.memory_space<hbm>>
    %dma_start3A_1237 = tpu.memref_slice %arg8[%dma_start3A_1228] : memref<3x!tpu.dma_semaphore, #tpu.memory_space<semaphore_mem>> -> memref<1x!tpu.dma_semaphore, #tpu.memory_space<semaphore_mem>>
    %dma_start3A_1238 = tpu.memref_squeeze %dma_start3A_1237 : memref<1x!tpu.dma_semaphore, #tpu.memory_space<semaphore_mem>> -> memref<!tpu.dma_semaphore, #tpu.memory_space<semaphore_mem>>
    %dma_start3A_1239 = arith.constant 0 : i32
    %dma_start3A_1240 = arith.constant 0 : i32
    %dma_start3A_1241 = arith.constant 0 : i32
    %dma_start3A_1242 = tpu.memref_slice %arg7[%dma_start3A_1227, %dma_start3A_1239, %dma_start3A_1240, %dma_start3A_1241] : memref<3x8x8x512xf32, #tpu.memory_space<vmem>> -> memref<1x8x8x512xf32, #tpu.memory_space<vmem>>
    %dma_start3A_1243 = tpu.memref_squeeze %dma_start3A_1242 : memref<1x8x8x512xf32, #tpu.memory_space<vmem>> -> memref<8x8x512xf32, #tpu.memory_space<vmem>>
    %dma_start3A_1244 = arith.constant 0 : i32
    %dma_start3A_1245 = arith.constant 0 : i32
    %dma_start3A_1246 = tpu.memref_slice %arg2[%squeeze3A_1226, %dma_start3A_1244, %dma_start3A_1245] : memref<6144x8x512xf32, #tpu.memory_space<hbm>> -> memref<8x8x512xf32, #tpu.memory_space<hbm>>
    tpu.enqueue_dma source(%dma_start3A_1246 : memref<8x8x512xf32, #tpu.memory_space<hbm>>) target(%dma_start3A_1243 : memref<8x8x512xf32, #tpu.memory_space<vmem>>) target_semaphore(%dma_start3A_1238 : memref<!tpu.dma_semaphore, #tpu.memory_space<semaphore_mem>>)
    %get3A_1247 = arith.constant 88 : index
    %get3A_1248 = tpu.vector_load %arg6[%get3A_1247] {strides = array<i32>} : memref<208xi32, #tpu.memory_space<vmem>>, vector<16xi32>,
    %slice3A_1249 = vector.extract_strided_slice %get3A_1248 {offsets = [0], sizes = [1], strides = [1]} : vector<16xi32> to vector<1xi32>
    %squeeze3A_1250 = vector.extract %slice3A_1249[0] : i32 from vector<1xi32>
    %dma_wait3A_1251 = arith.constant 2 : i32
    %dma_wait3A_1252 = arith.constant 2 : i32
    %dma_wait3A_1253 = arith.constant 0 : i32
    %dma_wait3A_1254 = arith.constant 0 : i32
    %dma_wait3A_1255 = arith.constant 0 : i32
    %dma_wait3A_1256 = tpu.memref_slice %arg7[%dma_wait3A_1251, %dma_wait3A_1253, %dma_wait3A_1254, %dma_wait3A_1255] : memref<3x8x8x512xf32, #tpu.memory_space<vmem>> -> memref<1x8x8x512xf32, #tpu.memory_space<vmem>>
    %dma_wait3A_1257 = tpu.memref_squeeze %dma_wait3A_1256 : memref<1x8x8x512xf32, #tpu.memory_space<vmem>> -> memref<8x8x512xf32, #tpu.memory_space<vmem>>
    %dma_wait3A_1258 = arith.constant 0 : i32
    %dma_wait3A_1259 = arith.constant 0 : i32
    %dma_wait3A_1260 = tpu.memref_slice %arg2[%squeeze3A_1250, %dma_wait3A_1258, %dma_wait3A_1259] : memref<6144x8x512xf32, #tpu.memory_space<hbm>> -> memref<8x8x512xf32, #tpu.memory_space<hbm>>
    %dma_wait3A_1261 = tpu.memref_slice %arg8[%dma_wait3A_1252] : memref<3x!tpu.dma_semaphore, #tpu.memory_space<semaphore_mem>> -> memref<1x!tpu.dma_semaphore, #tpu.memory_space<semaphore_mem>>
    %dma_wait3A_1262 = tpu.memref_squeeze %dma_wait3A_1261 : memref<1x!tpu.dma_semaphore, #tpu.memory_space<semaphore_mem>> -> memref<!tpu.dma_semaphore, #tpu.memory_space<semaphore_mem>>
    %dma_wait3A_1263 = arith.constant 0 : i32
    %dma_wait3A_1264 = arith.constant 0 : i32
    %dma_wait3A_1265 = arith.constant 0 : i32
    %dma_wait3A_1266 = tpu.memref_slice %arg7[%dma_wait3A_1251, %dma_wait3A_1263, %dma_wait3A_1264, %dma_wait3A_1265] : memref<3x8x8x512xf32, #tpu.memory_space<vmem>> -> memref<1x8x8x512xf32, #tpu.memory_space<vmem>>
    %dma_wait3A_1267 = tpu.memref_squeeze %dma_wait3A_1266 : memref<1x8x8x512xf32, #tpu.memory_space<vmem>> -> memref<8x8x512xf32, #tpu.memory_space<vmem>>
    %dma_wait3A_1268 = arith.constant 0 : i32
    %dma_wait3A_1269 = arith.constant 0 : i32
    %dma_wait3A_1270 = tpu.memref_slice %arg2[%squeeze3A_1250, %dma_wait3A_1268, %dma_wait3A_1269] : memref<6144x8x512xf32, #tpu.memory_space<hbm>> -> memref<8x8x512xf32, #tpu.memory_space<hbm>>
    tpu.wait_dma2 semaphore(%dma_wait3A_1262 : memref<!tpu.dma_semaphore, #tpu.memory_space<semaphore_mem>>) src(%dma_wait3A_1270 : memref<8x8x512xf32, #tpu.memory_space<hbm>>) dst(%dma_wait3A_1267 : memref<8x8x512xf32, #tpu.memory_space<vmem>>)
    %add3A_1271 = arith.constant 88 : i32
    %add3A_1272 = arith.addi %mul3A_2, %add3A_1271 : i32
    %dma_start3A_1273 = arith.constant 2 : i32
    %dma_start3A_1274 = arith.constant 2 : i32
    %dma_start3A_1275 = arith.constant 0 : i32
    %dma_start3A_1276 = arith.constant 0 : i32
    %dma_start3A_1277 = arith.constant 0 : i32
    %dma_start3A_1278 = tpu.memref_slice %arg7[%dma_start3A_1273, %dma_start3A_1275, %dma_start3A_1276, %dma_start3A_1277] : memref<3x8x8x512xf32, #tpu.memory_space<vmem>> -> memref<1x8x8x512xf32, #tpu.memory_space<vmem>>
    %dma_start3A_1279 = tpu.memref_squeeze %dma_start3A_1278 : memref<1x8x8x512xf32, #tpu.memory_space<vmem>> -> memref<8x8x512xf32, #tpu.memory_space<vmem>>
    %dma_start3A_1280 = arith.constant 0 : i32
    %dma_start3A_1281 = arith.constant 0 : i32
    %dma_start3A_1282 = tpu.memref_slice %arg4[%add3A_1272, %dma_start3A_1280, %dma_start3A_1281] : memref<6144x8x512xf32, #tpu.memory_space<hbm>> -> memref<8x8x512xf32, #tpu.memory_space<hbm>>
    %dma_start3A_1283 = tpu.memref_slice %arg9[%dma_start3A_1274] : memref<3x!tpu.dma_semaphore, #tpu.memory_space<semaphore_mem>> -> memref<1x!tpu.dma_semaphore, #tpu.memory_space<semaphore_mem>>
    %dma_start3A_1284 = tpu.memref_squeeze %dma_start3A_1283 : memref<1x!tpu.dma_semaphore, #tpu.memory_space<semaphore_mem>> -> memref<!tpu.dma_semaphore, #tpu.memory_space<semaphore_mem>>
    %dma_start3A_1285 = arith.constant 0 : i32
    %dma_start3A_1286 = arith.constant 0 : i32
    %dma_start3A_1287 = tpu.memref_slice %arg4[%add3A_1272, %dma_start3A_1285, %dma_start3A_1286] : memref<6144x8x512xf32, #tpu.memory_space<hbm>> -> memref<8x8x512xf32, #tpu.memory_space<hbm>>
    %dma_start3A_1288 = arith.constant 0 : i32
    %dma_start3A_1289 = arith.constant 0 : i32
    %dma_start3A_1290 = arith.constant 0 : i32
    %dma_start3A_1291 = tpu.memref_slice %arg7[%dma_start3A_1273, %dma_start3A_1288, %dma_start3A_1289, %dma_start3A_1290] : memref<3x8x8x512xf32, #tpu.memory_space<vmem>> -> memref<1x8x8x512xf32, #tpu.memory_space<vmem>>
    %dma_start3A_1292 = tpu.memref_squeeze %dma_start3A_1291 : memref<1x8x8x512xf32, #tpu.memory_space<vmem>> -> memref<8x8x512xf32, #tpu.memory_space<vmem>>
    tpu.enqueue_dma source(%dma_start3A_1292 : memref<8x8x512xf32, #tpu.memory_space<vmem>>) target(%dma_start3A_1287 : memref<8x8x512xf32, #tpu.memory_space<hbm>>) target_semaphore(%dma_start3A_1284 : memref<!tpu.dma_semaphore, #tpu.memory_space<semaphore_mem>>)
    %add3A_1293 = arith.constant 80 : i32
    %add3A_1294 = arith.addi %mul3A_2, %add3A_1293 : i32
    %dma_wait3A_1295 = arith.constant 1 : i32
    %dma_wait3A_1296 = arith.constant 1 : i32
    %dma_wait3A_1297 = arith.constant 0 : i32
    %dma_wait3A_1298 = arith.constant 0 : i32
    %dma_wait3A_1299 = arith.constant 0 : i32
    %dma_wait3A_1300 = tpu.memref_slice %arg7[%dma_wait3A_1295, %dma_wait3A_1297, %dma_wait3A_1298, %dma_wait3A_1299] : memref<3x8x8x512xf32, #tpu.memory_space<vmem>> -> memref<1x8x8x512xf32, #tpu.memory_space<vmem>>
    %dma_wait3A_1301 = tpu.memref_squeeze %dma_wait3A_1300 : memref<1x8x8x512xf32, #tpu.memory_space<vmem>> -> memref<8x8x512xf32, #tpu.memory_space<vmem>>
    %dma_wait3A_1302 = arith.constant 0 : i32
    %dma_wait3A_1303 = arith.constant 0 : i32
    %dma_wait3A_1304 = tpu.memref_slice %arg4[%add3A_1294, %dma_wait3A_1302, %dma_wait3A_1303] : memref<6144x8x512xf32, #tpu.memory_space<hbm>> -> memref<8x8x512xf32, #tpu.memory_space<hbm>>
    %dma_wait3A_1305 = tpu.memref_slice %arg9[%dma_wait3A_1296] : memref<3x!tpu.dma_semaphore, #tpu.memory_space<semaphore_mem>> -> memref<1x!tpu.dma_semaphore, #tpu.memory_space<semaphore_mem>>
    %dma_wait3A_1306 = tpu.memref_squeeze %dma_wait3A_1305 : memref<1x!tpu.dma_semaphore, #tpu.memory_space<semaphore_mem>> -> memref<!tpu.dma_semaphore, #tpu.memory_space<semaphore_mem>>
    %dma_wait3A_1307 = arith.constant 0 : i32
    %dma_wait3A_1308 = arith.constant 0 : i32
    %dma_wait3A_1309 = tpu.memref_slice %arg4[%add3A_1294, %dma_wait3A_1307, %dma_wait3A_1308] : memref<6144x8x512xf32, #tpu.memory_space<hbm>> -> memref<8x8x512xf32, #tpu.memory_space<hbm>>
    %dma_wait3A_1310 = arith.constant 0 : i32
    %dma_wait3A_1311 = arith.constant 0 : i32
    %dma_wait3A_1312 = arith.constant 0 : i32
    %dma_wait3A_1313 = tpu.memref_slice %arg7[%dma_wait3A_1295, %dma_wait3A_1310, %dma_wait3A_1311, %dma_wait3A_1312] : memref<3x8x8x512xf32, #tpu.memory_space<vmem>> -> memref<1x8x8x512xf32, #tpu.memory_space<vmem>>
    %dma_wait3A_1314 = tpu.memref_squeeze %dma_wait3A_1313 : memref<1x8x8x512xf32, #tpu.memory_space<vmem>> -> memref<8x8x512xf32, #tpu.memory_space<vmem>>
    tpu.wait_dma2 semaphore(%dma_wait3A_1306 : memref<!tpu.dma_semaphore, #tpu.memory_space<semaphore_mem>>) src(%dma_wait3A_1314 : memref<8x8x512xf32, #tpu.memory_space<vmem>>) dst(%dma_wait3A_1309 : memref<8x8x512xf32, #tpu.memory_space<hbm>>)
    %get3A_1315 = arith.constant 104 : index
    %get3A_1316 = tpu.vector_load %arg6[%get3A_1315] {strides = array<i32>} : memref<208xi32, #tpu.memory_space<vmem>>, vector<16xi32>,
    %slice3A_1317 = vector.extract_strided_slice %get3A_1316 {offsets = [0], sizes = [1], strides = [1]} : vector<16xi32> to vector<1xi32>
    %squeeze3A_1318 = vector.extract %slice3A_1317[0] : i32 from vector<1xi32>
    %dma_start3A_1319 = arith.constant 1 : i32
    %dma_start3A_1320 = arith.constant 1 : i32
    %dma_start3A_1321 = arith.constant 0 : i32
    %dma_start3A_1322 = arith.constant 0 : i32
    %dma_start3A_1323 = arith.constant 0 : i32
    %dma_start3A_1324 = tpu.memref_slice %arg7[%dma_start3A_1319, %dma_start3A_1321, %dma_start3A_1322, %dma_start3A_1323] : memref<3x8x8x512xf32, #tpu.memory_space<vmem>> -> memref<1x8x8x512xf32, #tpu.memory_space<vmem>>
    %dma_start3A_1325 = tpu.memref_squeeze %dma_start3A_1324 : memref<1x8x8x512xf32, #tpu.memory_space<vmem>> -> memref<8x8x512xf32, #tpu.memory_space<vmem>>
    %dma_start3A_1326 = arith.constant 0 : i32
    %dma_start3A_1327 = arith.constant 0 : i32
    %dma_start3A_1328 = tpu.memref_slice %arg2[%squeeze3A_1318, %dma_start3A_1326, %dma_start3A_1327] : memref<6144x8x512xf32, #tpu.memory_space<hbm>> -> memref<8x8x512xf32, #tpu.memory_space<hbm>>
    %dma_start3A_1329 = tpu.memref_slice %arg8[%dma_start3A_1320] : memref<3x!tpu.dma_semaphore, #tpu.memory_space<semaphore_mem>> -> memref<1x!tpu.dma_semaphore, #tpu.memory_space<semaphore_mem>>
    %dma_start3A_1330 = tpu.memref_squeeze %dma_start3A_1329 : memref<1x!tpu.dma_semaphore, #tpu.memory_space<semaphore_mem>> -> memref<!tpu.dma_semaphore, #tpu.memory_space<semaphore_mem>>
    %dma_start3A_1331 = arith.constant 0 : i32
    %dma_start3A_1332 = arith.constant 0 : i32
    %dma_start3A_1333 = arith.constant 0 : i32
    %dma_start3A_1334 = tpu.memref_slice %arg7[%dma_start3A_1319, %dma_start3A_1331, %dma_start3A_1332, %dma_start3A_1333] : memref<3x8x8x512xf32, #tpu.memory_space<vmem>> -> memref<1x8x8x512xf32, #tpu.memory_space<vmem>>
    %dma_start3A_1335 = tpu.memref_squeeze %dma_start3A_1334 : memref<1x8x8x512xf32, #tpu.memory_space<vmem>> -> memref<8x8x512xf32, #tpu.memory_space<vmem>>
    %dma_start3A_1336 = arith.constant 0 : i32
    %dma_start3A_1337 = arith.constant 0 : i32
    %dma_start3A_1338 = tpu.memref_slice %arg2[%squeeze3A_1318, %dma_start3A_1336, %dma_start3A_1337] : memref<6144x8x512xf32, #tpu.memory_space<hbm>> -> memref<8x8x512xf32, #tpu.memory_space<hbm>>
    tpu.enqueue_dma source(%dma_start3A_1338 : memref<8x8x512xf32, #tpu.memory_space<hbm>>) target(%dma_start3A_1335 : memref<8x8x512xf32, #tpu.memory_space<vmem>>) target_semaphore(%dma_start3A_1330 : memref<!tpu.dma_semaphore, #tpu.memory_space<semaphore_mem>>)
    %get3A_1339 = arith.constant 96 : index
    %get3A_1340 = tpu.vector_load %arg6[%get3A_1339] {strides = array<i32>} : memref<208xi32, #tpu.memory_space<vmem>>, vector<16xi32>,
    %slice3A_1341 = vector.extract_strided_slice %get3A_1340 {offsets = [0], sizes = [1], strides = [1]} : vector<16xi32> to vector<1xi32>
    %squeeze3A_1342 = vector.extract %slice3A_1341[0] : i32 from vector<1xi32>
    %dma_wait3A_1343 = arith.constant 0 : i32
    %dma_wait3A_1344 = arith.constant 0 : i32
    %dma_wait3A_1345 = arith.constant 0 : i32
    %dma_wait3A_1346 = arith.constant 0 : i32
    %dma_wait3A_1347 = arith.constant 0 : i32
    %dma_wait3A_1348 = tpu.memref_slice %arg7[%dma_wait3A_1343, %dma_wait3A_1345, %dma_wait3A_1346, %dma_wait3A_1347] : memref<3x8x8x512xf32, #tpu.memory_space<vmem>> -> memref<1x8x8x512xf32, #tpu.memory_space<vmem>>
    %dma_wait3A_1349 = tpu.memref_squeeze %dma_wait3A_1348 : memref<1x8x8x512xf32, #tpu.memory_space<vmem>> -> memref<8x8x512xf32, #tpu.memory_space<vmem>>
    %dma_wait3A_1350 = arith.constant 0 : i32
    %dma_wait3A_1351 = arith.constant 0 : i32
    %dma_wait3A_1352 = tpu.memref_slice %arg2[%squeeze3A_1342, %dma_wait3A_1350, %dma_wait3A_1351] : memref<6144x8x512xf32, #tpu.memory_space<hbm>> -> memref<8x8x512xf32, #tpu.memory_space<hbm>>
    %dma_wait3A_1353 = tpu.memref_slice %arg8[%dma_wait3A_1344] : memref<3x!tpu.dma_semaphore, #tpu.memory_space<semaphore_mem>> -> memref<1x!tpu.dma_semaphore, #tpu.memory_space<semaphore_mem>>
    %dma_wait3A_1354 = tpu.memref_squeeze %dma_wait3A_1353 : memref<1x!tpu.dma_semaphore, #tpu.memory_space<semaphore_mem>> -> memref<!tpu.dma_semaphore, #tpu.memory_space<semaphore_mem>>
    %dma_wait3A_1355 = arith.constant 0 : i32
    %dma_wait3A_1356 = arith.constant 0 : i32
    %dma_wait3A_1357 = arith.constant 0 : i32
    %dma_wait3A_1358 = tpu.memref_slice %arg7[%dma_wait3A_1343, %dma_wait3A_1355, %dma_wait3A_1356, %dma_wait3A_1357] : memref<3x8x8x512xf32, #tpu.memory_space<vmem>> -> memref<1x8x8x512xf32, #tpu.memory_space<vmem>>
    %dma_wait3A_1359 = tpu.memref_squeeze %dma_wait3A_1358 : memref<1x8x8x512xf32, #tpu.memory_space<vmem>> -> memref<8x8x512xf32, #tpu.memory_space<vmem>>
    %dma_wait3A_1360 = arith.constant 0 : i32
    %dma_wait3A_1361 = arith.constant 0 : i32
    %dma_wait3A_1362 = tpu.memref_slice %arg2[%squeeze3A_1342, %dma_wait3A_1360, %dma_wait3A_1361] : memref<6144x8x512xf32, #tpu.memory_space<hbm>> -> memref<8x8x512xf32, #tpu.memory_space<hbm>>
    tpu.wait_dma2 semaphore(%dma_wait3A_1354 : memref<!tpu.dma_semaphore, #tpu.memory_space<semaphore_mem>>) src(%dma_wait3A_1362 : memref<8x8x512xf32, #tpu.memory_space<hbm>>) dst(%dma_wait3A_1359 : memref<8x8x512xf32, #tpu.memory_space<vmem>>)
    %add3A_1363 = arith.constant 96 : i32
    %add3A_1364 = arith.addi %mul3A_2, %add3A_1363 : i32
    %dma_start3A_1365 = arith.constant 0 : i32
    %dma_start3A_1366 = arith.constant 0 : i32
    %dma_start3A_1367 = arith.constant 0 : i32
    %dma_start3A_1368 = arith.constant 0 : i32
    %dma_start3A_1369 = arith.constant 0 : i32
    %dma_start3A_1370 = tpu.memref_slice %arg7[%dma_start3A_1365, %dma_start3A_1367, %dma_start3A_1368, %dma_start3A_1369] : memref<3x8x8x512xf32, #tpu.memory_space<vmem>> -> memref<1x8x8x512xf32, #tpu.memory_space<vmem>>
    %dma_start3A_1371 = tpu.memref_squeeze %dma_start3A_1370 : memref<1x8x8x512xf32, #tpu.memory_space<vmem>> -> memref<8x8x512xf32, #tpu.memory_space<vmem>>
    %dma_start3A_1372 = arith.constant 0 : i32
    %dma_start3A_1373 = arith.constant 0 : i32
    %dma_start3A_1374 = tpu.memref_slice %arg4[%add3A_1364, %dma_start3A_1372, %dma_start3A_1373] : memref<6144x8x512xf32, #tpu.memory_space<hbm>> -> memref<8x8x512xf32, #tpu.memory_space<hbm>>
    %dma_start3A_1375 = tpu.memref_slice %arg9[%dma_start3A_1366] : memref<3x!tpu.dma_semaphore, #tpu.memory_space<semaphore_mem>> -> memref<1x!tpu.dma_semaphore, #tpu.memory_space<semaphore_mem>>
    %dma_start3A_1376 = tpu.memref_squeeze %dma_start3A_1375 : memref<1x!tpu.dma_semaphore, #tpu.memory_space<semaphore_mem>> -> memref<!tpu.dma_semaphore, #tpu.memory_space<semaphore_mem>>
    %dma_start3A_1377 = arith.constant 0 : i32
    %dma_start3A_1378 = arith.constant 0 : i32
    %dma_start3A_1379 = tpu.memref_slice %arg4[%add3A_1364, %dma_start3A_1377, %dma_start3A_1378] : memref<6144x8x512xf32, #tpu.memory_space<hbm>> -> memref<8x8x512xf32, #tpu.memory_space<hbm>>
    %dma_start3A_1380 = arith.constant 0 : i32
    %dma_start3A_1381 = arith.constant 0 : i32
    %dma_start3A_1382 = arith.constant 0 : i32
    %dma_start3A_1383 = tpu.memref_slice %arg7[%dma_start3A_1365, %dma_start3A_1380, %dma_start3A_1381, %dma_start3A_1382] : memref<3x8x8x512xf32, #tpu.memory_space<vmem>> -> memref<1x8x8x512xf32, #tpu.memory_space<vmem>>
    %dma_start3A_1384 = tpu.memref_squeeze %dma_start3A_1383 : memref<1x8x8x512xf32, #tpu.memory_space<vmem>> -> memref<8x8x512xf32, #tpu.memory_space<vmem>>
    tpu.enqueue_dma source(%dma_start3A_1384 : memref<8x8x512xf32, #tpu.memory_space<vmem>>) target(%dma_start3A_1379 : memref<8x8x512xf32, #tpu.memory_space<hbm>>) target_semaphore(%dma_start3A_1376 : memref<!tpu.dma_semaphore, #tpu.memory_space<semaphore_mem>>)
    %add3A_1385 = arith.constant 88 : i32
    %add3A_1386 = arith.addi %mul3A_2, %add3A_1385 : i32
    %dma_wait3A_1387 = arith.constant 2 : i32
    %dma_wait3A_1388 = arith.constant 2 : i32
    %dma_wait3A_1389 = arith.constant 0 : i32
    %dma_wait3A_1390 = arith.constant 0 : i32
    %dma_wait3A_1391 = arith.constant 0 : i32
    %dma_wait3A_1392 = tpu.memref_slice %arg7[%dma_wait3A_1387, %dma_wait3A_1389, %dma_wait3A_1390, %dma_wait3A_1391] : memref<3x8x8x512xf32, #tpu.memory_space<vmem>> -> memref<1x8x8x512xf32, #tpu.memory_space<vmem>>
    %dma_wait3A_1393 = tpu.memref_squeeze %dma_wait3A_1392 : memref<1x8x8x512xf32, #tpu.memory_space<vmem>> -> memref<8x8x512xf32, #tpu.memory_space<vmem>>
    %dma_wait3A_1394 = arith.constant 0 : i32
    %dma_wait3A_1395 = arith.constant 0 : i32
    %dma_wait3A_1396 = tpu.memref_slice %arg4[%add3A_1386, %dma_wait3A_1394, %dma_wait3A_1395] : memref<6144x8x512xf32, #tpu.memory_space<hbm>> -> memref<8x8x512xf32, #tpu.memory_space<hbm>>
    %dma_wait3A_1397 = tpu.memref_slice %arg9[%dma_wait3A_1388] : memref<3x!tpu.dma_semaphore, #tpu.memory_space<semaphore_mem>> -> memref<1x!tpu.dma_semaphore, #tpu.memory_space<semaphore_mem>>
    %dma_wait3A_1398 = tpu.memref_squeeze %dma_wait3A_1397 : memref<1x!tpu.dma_semaphore, #tpu.memory_space<semaphore_mem>> -> memref<!tpu.dma_semaphore, #tpu.memory_space<semaphore_mem>>
    %dma_wait3A_1399 = arith.constant 0 : i32
    %dma_wait3A_1400 = arith.constant 0 : i32
    %dma_wait3A_1401 = tpu.memref_slice %arg4[%add3A_1386, %dma_wait3A_1399, %dma_wait3A_1400] : memref<6144x8x512xf32, #tpu.memory_space<hbm>> -> memref<8x8x512xf32, #tpu.memory_space<hbm>>
    %dma_wait3A_1402 = arith.constant 0 : i32
    %dma_wait3A_1403 = arith.constant 0 : i32
    %dma_wait3A_1404 = arith.constant 0 : i32
    %dma_wait3A_1405 = tpu.memref_slice %arg7[%dma_wait3A_1387, %dma_wait3A_1402, %dma_wait3A_1403, %dma_wait3A_1404] : memref<3x8x8x512xf32, #tpu.memory_space<vmem>> -> memref<1x8x8x512xf32, #tpu.memory_space<vmem>>
    %dma_wait3A_1406 = tpu.memref_squeeze %dma_wait3A_1405 : memref<1x8x8x512xf32, #tpu.memory_space<vmem>> -> memref<8x8x512xf32, #tpu.memory_space<vmem>>
    tpu.wait_dma2 semaphore(%dma_wait3A_1398 : memref<!tpu.dma_semaphore, #tpu.memory_space<semaphore_mem>>) src(%dma_wait3A_1406 : memref<8x8x512xf32, #tpu.memory_space<vmem>>) dst(%dma_wait3A_1401 : memref<8x8x512xf32, #tpu.memory_space<hbm>>)
    %get3A_1407 = arith.constant 112 : index
    %get3A_1408 = tpu.vector_load %arg6[%get3A_1407] {strides = array<i32>} : memref<208xi32, #tpu.memory_space<vmem>>, vector<16xi32>,
    %slice3A_1409 = vector.extract_strided_slice %get3A_1408 {offsets = [0], sizes = [1], strides = [1]} : vector<16xi32> to vector<1xi32>
    %squeeze3A_1410 = vector.extract %slice3A_1409[0] : i32 from vector<1xi32>
    %dma_start3A_1411 = arith.constant 2 : i32
    %dma_start3A_1412 = arith.constant 2 : i32
    %dma_start3A_1413 = arith.constant 0 : i32
    %dma_start3A_1414 = arith.constant 0 : i32
    %dma_start3A_1415 = arith.constant 0 : i32
    %dma_start3A_1416 = tpu.memref_slice %arg7[%dma_start3A_1411, %dma_start3A_1413, %dma_start3A_1414, %dma_start3A_1415] : memref<3x8x8x512xf32, #tpu.memory_space<vmem>> -> memref<1x8x8x512xf32, #tpu.memory_space<vmem>>
    %dma_start3A_1417 = tpu.memref_squeeze %dma_start3A_1416 : memref<1x8x8x512xf32, #tpu.memory_space<vmem>> -> memref<8x8x512xf32, #tpu.memory_space<vmem>>
    %dma_start3A_1418 = arith.constant 0 : i32
    %dma_start3A_1419 = arith.constant 0 : i32
    %dma_start3A_1420 = tpu.memref_slice %arg2[%squeeze3A_1410, %dma_start3A_1418, %dma_start3A_1419] : memref<6144x8x512xf32, #tpu.memory_space<hbm>> -> memref<8x8x512xf32, #tpu.memory_space<hbm>>
    %dma_start3A_1421 = tpu.memref_slice %arg8[%dma_start3A_1412] : memref<3x!tpu.dma_semaphore, #tpu.memory_space<semaphore_mem>> -> memref<1x!tpu.dma_semaphore, #tpu.memory_space<semaphore_mem>>
    %dma_start3A_1422 = tpu.memref_squeeze %dma_start3A_1421 : memref<1x!tpu.dma_semaphore, #tpu.memory_space<semaphore_mem>> -> memref<!tpu.dma_semaphore, #tpu.memory_space<semaphore_mem>>
    %dma_start3A_1423 = arith.constant 0 : i32
    %dma_start3A_1424 = arith.constant 0 : i32
    %dma_start3A_1425 = arith.constant 0 : i32
    %dma_start3A_1426 = tpu.memref_slice %arg7[%dma_start3A_1411, %dma_start3A_1423, %dma_start3A_1424, %dma_start3A_1425] : memref<3x8x8x512xf32, #tpu.memory_space<vmem>> -> memref<1x8x8x512xf32, #tpu.memory_space<vmem>>
    %dma_start3A_1427 = tpu.memref_squeeze %dma_start3A_1426 : memref<1x8x8x512xf32, #tpu.memory_space<vmem>> -> memref<8x8x512xf32, #tpu.memory_space<vmem>>
    %dma_start3A_1428 = arith.constant 0 : i32
    %dma_start3A_1429 = arith.constant 0 : i32
    %dma_start3A_1430 = tpu.memref_slice %arg2[%squeeze3A_1410, %dma_start3A_1428, %dma_start3A_1429] : memref<6144x8x512xf32, #tpu.memory_space<hbm>> -> memref<8x8x512xf32, #tpu.memory_space<hbm>>
    tpu.enqueue_dma source(%dma_start3A_1430 : memref<8x8x512xf32, #tpu.memory_space<hbm>>) target(%dma_start3A_1427 : memref<8x8x512xf32, #tpu.memory_space<vmem>>) target_semaphore(%dma_start3A_1422 : memref<!tpu.dma_semaphore, #tpu.memory_space<semaphore_mem>>)
    %get3A_1431 = arith.constant 104 : index
    %get3A_1432 = tpu.vector_load %arg6[%get3A_1431] {strides = array<i32>} : memref<208xi32, #tpu.memory_space<vmem>>, vector<16xi32>,
    %slice3A_1433 = vector.extract_strided_slice %get3A_1432 {offsets = [0], sizes = [1], strides = [1]} : vector<16xi32> to vector<1xi32>
    %squeeze3A_1434 = vector.extract %slice3A_1433[0] : i32 from vector<1xi32>
    %dma_wait3A_1435 = arith.constant 1 : i32
    %dma_wait3A_1436 = arith.constant 1 : i32
    %dma_wait3A_1437 = arith.constant 0 : i32
    %dma_wait3A_1438 = arith.constant 0 : i32
    %dma_wait3A_1439 = arith.constant 0 : i32
    %dma_wait3A_1440 = tpu.memref_slice %arg7[%dma_wait3A_1435, %dma_wait3A_1437, %dma_wait3A_1438, %dma_wait3A_1439] : memref<3x8x8x512xf32, #tpu.memory_space<vmem>> -> memref<1x8x8x512xf32, #tpu.memory_space<vmem>>
    %dma_wait3A_1441 = tpu.memref_squeeze %dma_wait3A_1440 : memref<1x8x8x512xf32, #tpu.memory_space<vmem>> -> memref<8x8x512xf32, #tpu.memory_space<vmem>>
    %dma_wait3A_1442 = arith.constant 0 : i32
    %dma_wait3A_1443 = arith.constant 0 : i32
    %dma_wait3A_1444 = tpu.memref_slice %arg2[%squeeze3A_1434, %dma_wait3A_1442, %dma_wait3A_1443] : memref<6144x8x512xf32, #tpu.memory_space<hbm>> -> memref<8x8x512xf32, #tpu.memory_space<hbm>>
    %dma_wait3A_1445 = tpu.memref_slice %arg8[%dma_wait3A_1436] : memref<3x!tpu.dma_semaphore, #tpu.memory_space<semaphore_mem>> -> memref<1x!tpu.dma_semaphore, #tpu.memory_space<semaphore_mem>>
    %dma_wait3A_1446 = tpu.memref_squeeze %dma_wait3A_1445 : memref<1x!tpu.dma_semaphore, #tpu.memory_space<semaphore_mem>> -> memref<!tpu.dma_semaphore, #tpu.memory_space<semaphore_mem>>
    %dma_wait3A_1447 = arith.constant 0 : i32
    %dma_wait3A_1448 = arith.constant 0 : i32
    %dma_wait3A_1449 = arith.constant 0 : i32
    %dma_wait3A_1450 = tpu.memref_slice %arg7[%dma_wait3A_1435, %dma_wait3A_1447, %dma_wait3A_1448, %dma_wait3A_1449] : memref<3x8x8x512xf32, #tpu.memory_space<vmem>> -> memref<1x8x8x512xf32, #tpu.memory_space<vmem>>
    %dma_wait3A_1451 = tpu.memref_squeeze %dma_wait3A_1450 : memref<1x8x8x512xf32, #tpu.memory_space<vmem>> -> memref<8x8x512xf32, #tpu.memory_space<vmem>>
    %dma_wait3A_1452 = arith.constant 0 : i32
    %dma_wait3A_1453 = arith.constant 0 : i32
    %dma_wait3A_1454 = tpu.memref_slice %arg2[%squeeze3A_1434, %dma_wait3A_1452, %dma_wait3A_1453] : memref<6144x8x512xf32, #tpu.memory_space<hbm>> -> memref<8x8x512xf32, #tpu.memory_space<hbm>>
    tpu.wait_dma2 semaphore(%dma_wait3A_1446 : memref<!tpu.dma_semaphore, #tpu.memory_space<semaphore_mem>>) src(%dma_wait3A_1454 : memref<8x8x512xf32, #tpu.memory_space<hbm>>) dst(%dma_wait3A_1451 : memref<8x8x512xf32, #tpu.memory_space<vmem>>)
    %add3A_1455 = arith.constant 104 : i32
    %add3A_1456 = arith.addi %mul3A_2, %add3A_1455 : i32
    %dma_start3A_1457 = arith.constant 1 : i32
    %dma_start3A_1458 = arith.constant 1 : i32
    %dma_start3A_1459 = arith.constant 0 : i32
    %dma_start3A_1460 = arith.constant 0 : i32
    %dma_start3A_1461 = arith.constant 0 : i32
    %dma_start3A_1462 = tpu.memref_slice %arg7[%dma_start3A_1457, %dma_start3A_1459, %dma_start3A_1460, %dma_start3A_1461] : memref<3x8x8x512xf32, #tpu.memory_space<vmem>> -> memref<1x8x8x512xf32, #tpu.memory_space<vmem>>
    %dma_start3A_1463 = tpu.memref_squeeze %dma_start3A_1462 : memref<1x8x8x512xf32, #tpu.memory_space<vmem>> -> memref<8x8x512xf32, #tpu.memory_space<vmem>>
    %dma_start3A_1464 = arith.constant 0 : i32
    %dma_start3A_1465 = arith.constant 0 : i32
    %dma_start3A_1466 = tpu.memref_slice %arg4[%add3A_1456, %dma_start3A_1464, %dma_start3A_1465] : memref<6144x8x512xf32, #tpu.memory_space<hbm>> -> memref<8x8x512xf32, #tpu.memory_space<hbm>>
    %dma_start3A_1467 = tpu.memref_slice %arg9[%dma_start3A_1458] : memref<3x!tpu.dma_semaphore, #tpu.memory_space<semaphore_mem>> -> memref<1x!tpu.dma_semaphore, #tpu.memory_space<semaphore_mem>>
    %dma_start3A_1468 = tpu.memref_squeeze %dma_start3A_1467 : memref<1x!tpu.dma_semaphore, #tpu.memory_space<semaphore_mem>> -> memref<!tpu.dma_semaphore, #tpu.memory_space<semaphore_mem>>
    %dma_start3A_1469 = arith.constant 0 : i32
    %dma_start3A_1470 = arith.constant 0 : i32
    %dma_start3A_1471 = tpu.memref_slice %arg4[%add3A_1456, %dma_start3A_1469, %dma_start3A_1470] : memref<6144x8x512xf32, #tpu.memory_space<hbm>> -> memref<8x8x512xf32, #tpu.memory_space<hbm>>
    %dma_start3A_1472 = arith.constant 0 : i32
    %dma_start3A_1473 = arith.constant 0 : i32
    %dma_start3A_1474 = arith.constant 0 : i32
    %dma_start3A_1475 = tpu.memref_slice %arg7[%dma_start3A_1457, %dma_start3A_1472, %dma_start3A_1473, %dma_start3A_1474] : memref<3x8x8x512xf32, #tpu.memory_space<vmem>> -> memref<1x8x8x512xf32, #tpu.memory_space<vmem>>
    %dma_start3A_1476 = tpu.memref_squeeze %dma_start3A_1475 : memref<1x8x8x512xf32, #tpu.memory_space<vmem>> -> memref<8x8x512xf32, #tpu.memory_space<vmem>>
    tpu.enqueue_dma source(%dma_start3A_1476 : memref<8x8x512xf32, #tpu.memory_space<vmem>>) target(%dma_start3A_1471 : memref<8x8x512xf32, #tpu.memory_space<hbm>>) target_semaphore(%dma_start3A_1468 : memref<!tpu.dma_semaphore, #tpu.memory_space<semaphore_mem>>)
    %add3A_1477 = arith.constant 96 : i32
    %add3A_1478 = arith.addi %mul3A_2, %add3A_1477 : i32
    %dma_wait3A_1479 = arith.constant 0 : i32
    %dma_wait3A_1480 = arith.constant 0 : i32
    %dma_wait3A_1481 = arith.constant 0 : i32
    %dma_wait3A_1482 = arith.constant 0 : i32
    %dma_wait3A_1483 = arith.constant 0 : i32
    %dma_wait3A_1484 = tpu.memref_slice %arg7[%dma_wait3A_1479, %dma_wait3A_1481, %dma_wait3A_1482, %dma_wait3A_1483] : memref<3x8x8x512xf32, #tpu.memory_space<vmem>> -> memref<1x8x8x512xf32, #tpu.memory_space<vmem>>
    %dma_wait3A_1485 = tpu.memref_squeeze %dma_wait3A_1484 : memref<1x8x8x512xf32, #tpu.memory_space<vmem>> -> memref<8x8x512xf32, #tpu.memory_space<vmem>>
    %dma_wait3A_1486 = arith.constant 0 : i32
    %dma_wait3A_1487 = arith.constant 0 : i32
    %dma_wait3A_1488 = tpu.memref_slice %arg4[%add3A_1478, %dma_wait3A_1486, %dma_wait3A_1487] : memref<6144x8x512xf32, #tpu.memory_space<hbm>> -> memref<8x8x512xf32, #tpu.memory_space<hbm>>
    %dma_wait3A_1489 = tpu.memref_slice %arg9[%dma_wait3A_1480] : memref<3x!tpu.dma_semaphore, #tpu.memory_space<semaphore_mem>> -> memref<1x!tpu.dma_semaphore, #tpu.memory_space<semaphore_mem>>
    %dma_wait3A_1490 = tpu.memref_squeeze %dma_wait3A_1489 : memref<1x!tpu.dma_semaphore, #tpu.memory_space<semaphore_mem>> -> memref<!tpu.dma_semaphore, #tpu.memory_space<semaphore_mem>>
    %dma_wait3A_1491 = arith.constant 0 : i32
    %dma_wait3A_1492 = arith.constant 0 : i32
    %dma_wait3A_1493 = tpu.memref_slice %arg4[%add3A_1478, %dma_wait3A_1491, %dma_wait3A_1492] : memref<6144x8x512xf32, #tpu.memory_space<hbm>> -> memref<8x8x512xf32, #tpu.memory_space<hbm>>
    %dma_wait3A_1494 = arith.constant 0 : i32
    %dma_wait3A_1495 = arith.constant 0 : i32
    %dma_wait3A_1496 = arith.constant 0 : i32
    %dma_wait3A_1497 = tpu.memref_slice %arg7[%dma_wait3A_1479, %dma_wait3A_1494, %dma_wait3A_1495, %dma_wait3A_1496] : memref<3x8x8x512xf32, #tpu.memory_space<vmem>> -> memref<1x8x8x512xf32, #tpu.memory_space<vmem>>
    %dma_wait3A_1498 = tpu.memref_squeeze %dma_wait3A_1497 : memref<1x8x8x512xf32, #tpu.memory_space<vmem>> -> memref<8x8x512xf32, #tpu.memory_space<vmem>>
    tpu.wait_dma2 semaphore(%dma_wait3A_1490 : memref<!tpu.dma_semaphore, #tpu.memory_space<semaphore_mem>>) src(%dma_wait3A_1498 : memref<8x8x512xf32, #tpu.memory_space<vmem>>) dst(%dma_wait3A_1493 : memref<8x8x512xf32, #tpu.memory_space<hbm>>)
    %get3A_1499 = arith.constant 120 : index
    %get3A_1500 = tpu.vector_load %arg6[%get3A_1499] {strides = array<i32>} : memref<208xi32, #tpu.memory_space<vmem>>, vector<16xi32>,
    %slice3A_1501 = vector.extract_strided_slice %get3A_1500 {offsets = [0], sizes = [1], strides = [1]} : vector<16xi32> to vector<1xi32>
    %squeeze3A_1502 = vector.extract %slice3A_1501[0] : i32 from vector<1xi32>
    %dma_start3A_1503 = arith.constant 0 : i32
    %dma_start3A_1504 = arith.constant 0 : i32
    %dma_start3A_1505 = arith.constant 0 : i32
    %dma_start3A_1506 = arith.constant 0 : i32
    %dma_start3A_1507 = arith.constant 0 : i32
    %dma_start3A_1508 = tpu.memref_slice %arg7[%dma_start3A_1503, %dma_start3A_1505, %dma_start3A_1506, %dma_start3A_1507] : memref<3x8x8x512xf32, #tpu.memory_space<vmem>> -> memref<1x8x8x512xf32, #tpu.memory_space<vmem>>
    %dma_start3A_1509 = tpu.memref_squeeze %dma_start3A_1508 : memref<1x8x8x512xf32, #tpu.memory_space<vmem>> -> memref<8x8x512xf32, #tpu.memory_space<vmem>>
    %dma_start3A_1510 = arith.constant 0 : i32
    %dma_start3A_1511 = arith.constant 0 : i32
    %dma_start3A_1512 = tpu.memref_slice %arg2[%squeeze3A_1502, %dma_start3A_1510, %dma_start3A_1511] : memref<6144x8x512xf32, #tpu.memory_space<hbm>> -> memref<8x8x512xf32, #tpu.memory_space<hbm>>
    %dma_start3A_1513 = tpu.memref_slice %arg8[%dma_start3A_1504] : memref<3x!tpu.dma_semaphore, #tpu.memory_space<semaphore_mem>> -> memref<1x!tpu.dma_semaphore, #tpu.memory_space<semaphore_mem>>
    %dma_start3A_1514 = tpu.memref_squeeze %dma_start3A_1513 : memref<1x!tpu.dma_semaphore, #tpu.memory_space<semaphore_mem>> -> memref<!tpu.dma_semaphore, #tpu.memory_space<semaphore_mem>>
    %dma_start3A_1515 = arith.constant 0 : i32
    %dma_start3A_1516 = arith.constant 0 : i32
    %dma_start3A_1517 = arith.constant 0 : i32
    %dma_start3A_1518 = tpu.memref_slice %arg7[%dma_start3A_1503, %dma_start3A_1515, %dma_start3A_1516, %dma_start3A_1517] : memref<3x8x8x512xf32, #tpu.memory_space<vmem>> -> memref<1x8x8x512xf32, #tpu.memory_space<vmem>>
    %dma_start3A_1519 = tpu.memref_squeeze %dma_start3A_1518 : memref<1x8x8x512xf32, #tpu.memory_space<vmem>> -> memref<8x8x512xf32, #tpu.memory_space<vmem>>
    %dma_start3A_1520 = arith.constant 0 : i32
    %dma_start3A_1521 = arith.constant 0 : i32
    %dma_start3A_1522 = tpu.memref_slice %arg2[%squeeze3A_1502, %dma_start3A_1520, %dma_start3A_1521] : memref<6144x8x512xf32, #tpu.memory_space<hbm>> -> memref<8x8x512xf32, #tpu.memory_space<hbm>>
    tpu.enqueue_dma source(%dma_start3A_1522 : memref<8x8x512xf32, #tpu.memory_space<hbm>>) target(%dma_start3A_1519 : memref<8x8x512xf32, #tpu.memory_space<vmem>>) target_semaphore(%dma_start3A_1514 : memref<!tpu.dma_semaphore, #tpu.memory_space<semaphore_mem>>)
    %get3A_1523 = arith.constant 112 : index
    %get3A_1524 = tpu.vector_load %arg6[%get3A_1523] {strides = array<i32>} : memref<208xi32, #tpu.memory_space<vmem>>, vector<16xi32>,
    %slice3A_1525 = vector.extract_strided_slice %get3A_1524 {offsets = [0], sizes = [1], strides = [1]} : vector<16xi32> to vector<1xi32>
    %squeeze3A_1526 = vector.extract %slice3A_1525[0] : i32 from vector<1xi32>
    %dma_wait3A_1527 = arith.constant 2 : i32
    %dma_wait3A_1528 = arith.constant 2 : i32
    %dma_wait3A_1529 = arith.constant 0 : i32
    %dma_wait3A_1530 = arith.constant 0 : i32
    %dma_wait3A_1531 = arith.constant 0 : i32
    %dma_wait3A_1532 = tpu.memref_slice %arg7[%dma_wait3A_1527, %dma_wait3A_1529, %dma_wait3A_1530, %dma_wait3A_1531] : memref<3x8x8x512xf32, #tpu.memory_space<vmem>> -> memref<1x8x8x512xf32, #tpu.memory_space<vmem>>
    %dma_wait3A_1533 = tpu.memref_squeeze %dma_wait3A_1532 : memref<1x8x8x512xf32, #tpu.memory_space<vmem>> -> memref<8x8x512xf32, #tpu.memory_space<vmem>>
    %dma_wait3A_1534 = arith.constant 0 : i32
    %dma_wait3A_1535 = arith.constant 0 : i32
    %dma_wait3A_1536 = tpu.memref_slice %arg2[%squeeze3A_1526, %dma_wait3A_1534, %dma_wait3A_1535] : memref<6144x8x512xf32, #tpu.memory_space<hbm>> -> memref<8x8x512xf32, #tpu.memory_space<hbm>>
    %dma_wait3A_1537 = tpu.memref_slice %arg8[%dma_wait3A_1528] : memref<3x!tpu.dma_semaphore, #tpu.memory_space<semaphore_mem>> -> memref<1x!tpu.dma_semaphore, #tpu.memory_space<semaphore_mem>>
    %dma_wait3A_1538 = tpu.memref_squeeze %dma_wait3A_1537 : memref<1x!tpu.dma_semaphore, #tpu.memory_space<semaphore_mem>> -> memref<!tpu.dma_semaphore, #tpu.memory_space<semaphore_mem>>
    %dma_wait3A_1539 = arith.constant 0 : i32
    %dma_wait3A_1540 = arith.constant 0 : i32
    %dma_wait3A_1541 = arith.constant 0 : i32
    %dma_wait3A_1542 = tpu.memref_slice %arg7[%dma_wait3A_1527, %dma_wait3A_1539, %dma_wait3A_1540, %dma_wait3A_1541] : memref<3x8x8x512xf32, #tpu.memory_space<vmem>> -> memref<1x8x8x512xf32, #tpu.memory_space<vmem>>
    %dma_wait3A_1543 = tpu.memref_squeeze %dma_wait3A_1542 : memref<1x8x8x512xf32, #tpu.memory_space<vmem>> -> memref<8x8x512xf32, #tpu.memory_space<vmem>>
    %dma_wait3A_1544 = arith.constant 0 : i32
    %dma_wait3A_1545 = arith.constant 0 : i32
    %dma_wait3A_1546 = tpu.memref_slice %arg2[%squeeze3A_1526, %dma_wait3A_1544, %dma_wait3A_1545] : memref<6144x8x512xf32, #tpu.memory_space<hbm>> -> memref<8x8x512xf32, #tpu.memory_space<hbm>>
    tpu.wait_dma2 semaphore(%dma_wait3A_1538 : memref<!tpu.dma_semaphore, #tpu.memory_space<semaphore_mem>>) src(%dma_wait3A_1546 : memref<8x8x512xf32, #tpu.memory_space<hbm>>) dst(%dma_wait3A_1543 : memref<8x8x512xf32, #tpu.memory_space<vmem>>)
    %add3A_1547 = arith.constant 112 : i32
    %add3A_1548 = arith.addi %mul3A_2, %add3A_1547 : i32
    %dma_start3A_1549 = arith.constant 2 : i32
    %dma_start3A_1550 = arith.constant 2 : i32
    %dma_start3A_1551 = arith.constant 0 : i32
    %dma_start3A_1552 = arith.constant 0 : i32
    %dma_start3A_1553 = arith.constant 0 : i32
    %dma_start3A_1554 = tpu.memref_slice %arg7[%dma_start3A_1549, %dma_start3A_1551, %dma_start3A_1552, %dma_start3A_1553] : memref<3x8x8x512xf32, #tpu.memory_space<vmem>> -> memref<1x8x8x512xf32, #tpu.memory_space<vmem>>
    %dma_start3A_1555 = tpu.memref_squeeze %dma_start3A_1554 : memref<1x8x8x512xf32, #tpu.memory_space<vmem>> -> memref<8x8x512xf32, #tpu.memory_space<vmem>>
    %dma_start3A_1556 = arith.constant 0 : i32
    %dma_start3A_1557 = arith.constant 0 : i32
    %dma_start3A_1558 = tpu.memref_slice %arg4[%add3A_1548, %dma_start3A_1556, %dma_start3A_1557] : memref<6144x8x512xf32, #tpu.memory_space<hbm>> -> memref<8x8x512xf32, #tpu.memory_space<hbm>>
    %dma_start3A_1559 = tpu.memref_slice %arg9[%dma_start3A_1550] : memref<3x!tpu.dma_semaphore, #tpu.memory_space<semaphore_mem>> -> memref<1x!tpu.dma_semaphore, #tpu.memory_space<semaphore_mem>>
    %dma_start3A_1560 = tpu.memref_squeeze %dma_start3A_1559 : memref<1x!tpu.dma_semaphore, #tpu.memory_space<semaphore_mem>> -> memref<!tpu.dma_semaphore, #tpu.memory_space<semaphore_mem>>
    %dma_start3A_1561 = arith.constant 0 : i32
    %dma_start3A_1562 = arith.constant 0 : i32
    %dma_start3A_1563 = tpu.memref_slice %arg4[%add3A_1548, %dma_start3A_1561, %dma_start3A_1562] : memref<6144x8x512xf32, #tpu.memory_space<hbm>> -> memref<8x8x512xf32, #tpu.memory_space<hbm>>
    %dma_start3A_1564 = arith.constant 0 : i32
    %dma_start3A_1565 = arith.constant 0 : i32
    %dma_start3A_1566 = arith.constant 0 : i32
    %dma_start3A_1567 = tpu.memref_slice %arg7[%dma_start3A_1549, %dma_start3A_1564, %dma_start3A_1565, %dma_start3A_1566] : memref<3x8x8x512xf32, #tpu.memory_space<vmem>> -> memref<1x8x8x512xf32, #tpu.memory_space<vmem>>
    %dma_start3A_1568 = tpu.memref_squeeze %dma_start3A_1567 : memref<1x8x8x512xf32, #tpu.memory_space<vmem>> -> memref<8x8x512xf32, #tpu.memory_space<vmem>>
    tpu.enqueue_dma source(%dma_start3A_1568 : memref<8x8x512xf32, #tpu.memory_space<vmem>>) target(%dma_start3A_1563 : memref<8x8x512xf32, #tpu.memory_space<hbm>>) target_semaphore(%dma_start3A_1560 : memref<!tpu.dma_semaphore, #tpu.memory_space<semaphore_mem>>)
    %add3A_1569 = arith.constant 104 : i32
    %add3A_1570 = arith.addi %mul3A_2, %add3A_1569 : i32
    %dma_wait3A_1571 = arith.constant 1 : i32
    %dma_wait3A_1572 = arith.constant 1 : i32
    %dma_wait3A_1573 = arith.constant 0 : i32
    %dma_wait3A_1574 = arith.constant 0 : i32
    %dma_wait3A_1575 = arith.constant 0 : i32
    %dma_wait3A_1576 = tpu.memref_slice %arg7[%dma_wait3A_1571, %dma_wait3A_1573, %dma_wait3A_1574, %dma_wait3A_1575] : memref<3x8x8x512xf32, #tpu.memory_space<vmem>> -> memref<1x8x8x512xf32, #tpu.memory_space<vmem>>
    %dma_wait3A_1577 = tpu.memref_squeeze %dma_wait3A_1576 : memref<1x8x8x512xf32, #tpu.memory_space<vmem>> -> memref<8x8x512xf32, #tpu.memory_space<vmem>>
    %dma_wait3A_1578 = arith.constant 0 : i32
    %dma_wait3A_1579 = arith.constant 0 : i32
    %dma_wait3A_1580 = tpu.memref_slice %arg4[%add3A_1570, %dma_wait3A_1578, %dma_wait3A_1579] : memref<6144x8x512xf32, #tpu.memory_space<hbm>> -> memref<8x8x512xf32, #tpu.memory_space<hbm>>
    %dma_wait3A_1581 = tpu.memref_slice %arg9[%dma_wait3A_1572] : memref<3x!tpu.dma_semaphore, #tpu.memory_space<semaphore_mem>> -> memref<1x!tpu.dma_semaphore, #tpu.memory_space<semaphore_mem>>
    %dma_wait3A_1582 = tpu.memref_squeeze %dma_wait3A_1581 : memref<1x!tpu.dma_semaphore, #tpu.memory_space<semaphore_mem>> -> memref<!tpu.dma_semaphore, #tpu.memory_space<semaphore_mem>>
    %dma_wait3A_1583 = arith.constant 0 : i32
    %dma_wait3A_1584 = arith.constant 0 : i32
    %dma_wait3A_1585 = tpu.memref_slice %arg4[%add3A_1570, %dma_wait3A_1583, %dma_wait3A_1584] : memref<6144x8x512xf32, #tpu.memory_space<hbm>> -> memref<8x8x512xf32, #tpu.memory_space<hbm>>
    %dma_wait3A_1586 = arith.constant 0 : i32
    %dma_wait3A_1587 = arith.constant 0 : i32
    %dma_wait3A_1588 = arith.constant 0 : i32
    %dma_wait3A_1589 = tpu.memref_slice %arg7[%dma_wait3A_1571, %dma_wait3A_1586, %dma_wait3A_1587, %dma_wait3A_1588] : memref<3x8x8x512xf32, #tpu.memory_space<vmem>> -> memref<1x8x8x512xf32, #tpu.memory_space<vmem>>
    %dma_wait3A_1590 = tpu.memref_squeeze %dma_wait3A_1589 : memref<1x8x8x512xf32, #tpu.memory_space<vmem>> -> memref<8x8x512xf32, #tpu.memory_space<vmem>>
    tpu.wait_dma2 semaphore(%dma_wait3A_1582 : memref<!tpu.dma_semaphore, #tpu.memory_space<semaphore_mem>>) src(%dma_wait3A_1590 : memref<8x8x512xf32, #tpu.memory_space<vmem>>) dst(%dma_wait3A_1585 : memref<8x8x512xf32, #tpu.memory_space<hbm>>)
    %get3A_1591 = arith.constant 128 : index
    %get3A_1592 = tpu.vector_load %arg6[%get3A_1591] {strides = array<i32>} : memref<208xi32, #tpu.memory_space<vmem>>, vector<16xi32>,
    %slice3A_1593 = vector.extract_strided_slice %get3A_1592 {offsets = [0], sizes = [1], strides = [1]} : vector<16xi32> to vector<1xi32>
    %squeeze3A_1594 = vector.extract %slice3A_1593[0] : i32 from vector<1xi32>
    %dma_start3A_1595 = arith.constant 1 : i32
    %dma_start3A_1596 = arith.constant 1 : i32
    %dma_start3A_1597 = arith.constant 0 : i32
    %dma_start3A_1598 = arith.constant 0 : i32
    %dma_start3A_1599 = arith.constant 0 : i32
    %dma_start3A_1600 = tpu.memref_slice %arg7[%dma_start3A_1595, %dma_start3A_1597, %dma_start3A_1598, %dma_start3A_1599] : memref<3x8x8x512xf32, #tpu.memory_space<vmem>> -> memref<1x8x8x512xf32, #tpu.memory_space<vmem>>
    %dma_start3A_1601 = tpu.memref_squeeze %dma_start3A_1600 : memref<1x8x8x512xf32, #tpu.memory_space<vmem>> -> memref<8x8x512xf32, #tpu.memory_space<vmem>>
    %dma_start3A_1602 = arith.constant 0 : i32
    %dma_start3A_1603 = arith.constant 0 : i32
    %dma_start3A_1604 = tpu.memref_slice %arg2[%squeeze3A_1594, %dma_start3A_1602, %dma_start3A_1603] : memref<6144x8x512xf32, #tpu.memory_space<hbm>> -> memref<8x8x512xf32, #tpu.memory_space<hbm>>
    %dma_start3A_1605 = tpu.memref_slice %arg8[%dma_start3A_1596] : memref<3x!tpu.dma_semaphore, #tpu.memory_space<semaphore_mem>> -> memref<1x!tpu.dma_semaphore, #tpu.memory_space<semaphore_mem>>
    %dma_start3A_1606 = tpu.memref_squeeze %dma_start3A_1605 : memref<1x!tpu.dma_semaphore, #tpu.memory_space<semaphore_mem>> -> memref<!tpu.dma_semaphore, #tpu.memory_space<semaphore_mem>>
    %dma_start3A_1607 = arith.constant 0 : i32
    %dma_start3A_1608 = arith.constant 0 : i32
    %dma_start3A_1609 = arith.constant 0 : i32
    %dma_start3A_1610 = tpu.memref_slice %arg7[%dma_start3A_1595, %dma_start3A_1607, %dma_start3A_1608, %dma_start3A_1609] : memref<3x8x8x512xf32, #tpu.memory_space<vmem>> -> memref<1x8x8x512xf32, #tpu.memory_space<vmem>>
    %dma_start3A_1611 = tpu.memref_squeeze %dma_start3A_1610 : memref<1x8x8x512xf32, #tpu.memory_space<vmem>> -> memref<8x8x512xf32, #tpu.memory_space<vmem>>
    %dma_start3A_1612 = arith.constant 0 : i32
    %dma_start3A_1613 = arith.constant 0 : i32
    %dma_start3A_1614 = tpu.memref_slice %arg2[%squeeze3A_1594, %dma_start3A_1612, %dma_start3A_1613] : memref<6144x8x512xf32, #tpu.memory_space<hbm>> -> memref<8x8x512xf32, #tpu.memory_space<hbm>>
    tpu.enqueue_dma source(%dma_start3A_1614 : memref<8x8x512xf32, #tpu.memory_space<hbm>>) target(%dma_start3A_1611 : memref<8x8x512xf32, #tpu.memory_space<vmem>>) target_semaphore(%dma_start3A_1606 : memref<!tpu.dma_semaphore, #tpu.memory_space<semaphore_mem>>)
    %get3A_1615 = arith.constant 120 : index
    %get3A_1616 = tpu.vector_load %arg6[%get3A_1615] {strides = array<i32>} : memref<208xi32, #tpu.memory_space<vmem>>, vector<16xi32>,
    %slice3A_1617 = vector.extract_strided_slice %get3A_1616 {offsets = [0], sizes = [1], strides = [1]} : vector<16xi32> to vector<1xi32>
    %squeeze3A_1618 = vector.extract %slice3A_1617[0] : i32 from vector<1xi32>
    %dma_wait3A_1619 = arith.constant 0 : i32
    %dma_wait3A_1620 = arith.constant 0 : i32
    %dma_wait3A_1621 = arith.constant 0 : i32
    %dma_wait3A_1622 = arith.constant 0 : i32
    %dma_wait3A_1623 = arith.constant 0 : i32
    %dma_wait3A_1624 = tpu.memref_slice %arg7[%dma_wait3A_1619, %dma_wait3A_1621, %dma_wait3A_1622, %dma_wait3A_1623] : memref<3x8x8x512xf32, #tpu.memory_space<vmem>> -> memref<1x8x8x512xf32, #tpu.memory_space<vmem>>
    %dma_wait3A_1625 = tpu.memref_squeeze %dma_wait3A_1624 : memref<1x8x8x512xf32, #tpu.memory_space<vmem>> -> memref<8x8x512xf32, #tpu.memory_space<vmem>>
    %dma_wait3A_1626 = arith.constant 0 : i32
    %dma_wait3A_1627 = arith.constant 0 : i32
    %dma_wait3A_1628 = tpu.memref_slice %arg2[%squeeze3A_1618, %dma_wait3A_1626, %dma_wait3A_1627] : memref<6144x8x512xf32, #tpu.memory_space<hbm>> -> memref<8x8x512xf32, #tpu.memory_space<hbm>>
    %dma_wait3A_1629 = tpu.memref_slice %arg8[%dma_wait3A_1620] : memref<3x!tpu.dma_semaphore, #tpu.memory_space<semaphore_mem>> -> memref<1x!tpu.dma_semaphore, #tpu.memory_space<semaphore_mem>>
    %dma_wait3A_1630 = tpu.memref_squeeze %dma_wait3A_1629 : memref<1x!tpu.dma_semaphore, #tpu.memory_space<semaphore_mem>> -> memref<!tpu.dma_semaphore, #tpu.memory_space<semaphore_mem>>
    %dma_wait3A_1631 = arith.constant 0 : i32
    %dma_wait3A_1632 = arith.constant 0 : i32
    %dma_wait3A_1633 = arith.constant 0 : i32
    %dma_wait3A_1634 = tpu.memref_slice %arg7[%dma_wait3A_1619, %dma_wait3A_1631, %dma_wait3A_1632, %dma_wait3A_1633] : memref<3x8x8x512xf32, #tpu.memory_space<vmem>> -> memref<1x8x8x512xf32, #tpu.memory_space<vmem>>
    %dma_wait3A_1635 = tpu.memref_squeeze %dma_wait3A_1634 : memref<1x8x8x512xf32, #tpu.memory_space<vmem>> -> memref<8x8x512xf32, #tpu.memory_space<vmem>>
    %dma_wait3A_1636 = arith.constant 0 : i32
    %dma_wait3A_1637 = arith.constant 0 : i32
    %dma_wait3A_1638 = tpu.memref_slice %arg2[%squeeze3A_1618, %dma_wait3A_1636, %dma_wait3A_1637] : memref<6144x8x512xf32, #tpu.memory_space<hbm>> -> memref<8x8x512xf32, #tpu.memory_space<hbm>>
    tpu.wait_dma2 semaphore(%dma_wait3A_1630 : memref<!tpu.dma_semaphore, #tpu.memory_space<semaphore_mem>>) src(%dma_wait3A_1638 : memref<8x8x512xf32, #tpu.memory_space<hbm>>) dst(%dma_wait3A_1635 : memref<8x8x512xf32, #tpu.memory_space<vmem>>)
    %add3A_1639 = arith.constant 120 : i32
    %add3A_1640 = arith.addi %mul3A_2, %add3A_1639 : i32
    %dma_start3A_1641 = arith.constant 0 : i32
    %dma_start3A_1642 = arith.constant 0 : i32
    %dma_start3A_1643 = arith.constant 0 : i32
    %dma_start3A_1644 = arith.constant 0 : i32
    %dma_start3A_1645 = arith.constant 0 : i32
    %dma_start3A_1646 = tpu.memref_slice %arg7[%dma_start3A_1641, %dma_start3A_1643, %dma_start3A_1644, %dma_start3A_1645] : memref<3x8x8x512xf32, #tpu.memory_space<vmem>> -> memref<1x8x8x512xf32, #tpu.memory_space<vmem>>
    %dma_start3A_1647 = tpu.memref_squeeze %dma_start3A_1646 : memref<1x8x8x512xf32, #tpu.memory_space<vmem>> -> memref<8x8x512xf32, #tpu.memory_space<vmem>>
    %dma_start3A_1648 = arith.constant 0 : i32
    %dma_start3A_1649 = arith.constant 0 : i32
    %dma_start3A_1650 = tpu.memref_slice %arg4[%add3A_1640, %dma_start3A_1648, %dma_start3A_1649] : memref<6144x8x512xf32, #tpu.memory_space<hbm>> -> memref<8x8x512xf32, #tpu.memory_space<hbm>>
    %dma_start3A_1651 = tpu.memref_slice %arg9[%dma_start3A_1642] : memref<3x!tpu.dma_semaphore, #tpu.memory_space<semaphore_mem>> -> memref<1x!tpu.dma_semaphore, #tpu.memory_space<semaphore_mem>>
    %dma_start3A_1652 = tpu.memref_squeeze %dma_start3A_1651 : memref<1x!tpu.dma_semaphore, #tpu.memory_space<semaphore_mem>> -> memref<!tpu.dma_semaphore, #tpu.memory_space<semaphore_mem>>
    %dma_start3A_1653 = arith.constant 0 : i32
    %dma_start3A_1654 = arith.constant 0 : i32
    %dma_start3A_1655 = tpu.memref_slice %arg4[%add3A_1640, %dma_start3A_1653, %dma_start3A_1654] : memref<6144x8x512xf32, #tpu.memory_space<hbm>> -> memref<8x8x512xf32, #tpu.memory_space<hbm>>
    %dma_start3A_1656 = arith.constant 0 : i32
    %dma_start3A_1657 = arith.constant 0 : i32
    %dma_start3A_1658 = arith.constant 0 : i32
    %dma_start3A_1659 = tpu.memref_slice %arg7[%dma_start3A_1641, %dma_start3A_1656, %dma_start3A_1657, %dma_start3A_1658] : memref<3x8x8x512xf32, #tpu.memory_space<vmem>> -> memref<1x8x8x512xf32, #tpu.memory_space<vmem>>
    %dma_start3A_1660 = tpu.memref_squeeze %dma_start3A_1659 : memref<1x8x8x512xf32, #tpu.memory_space<vmem>> -> memref<8x8x512xf32, #tpu.memory_space<vmem>>
    tpu.enqueue_dma source(%dma_start3A_1660 : memref<8x8x512xf32, #tpu.memory_space<vmem>>) target(%dma_start3A_1655 : memref<8x8x512xf32, #tpu.memory_space<hbm>>) target_semaphore(%dma_start3A_1652 : memref<!tpu.dma_semaphore, #tpu.memory_space<semaphore_mem>>)
    %add3A_1661 = arith.constant 112 : i32
    %add3A_1662 = arith.addi %mul3A_2, %add3A_1661 : i32
    %dma_wait3A_1663 = arith.constant 2 : i32
    %dma_wait3A_1664 = arith.constant 2 : i32
    %dma_wait3A_1665 = arith.constant 0 : i32
    %dma_wait3A_1666 = arith.constant 0 : i32
    %dma_wait3A_1667 = arith.constant 0 : i32
    %dma_wait3A_1668 = tpu.memref_slice %arg7[%dma_wait3A_1663, %dma_wait3A_1665, %dma_wait3A_1666, %dma_wait3A_1667] : memref<3x8x8x512xf32, #tpu.memory_space<vmem>> -> memref<1x8x8x512xf32, #tpu.memory_space<vmem>>
    %dma_wait3A_1669 = tpu.memref_squeeze %dma_wait3A_1668 : memref<1x8x8x512xf32, #tpu.memory_space<vmem>> -> memref<8x8x512xf32, #tpu.memory_space<vmem>>
    %dma_wait3A_1670 = arith.constant 0 : i32
    %dma_wait3A_1671 = arith.constant 0 : i32
    %dma_wait3A_1672 = tpu.memref_slice %arg4[%add3A_1662, %dma_wait3A_1670, %dma_wait3A_1671] : memref<6144x8x512xf32, #tpu.memory_space<hbm>> -> memref<8x8x512xf32, #tpu.memory_space<hbm>>
    %dma_wait3A_1673 = tpu.memref_slice %arg9[%dma_wait3A_1664] : memref<3x!tpu.dma_semaphore, #tpu.memory_space<semaphore_mem>> -> memref<1x!tpu.dma_semaphore, #tpu.memory_space<semaphore_mem>>
    %dma_wait3A_1674 = tpu.memref_squeeze %dma_wait3A_1673 : memref<1x!tpu.dma_semaphore, #tpu.memory_space<semaphore_mem>> -> memref<!tpu.dma_semaphore, #tpu.memory_space<semaphore_mem>>
    %dma_wait3A_1675 = arith.constant 0 : i32
    %dma_wait3A_1676 = arith.constant 0 : i32
    %dma_wait3A_1677 = tpu.memref_slice %arg4[%add3A_1662, %dma_wait3A_1675, %dma_wait3A_1676] : memref<6144x8x512xf32, #tpu.memory_space<hbm>> -> memref<8x8x512xf32, #tpu.memory_space<hbm>>
    %dma_wait3A_1678 = arith.constant 0 : i32
    %dma_wait3A_1679 = arith.constant 0 : i32
    %dma_wait3A_1680 = arith.constant 0 : i32
    %dma_wait3A_1681 = tpu.memref_slice %arg7[%dma_wait3A_1663, %dma_wait3A_1678, %dma_wait3A_1679, %dma_wait3A_1680] : memref<3x8x8x512xf32, #tpu.memory_space<vmem>> -> memref<1x8x8x512xf32, #tpu.memory_space<vmem>>
    %dma_wait3A_1682 = tpu.memref_squeeze %dma_wait3A_1681 : memref<1x8x8x512xf32, #tpu.memory_space<vmem>> -> memref<8x8x512xf32, #tpu.memory_space<vmem>>
    tpu.wait_dma2 semaphore(%dma_wait3A_1674 : memref<!tpu.dma_semaphore, #tpu.memory_space<semaphore_mem>>) src(%dma_wait3A_1682 : memref<8x8x512xf32, #tpu.memory_space<vmem>>) dst(%dma_wait3A_1677 : memref<8x8x512xf32, #tpu.memory_space<hbm>>)
    %get3A_1683 = arith.constant 136 : index
    %get3A_1684 = tpu.vector_load %arg6[%get3A_1683] {strides = array<i32>} : memref<208xi32, #tpu.memory_space<vmem>>, vector<16xi32>,
    %slice3A_1685 = vector.extract_strided_slice %get3A_1684 {offsets = [0], sizes = [1], strides = [1]} : vector<16xi32> to vector<1xi32>
    %squeeze3A_1686 = vector.extract %slice3A_1685[0] : i32 from vector<1xi32>
    %dma_start3A_1687 = arith.constant 2 : i32
    %dma_start3A_1688 = arith.constant 2 : i32
    %dma_start3A_1689 = arith.constant 0 : i32
    %dma_start3A_1690 = arith.constant 0 : i32
    %dma_start3A_1691 = arith.constant 0 : i32
    %dma_start3A_1692 = tpu.memref_slice %arg7[%dma_start3A_1687, %dma_start3A_1689, %dma_start3A_1690, %dma_start3A_1691] : memref<3x8x8x512xf32, #tpu.memory_space<vmem>> -> memref<1x8x8x512xf32, #tpu.memory_space<vmem>>
    %dma_start3A_1693 = tpu.memref_squeeze %dma_start3A_1692 : memref<1x8x8x512xf32, #tpu.memory_space<vmem>> -> memref<8x8x512xf32, #tpu.memory_space<vmem>>
    %dma_start3A_1694 = arith.constant 0 : i32
    %dma_start3A_1695 = arith.constant 0 : i32
    %dma_start3A_1696 = tpu.memref_slice %arg2[%squeeze3A_1686, %dma_start3A_1694, %dma_start3A_1695] : memref<6144x8x512xf32, #tpu.memory_space<hbm>> -> memref<8x8x512xf32, #tpu.memory_space<hbm>>
    %dma_start3A_1697 = tpu.memref_slice %arg8[%dma_start3A_1688] : memref<3x!tpu.dma_semaphore, #tpu.memory_space<semaphore_mem>> -> memref<1x!tpu.dma_semaphore, #tpu.memory_space<semaphore_mem>>
    %dma_start3A_1698 = tpu.memref_squeeze %dma_start3A_1697 : memref<1x!tpu.dma_semaphore, #tpu.memory_space<semaphore_mem>> -> memref<!tpu.dma_semaphore, #tpu.memory_space<semaphore_mem>>
    %dma_start3A_1699 = arith.constant 0 : i32
    %dma_start3A_1700 = arith.constant 0 : i32
    %dma_start3A_1701 = arith.constant 0 : i32
    %dma_start3A_1702 = tpu.memref_slice %arg7[%dma_start3A_1687, %dma_start3A_1699, %dma_start3A_1700, %dma_start3A_1701] : memref<3x8x8x512xf32, #tpu.memory_space<vmem>> -> memref<1x8x8x512xf32, #tpu.memory_space<vmem>>
    %dma_start3A_1703 = tpu.memref_squeeze %dma_start3A_1702 : memref<1x8x8x512xf32, #tpu.memory_space<vmem>> -> memref<8x8x512xf32, #tpu.memory_space<vmem>>
    %dma_start3A_1704 = arith.constant 0 : i32
    %dma_start3A_1705 = arith.constant 0 : i32
    %dma_start3A_1706 = tpu.memref_slice %arg2[%squeeze3A_1686, %dma_start3A_1704, %dma_start3A_1705] : memref<6144x8x512xf32, #tpu.memory_space<hbm>> -> memref<8x8x512xf32, #tpu.memory_space<hbm>>
    tpu.enqueue_dma source(%dma_start3A_1706 : memref<8x8x512xf32, #tpu.memory_space<hbm>>) target(%dma_start3A_1703 : memref<8x8x512xf32, #tpu.memory_space<vmem>>) target_semaphore(%dma_start3A_1698 : memref<!tpu.dma_semaphore, #tpu.memory_space<semaphore_mem>>)
    %get3A_1707 = arith.constant 128 : index
    %get3A_1708 = tpu.vector_load %arg6[%get3A_1707] {strides = array<i32>} : memref<208xi32, #tpu.memory_space<vmem>>, vector<16xi32>,
    %slice3A_1709 = vector.extract_strided_slice %get3A_1708 {offsets = [0], sizes = [1], strides = [1]} : vector<16xi32> to vector<1xi32>
    %squeeze3A_1710 = vector.extract %slice3A_1709[0] : i32 from vector<1xi32>
    %dma_wait3A_1711 = arith.constant 1 : i32
    %dma_wait3A_1712 = arith.constant 1 : i32
    %dma_wait3A_1713 = arith.constant 0 : i32
    %dma_wait3A_1714 = arith.constant 0 : i32
    %dma_wait3A_1715 = arith.constant 0 : i32
    %dma_wait3A_1716 = tpu.memref_slice %arg7[%dma_wait3A_1711, %dma_wait3A_1713, %dma_wait3A_1714, %dma_wait3A_1715] : memref<3x8x8x512xf32, #tpu.memory_space<vmem>> -> memref<1x8x8x512xf32, #tpu.memory_space<vmem>>
    %dma_wait3A_1717 = tpu.memref_squeeze %dma_wait3A_1716 : memref<1x8x8x512xf32, #tpu.memory_space<vmem>> -> memref<8x8x512xf32, #tpu.memory_space<vmem>>
    %dma_wait3A_1718 = arith.constant 0 : i32
    %dma_wait3A_1719 = arith.constant 0 : i32
    %dma_wait3A_1720 = tpu.memref_slice %arg2[%squeeze3A_1710, %dma_wait3A_1718, %dma_wait3A_1719] : memref<6144x8x512xf32, #tpu.memory_space<hbm>> -> memref<8x8x512xf32, #tpu.memory_space<hbm>>
    %dma_wait3A_1721 = tpu.memref_slice %arg8[%dma_wait3A_1712] : memref<3x!tpu.dma_semaphore, #tpu.memory_space<semaphore_mem>> -> memref<1x!tpu.dma_semaphore, #tpu.memory_space<semaphore_mem>>
    %dma_wait3A_1722 = tpu.memref_squeeze %dma_wait3A_1721 : memref<1x!tpu.dma_semaphore, #tpu.memory_space<semaphore_mem>> -> memref<!tpu.dma_semaphore, #tpu.memory_space<semaphore_mem>>
    %dma_wait3A_1723 = arith.constant 0 : i32
    %dma_wait3A_1724 = arith.constant 0 : i32
    %dma_wait3A_1725 = arith.constant 0 : i32
    %dma_wait3A_1726 = tpu.memref_slice %arg7[%dma_wait3A_1711, %dma_wait3A_1723, %dma_wait3A_1724, %dma_wait3A_1725] : memref<3x8x8x512xf32, #tpu.memory_space<vmem>> -> memref<1x8x8x512xf32, #tpu.memory_space<vmem>>
    %dma_wait3A_1727 = tpu.memref_squeeze %dma_wait3A_1726 : memref<1x8x8x512xf32, #tpu.memory_space<vmem>> -> memref<8x8x512xf32, #tpu.memory_space<vmem>>
    %dma_wait3A_1728 = arith.constant 0 : i32
    %dma_wait3A_1729 = arith.constant 0 : i32
    %dma_wait3A_1730 = tpu.memref_slice %arg2[%squeeze3A_1710, %dma_wait3A_1728, %dma_wait3A_1729] : memref<6144x8x512xf32, #tpu.memory_space<hbm>> -> memref<8x8x512xf32, #tpu.memory_space<hbm>>
    tpu.wait_dma2 semaphore(%dma_wait3A_1722 : memref<!tpu.dma_semaphore, #tpu.memory_space<semaphore_mem>>) src(%dma_wait3A_1730 : memref<8x8x512xf32, #tpu.memory_space<hbm>>) dst(%dma_wait3A_1727 : memref<8x8x512xf32, #tpu.memory_space<vmem>>)
    %add3A_1731 = arith.constant 128 : i32
    %add3A_1732 = arith.addi %mul3A_2, %add3A_1731 : i32
    %dma_start3A_1733 = arith.constant 1 : i32
    %dma_start3A_1734 = arith.constant 1 : i32
    %dma_start3A_1735 = arith.constant 0 : i32
    %dma_start3A_1736 = arith.constant 0 : i32
    %dma_start3A_1737 = arith.constant 0 : i32
    %dma_start3A_1738 = tpu.memref_slice %arg7[%dma_start3A_1733, %dma_start3A_1735, %dma_start3A_1736, %dma_start3A_1737] : memref<3x8x8x512xf32, #tpu.memory_space<vmem>> -> memref<1x8x8x512xf32, #tpu.memory_space<vmem>>
    %dma_start3A_1739 = tpu.memref_squeeze %dma_start3A_1738 : memref<1x8x8x512xf32, #tpu.memory_space<vmem>> -> memref<8x8x512xf32, #tpu.memory_space<vmem>>
    %dma_start3A_1740 = arith.constant 0 : i32
    %dma_start3A_1741 = arith.constant 0 : i32
    %dma_start3A_1742 = tpu.memref_slice %arg4[%add3A_1732, %dma_start3A_1740, %dma_start3A_1741] : memref<6144x8x512xf32, #tpu.memory_space<hbm>> -> memref<8x8x512xf32, #tpu.memory_space<hbm>>
    %dma_start3A_1743 = tpu.memref_slice %arg9[%dma_start3A_1734] : memref<3x!tpu.dma_semaphore, #tpu.memory_space<semaphore_mem>> -> memref<1x!tpu.dma_semaphore, #tpu.memory_space<semaphore_mem>>
    %dma_start3A_1744 = tpu.memref_squeeze %dma_start3A_1743 : memref<1x!tpu.dma_semaphore, #tpu.memory_space<semaphore_mem>> -> memref<!tpu.dma_semaphore, #tpu.memory_space<semaphore_mem>>
    %dma_start3A_1745 = arith.constant 0 : i32
    %dma_start3A_1746 = arith.constant 0 : i32
    %dma_start3A_1747 = tpu.memref_slice %arg4[%add3A_1732, %dma_start3A_1745, %dma_start3A_1746] : memref<6144x8x512xf32, #tpu.memory_space<hbm>> -> memref<8x8x512xf32, #tpu.memory_space<hbm>>
    %dma_start3A_1748 = arith.constant 0 : i32
    %dma_start3A_1749 = arith.constant 0 : i32
    %dma_start3A_1750 = arith.constant 0 : i32
    %dma_start3A_1751 = tpu.memref_slice %arg7[%dma_start3A_1733, %dma_start3A_1748, %dma_start3A_1749, %dma_start3A_1750] : memref<3x8x8x512xf32, #tpu.memory_space<vmem>> -> memref<1x8x8x512xf32, #tpu.memory_space<vmem>>
    %dma_start3A_1752 = tpu.memref_squeeze %dma_start3A_1751 : memref<1x8x8x512xf32, #tpu.memory_space<vmem>> -> memref<8x8x512xf32, #tpu.memory_space<vmem>>
    tpu.enqueue_dma source(%dma_start3A_1752 : memref<8x8x512xf32, #tpu.memory_space<vmem>>) target(%dma_start3A_1747 : memref<8x8x512xf32, #tpu.memory_space<hbm>>) target_semaphore(%dma_start3A_1744 : memref<!tpu.dma_semaphore, #tpu.memory_space<semaphore_mem>>)
    %add3A_1753 = arith.constant 120 : i32
    %add3A_1754 = arith.addi %mul3A_2, %add3A_1753 : i32
    %dma_wait3A_1755 = arith.constant 0 : i32
    %dma_wait3A_1756 = arith.constant 0 : i32
    %dma_wait3A_1757 = arith.constant 0 : i32
    %dma_wait3A_1758 = arith.constant 0 : i32
    %dma_wait3A_1759 = arith.constant 0 : i32
    %dma_wait3A_1760 = tpu.memref_slice %arg7[%dma_wait3A_1755, %dma_wait3A_1757, %dma_wait3A_1758, %dma_wait3A_1759] : memref<3x8x8x512xf32, #tpu.memory_space<vmem>> -> memref<1x8x8x512xf32, #tpu.memory_space<vmem>>
    %dma_wait3A_1761 = tpu.memref_squeeze %dma_wait3A_1760 : memref<1x8x8x512xf32, #tpu.memory_space<vmem>> -> memref<8x8x512xf32, #tpu.memory_space<vmem>>
    %dma_wait3A_1762 = arith.constant 0 : i32
    %dma_wait3A_1763 = arith.constant 0 : i32
    %dma_wait3A_1764 = tpu.memref_slice %arg4[%add3A_1754, %dma_wait3A_1762, %dma_wait3A_1763] : memref<6144x8x512xf32, #tpu.memory_space<hbm>> -> memref<8x8x512xf32, #tpu.memory_space<hbm>>
    %dma_wait3A_1765 = tpu.memref_slice %arg9[%dma_wait3A_1756] : memref<3x!tpu.dma_semaphore, #tpu.memory_space<semaphore_mem>> -> memref<1x!tpu.dma_semaphore, #tpu.memory_space<semaphore_mem>>
    %dma_wait3A_1766 = tpu.memref_squeeze %dma_wait3A_1765 : memref<1x!tpu.dma_semaphore, #tpu.memory_space<semaphore_mem>> -> memref<!tpu.dma_semaphore, #tpu.memory_space<semaphore_mem>>
    %dma_wait3A_1767 = arith.constant 0 : i32
    %dma_wait3A_1768 = arith.constant 0 : i32
    %dma_wait3A_1769 = tpu.memref_slice %arg4[%add3A_1754, %dma_wait3A_1767, %dma_wait3A_1768] : memref<6144x8x512xf32, #tpu.memory_space<hbm>> -> memref<8x8x512xf32, #tpu.memory_space<hbm>>
    %dma_wait3A_1770 = arith.constant 0 : i32
    %dma_wait3A_1771 = arith.constant 0 : i32
    %dma_wait3A_1772 = arith.constant 0 : i32
    %dma_wait3A_1773 = tpu.memref_slice %arg7[%dma_wait3A_1755, %dma_wait3A_1770, %dma_wait3A_1771, %dma_wait3A_1772] : memref<3x8x8x512xf32, #tpu.memory_space<vmem>> -> memref<1x8x8x512xf32, #tpu.memory_space<vmem>>
    %dma_wait3A_1774 = tpu.memref_squeeze %dma_wait3A_1773 : memref<1x8x8x512xf32, #tpu.memory_space<vmem>> -> memref<8x8x512xf32, #tpu.memory_space<vmem>>
    tpu.wait_dma2 semaphore(%dma_wait3A_1766 : memref<!tpu.dma_semaphore, #tpu.memory_space<semaphore_mem>>) src(%dma_wait3A_1774 : memref<8x8x512xf32, #tpu.memory_space<vmem>>) dst(%dma_wait3A_1769 : memref<8x8x512xf32, #tpu.memory_space<hbm>>)
    %get3A_1775 = arith.constant 144 : index
    %get3A_1776 = tpu.vector_load %arg6[%get3A_1775] {strides = array<i32>} : memref<208xi32, #tpu.memory_space<vmem>>, vector<16xi32>,
    %slice3A_1777 = vector.extract_strided_slice %get3A_1776 {offsets = [0], sizes = [1], strides = [1]} : vector<16xi32> to vector<1xi32>
    %squeeze3A_1778 = vector.extract %slice3A_1777[0] : i32 from vector<1xi32>
    %dma_start3A_1779 = arith.constant 0 : i32
    %dma_start3A_1780 = arith.constant 0 : i32
    %dma_start3A_1781 = arith.constant 0 : i32
    %dma_start3A_1782 = arith.constant 0 : i32
    %dma_start3A_1783 = arith.constant 0 : i32
    %dma_start3A_1784 = tpu.memref_slice %arg7[%dma_start3A_1779, %dma_start3A_1781, %dma_start3A_1782, %dma_start3A_1783] : memref<3x8x8x512xf32, #tpu.memory_space<vmem>> -> memref<1x8x8x512xf32, #tpu.memory_space<vmem>>
    %dma_start3A_1785 = tpu.memref_squeeze %dma_start3A_1784 : memref<1x8x8x512xf32, #tpu.memory_space<vmem>> -> memref<8x8x512xf32, #tpu.memory_space<vmem>>
    %dma_start3A_1786 = arith.constant 0 : i32
    %dma_start3A_1787 = arith.constant 0 : i32
    %dma_start3A_1788 = tpu.memref_slice %arg2[%squeeze3A_1778, %dma_start3A_1786, %dma_start3A_1787] : memref<6144x8x512xf32, #tpu.memory_space<hbm>> -> memref<8x8x512xf32, #tpu.memory_space<hbm>>
    %dma_start3A_1789 = tpu.memref_slice %arg8[%dma_start3A_1780] : memref<3x!tpu.dma_semaphore, #tpu.memory_space<semaphore_mem>> -> memref<1x!tpu.dma_semaphore, #tpu.memory_space<semaphore_mem>>
    %dma_start3A_1790 = tpu.memref_squeeze %dma_start3A_1789 : memref<1x!tpu.dma_semaphore, #tpu.memory_space<semaphore_mem>> -> memref<!tpu.dma_semaphore, #tpu.memory_space<semaphore_mem>>
    %dma_start3A_1791 = arith.constant 0 : i32
    %dma_start3A_1792 = arith.constant 0 : i32
    %dma_start3A_1793 = arith.constant 0 : i32
    %dma_start3A_1794 = tpu.memref_slice %arg7[%dma_start3A_1779, %dma_start3A_1791, %dma_start3A_1792, %dma_start3A_1793] : memref<3x8x8x512xf32, #tpu.memory_space<vmem>> -> memref<1x8x8x512xf32, #tpu.memory_space<vmem>>
    %dma_start3A_1795 = tpu.memref_squeeze %dma_start3A_1794 : memref<1x8x8x512xf32, #tpu.memory_space<vmem>> -> memref<8x8x512xf32, #tpu.memory_space<vmem>>
    %dma_start3A_1796 = arith.constant 0 : i32
    %dma_start3A_1797 = arith.constant 0 : i32
    %dma_start3A_1798 = tpu.memref_slice %arg2[%squeeze3A_1778, %dma_start3A_1796, %dma_start3A_1797] : memref<6144x8x512xf32, #tpu.memory_space<hbm>> -> memref<8x8x512xf32, #tpu.memory_space<hbm>>
    tpu.enqueue_dma source(%dma_start3A_1798 : memref<8x8x512xf32, #tpu.memory_space<hbm>>) target(%dma_start3A_1795 : memref<8x8x512xf32, #tpu.memory_space<vmem>>) target_semaphore(%dma_start3A_1790 : memref<!tpu.dma_semaphore, #tpu.memory_space<semaphore_mem>>)
    %get3A_1799 = arith.constant 136 : index
    %get3A_1800 = tpu.vector_load %arg6[%get3A_1799] {strides = array<i32>} : memref<208xi32, #tpu.memory_space<vmem>>, vector<16xi32>,
    %slice3A_1801 = vector.extract_strided_slice %get3A_1800 {offsets = [0], sizes = [1], strides = [1]} : vector<16xi32> to vector<1xi32>
    %squeeze3A_1802 = vector.extract %slice3A_1801[0] : i32 from vector<1xi32>
    %dma_wait3A_1803 = arith.constant 2 : i32
    %dma_wait3A_1804 = arith.constant 2 : i32
    %dma_wait3A_1805 = arith.constant 0 : i32
    %dma_wait3A_1806 = arith.constant 0 : i32
    %dma_wait3A_1807 = arith.constant 0 : i32
    %dma_wait3A_1808 = tpu.memref_slice %arg7[%dma_wait3A_1803, %dma_wait3A_1805, %dma_wait3A_1806, %dma_wait3A_1807] : memref<3x8x8x512xf32, #tpu.memory_space<vmem>> -> memref<1x8x8x512xf32, #tpu.memory_space<vmem>>
    %dma_wait3A_1809 = tpu.memref_squeeze %dma_wait3A_1808 : memref<1x8x8x512xf32, #tpu.memory_space<vmem>> -> memref<8x8x512xf32, #tpu.memory_space<vmem>>
    %dma_wait3A_1810 = arith.constant 0 : i32
    %dma_wait3A_1811 = arith.constant 0 : i32
    %dma_wait3A_1812 = tpu.memref_slice %arg2[%squeeze3A_1802, %dma_wait3A_1810, %dma_wait3A_1811] : memref<6144x8x512xf32, #tpu.memory_space<hbm>> -> memref<8x8x512xf32, #tpu.memory_space<hbm>>
    %dma_wait3A_1813 = tpu.memref_slice %arg8[%dma_wait3A_1804] : memref<3x!tpu.dma_semaphore, #tpu.memory_space<semaphore_mem>> -> memref<1x!tpu.dma_semaphore, #tpu.memory_space<semaphore_mem>>
    %dma_wait3A_1814 = tpu.memref_squeeze %dma_wait3A_1813 : memref<1x!tpu.dma_semaphore, #tpu.memory_space<semaphore_mem>> -> memref<!tpu.dma_semaphore, #tpu.memory_space<semaphore_mem>>
    %dma_wait3A_1815 = arith.constant 0 : i32
    %dma_wait3A_1816 = arith.constant 0 : i32
    %dma_wait3A_1817 = arith.constant 0 : i32
    %dma_wait3A_1818 = tpu.memref_slice %arg7[%dma_wait3A_1803, %dma_wait3A_1815, %dma_wait3A_1816, %dma_wait3A_1817] : memref<3x8x8x512xf32, #tpu.memory_space<vmem>> -> memref<1x8x8x512xf32, #tpu.memory_space<vmem>>
    %dma_wait3A_1819 = tpu.memref_squeeze %dma_wait3A_1818 : memref<1x8x8x512xf32, #tpu.memory_space<vmem>> -> memref<8x8x512xf32, #tpu.memory_space<vmem>>
    %dma_wait3A_1820 = arith.constant 0 : i32
    %dma_wait3A_1821 = arith.constant 0 : i32
    %dma_wait3A_1822 = tpu.memref_slice %arg2[%squeeze3A_1802, %dma_wait3A_1820, %dma_wait3A_1821] : memref<6144x8x512xf32, #tpu.memory_space<hbm>> -> memref<8x8x512xf32, #tpu.memory_space<hbm>>
    tpu.wait_dma2 semaphore(%dma_wait3A_1814 : memref<!tpu.dma_semaphore, #tpu.memory_space<semaphore_mem>>) src(%dma_wait3A_1822 : memref<8x8x512xf32, #tpu.memory_space<hbm>>) dst(%dma_wait3A_1819 : memref<8x8x512xf32, #tpu.memory_space<vmem>>)
    %add3A_1823 = arith.constant 136 : i32
    %add3A_1824 = arith.addi %mul3A_2, %add3A_1823 : i32
    %dma_start3A_1825 = arith.constant 2 : i32
    %dma_start3A_1826 = arith.constant 2 : i32
    %dma_start3A_1827 = arith.constant 0 : i32
    %dma_start3A_1828 = arith.constant 0 : i32
    %dma_start3A_1829 = arith.constant 0 : i32
    %dma_start3A_1830 = tpu.memref_slice %arg7[%dma_start3A_1825, %dma_start3A_1827, %dma_start3A_1828, %dma_start3A_1829] : memref<3x8x8x512xf32, #tpu.memory_space<vmem>> -> memref<1x8x8x512xf32, #tpu.memory_space<vmem>>
    %dma_start3A_1831 = tpu.memref_squeeze %dma_start3A_1830 : memref<1x8x8x512xf32, #tpu.memory_space<vmem>> -> memref<8x8x512xf32, #tpu.memory_space<vmem>>
    %dma_start3A_1832 = arith.constant 0 : i32
    %dma_start3A_1833 = arith.constant 0 : i32
    %dma_start3A_1834 = tpu.memref_slice %arg4[%add3A_1824, %dma_start3A_1832, %dma_start3A_1833] : memref<6144x8x512xf32, #tpu.memory_space<hbm>> -> memref<8x8x512xf32, #tpu.memory_space<hbm>>
    %dma_start3A_1835 = tpu.memref_slice %arg9[%dma_start3A_1826] : memref<3x!tpu.dma_semaphore, #tpu.memory_space<semaphore_mem>> -> memref<1x!tpu.dma_semaphore, #tpu.memory_space<semaphore_mem>>
    %dma_start3A_1836 = tpu.memref_squeeze %dma_start3A_1835 : memref<1x!tpu.dma_semaphore, #tpu.memory_space<semaphore_mem>> -> memref<!tpu.dma_semaphore, #tpu.memory_space<semaphore_mem>>
    %dma_start3A_1837 = arith.constant 0 : i32
    %dma_start3A_1838 = arith.constant 0 : i32
    %dma_start3A_1839 = tpu.memref_slice %arg4[%add3A_1824, %dma_start3A_1837, %dma_start3A_1838] : memref<6144x8x512xf32, #tpu.memory_space<hbm>> -> memref<8x8x512xf32, #tpu.memory_space<hbm>>
    %dma_start3A_1840 = arith.constant 0 : i32
    %dma_start3A_1841 = arith.constant 0 : i32
    %dma_start3A_1842 = arith.constant 0 : i32
    %dma_start3A_1843 = tpu.memref_slice %arg7[%dma_start3A_1825, %dma_start3A_1840, %dma_start3A_1841, %dma_start3A_1842] : memref<3x8x8x512xf32, #tpu.memory_space<vmem>> -> memref<1x8x8x512xf32, #tpu.memory_space<vmem>>
    %dma_start3A_1844 = tpu.memref_squeeze %dma_start3A_1843 : memref<1x8x8x512xf32, #tpu.memory_space<vmem>> -> memref<8x8x512xf32, #tpu.memory_space<vmem>>
    tpu.enqueue_dma source(%dma_start3A_1844 : memref<8x8x512xf32, #tpu.memory_space<vmem>>) target(%dma_start3A_1839 : memref<8x8x512xf32, #tpu.memory_space<hbm>>) target_semaphore(%dma_start3A_1836 : memref<!tpu.dma_semaphore, #tpu.memory_space<semaphore_mem>>)
    %add3A_1845 = arith.constant 128 : i32
    %add3A_1846 = arith.addi %mul3A_2, %add3A_1845 : i32
    %dma_wait3A_1847 = arith.constant 1 : i32
    %dma_wait3A_1848 = arith.constant 1 : i32
    %dma_wait3A_1849 = arith.constant 0 : i32
    %dma_wait3A_1850 = arith.constant 0 : i32
    %dma_wait3A_1851 = arith.constant 0 : i32
    %dma_wait3A_1852 = tpu.memref_slice %arg7[%dma_wait3A_1847, %dma_wait3A_1849, %dma_wait3A_1850, %dma_wait3A_1851] : memref<3x8x8x512xf32, #tpu.memory_space<vmem>> -> memref<1x8x8x512xf32, #tpu.memory_space<vmem>>
    %dma_wait3A_1853 = tpu.memref_squeeze %dma_wait3A_1852 : memref<1x8x8x512xf32, #tpu.memory_space<vmem>> -> memref<8x8x512xf32, #tpu.memory_space<vmem>>
    %dma_wait3A_1854 = arith.constant 0 : i32
    %dma_wait3A_1855 = arith.constant 0 : i32
    %dma_wait3A_1856 = tpu.memref_slice %arg4[%add3A_1846, %dma_wait3A_1854, %dma_wait3A_1855] : memref<6144x8x512xf32, #tpu.memory_space<hbm>> -> memref<8x8x512xf32, #tpu.memory_space<hbm>>
    %dma_wait3A_1857 = tpu.memref_slice %arg9[%dma_wait3A_1848] : memref<3x!tpu.dma_semaphore, #tpu.memory_space<semaphore_mem>> -> memref<1x!tpu.dma_semaphore, #tpu.memory_space<semaphore_mem>>
    %dma_wait3A_1858 = tpu.memref_squeeze %dma_wait3A_1857 : memref<1x!tpu.dma_semaphore, #tpu.memory_space<semaphore_mem>> -> memref<!tpu.dma_semaphore, #tpu.memory_space<semaphore_mem>>
    %dma_wait3A_1859 = arith.constant 0 : i32
    %dma_wait3A_1860 = arith.constant 0 : i32
    %dma_wait3A_1861 = tpu.memref_slice %arg4[%add3A_1846, %dma_wait3A_1859, %dma_wait3A_1860] : memref<6144x8x512xf32, #tpu.memory_space<hbm>> -> memref<8x8x512xf32, #tpu.memory_space<hbm>>
    %dma_wait3A_1862 = arith.constant 0 : i32
    %dma_wait3A_1863 = arith.constant 0 : i32
    %dma_wait3A_1864 = arith.constant 0 : i32
    %dma_wait3A_1865 = tpu.memref_slice %arg7[%dma_wait3A_1847, %dma_wait3A_1862, %dma_wait3A_1863, %dma_wait3A_1864] : memref<3x8x8x512xf32, #tpu.memory_space<vmem>> -> memref<1x8x8x512xf32, #tpu.memory_space<vmem>>
    %dma_wait3A_1866 = tpu.memref_squeeze %dma_wait3A_1865 : memref<1x8x8x512xf32, #tpu.memory_space<vmem>> -> memref<8x8x512xf32, #tpu.memory_space<vmem>>
    tpu.wait_dma2 semaphore(%dma_wait3A_1858 : memref<!tpu.dma_semaphore, #tpu.memory_space<semaphore_mem>>) src(%dma_wait3A_1866 : memref<8x8x512xf32, #tpu.memory_space<vmem>>) dst(%dma_wait3A_1861 : memref<8x8x512xf32, #tpu.memory_space<hbm>>)
    %get3A_1867 = arith.constant 152 : index
    %get3A_1868 = tpu.vector_load %arg6[%get3A_1867] {strides = array<i32>} : memref<208xi32, #tpu.memory_space<vmem>>, vector<16xi32>,
    %slice3A_1869 = vector.extract_strided_slice %get3A_1868 {offsets = [0], sizes = [1], strides = [1]} : vector<16xi32> to vector<1xi32>
    %squeeze3A_1870 = vector.extract %slice3A_1869[0] : i32 from vector<1xi32>
    %dma_start3A_1871 = arith.constant 1 : i32
    %dma_start3A_1872 = arith.constant 1 : i32
    %dma_start3A_1873 = arith.constant 0 : i32
    %dma_start3A_1874 = arith.constant 0 : i32
    %dma_start3A_1875 = arith.constant 0 : i32
    %dma_start3A_1876 = tpu.memref_slice %arg7[%dma_start3A_1871, %dma_start3A_1873, %dma_start3A_1874, %dma_start3A_1875] : memref<3x8x8x512xf32, #tpu.memory_space<vmem>> -> memref<1x8x8x512xf32, #tpu.memory_space<vmem>>
    %dma_start3A_1877 = tpu.memref_squeeze %dma_start3A_1876 : memref<1x8x8x512xf32, #tpu.memory_space<vmem>> -> memref<8x8x512xf32, #tpu.memory_space<vmem>>
    %dma_start3A_1878 = arith.constant 0 : i32
    %dma_start3A_1879 = arith.constant 0 : i32
    %dma_start3A_1880 = tpu.memref_slice %arg2[%squeeze3A_1870, %dma_start3A_1878, %dma_start3A_1879] : memref<6144x8x512xf32, #tpu.memory_space<hbm>> -> memref<8x8x512xf32, #tpu.memory_space<hbm>>
    %dma_start3A_1881 = tpu.memref_slice %arg8[%dma_start3A_1872] : memref<3x!tpu.dma_semaphore, #tpu.memory_space<semaphore_mem>> -> memref<1x!tpu.dma_semaphore, #tpu.memory_space<semaphore_mem>>
    %dma_start3A_1882 = tpu.memref_squeeze %dma_start3A_1881 : memref<1x!tpu.dma_semaphore, #tpu.memory_space<semaphore_mem>> -> memref<!tpu.dma_semaphore, #tpu.memory_space<semaphore_mem>>
    %dma_start3A_1883 = arith.constant 0 : i32
    %dma_start3A_1884 = arith.constant 0 : i32
    %dma_start3A_1885 = arith.constant 0 : i32
    %dma_start3A_1886 = tpu.memref_slice %arg7[%dma_start3A_1871, %dma_start3A_1883, %dma_start3A_1884, %dma_start3A_1885] : memref<3x8x8x512xf32, #tpu.memory_space<vmem>> -> memref<1x8x8x512xf32, #tpu.memory_space<vmem>>
    %dma_start3A_1887 = tpu.memref_squeeze %dma_start3A_1886 : memref<1x8x8x512xf32, #tpu.memory_space<vmem>> -> memref<8x8x512xf32, #tpu.memory_space<vmem>>
    %dma_start3A_1888 = arith.constant 0 : i32
    %dma_start3A_1889 = arith.constant 0 : i32
    %dma_start3A_1890 = tpu.memref_slice %arg2[%squeeze3A_1870, %dma_start3A_1888, %dma_start3A_1889] : memref<6144x8x512xf32, #tpu.memory_space<hbm>> -> memref<8x8x512xf32, #tpu.memory_space<hbm>>
    tpu.enqueue_dma source(%dma_start3A_1890 : memref<8x8x512xf32, #tpu.memory_space<hbm>>) target(%dma_start3A_1887 : memref<8x8x512xf32, #tpu.memory_space<vmem>>) target_semaphore(%dma_start3A_1882 : memref<!tpu.dma_semaphore, #tpu.memory_space<semaphore_mem>>)
    %get3A_1891 = arith.constant 144 : index
    %get3A_1892 = tpu.vector_load %arg6[%get3A_1891] {strides = array<i32>} : memref<208xi32, #tpu.memory_space<vmem>>, vector<16xi32>,
    %slice3A_1893 = vector.extract_strided_slice %get3A_1892 {offsets = [0], sizes = [1], strides = [1]} : vector<16xi32> to vector<1xi32>
    %squeeze3A_1894 = vector.extract %slice3A_1893[0] : i32 from vector<1xi32>
    %dma_wait3A_1895 = arith.constant 0 : i32
    %dma_wait3A_1896 = arith.constant 0 : i32
    %dma_wait3A_1897 = arith.constant 0 : i32
    %dma_wait3A_1898 = arith.constant 0 : i32
    %dma_wait3A_1899 = arith.constant 0 : i32
    %dma_wait3A_1900 = tpu.memref_slice %arg7[%dma_wait3A_1895, %dma_wait3A_1897, %dma_wait3A_1898, %dma_wait3A_1899] : memref<3x8x8x512xf32, #tpu.memory_space<vmem>> -> memref<1x8x8x512xf32, #tpu.memory_space<vmem>>
    %dma_wait3A_1901 = tpu.memref_squeeze %dma_wait3A_1900 : memref<1x8x8x512xf32, #tpu.memory_space<vmem>> -> memref<8x8x512xf32, #tpu.memory_space<vmem>>
    %dma_wait3A_1902 = arith.constant 0 : i32
    %dma_wait3A_1903 = arith.constant 0 : i32
    %dma_wait3A_1904 = tpu.memref_slice %arg2[%squeeze3A_1894, %dma_wait3A_1902, %dma_wait3A_1903] : memref<6144x8x512xf32, #tpu.memory_space<hbm>> -> memref<8x8x512xf32, #tpu.memory_space<hbm>>
    %dma_wait3A_1905 = tpu.memref_slice %arg8[%dma_wait3A_1896] : memref<3x!tpu.dma_semaphore, #tpu.memory_space<semaphore_mem>> -> memref<1x!tpu.dma_semaphore, #tpu.memory_space<semaphore_mem>>
    %dma_wait3A_1906 = tpu.memref_squeeze %dma_wait3A_1905 : memref<1x!tpu.dma_semaphore, #tpu.memory_space<semaphore_mem>> -> memref<!tpu.dma_semaphore, #tpu.memory_space<semaphore_mem>>
    %dma_wait3A_1907 = arith.constant 0 : i32
    %dma_wait3A_1908 = arith.constant 0 : i32
    %dma_wait3A_1909 = arith.constant 0 : i32
    %dma_wait3A_1910 = tpu.memref_slice %arg7[%dma_wait3A_1895, %dma_wait3A_1907, %dma_wait3A_1908, %dma_wait3A_1909] : memref<3x8x8x512xf32, #tpu.memory_space<vmem>> -> memref<1x8x8x512xf32, #tpu.memory_space<vmem>>
    %dma_wait3A_1911 = tpu.memref_squeeze %dma_wait3A_1910 : memref<1x8x8x512xf32, #tpu.memory_space<vmem>> -> memref<8x8x512xf32, #tpu.memory_space<vmem>>
    %dma_wait3A_1912 = arith.constant 0 : i32
    %dma_wait3A_1913 = arith.constant 0 : i32
    %dma_wait3A_1914 = tpu.memref_slice %arg2[%squeeze3A_1894, %dma_wait3A_1912, %dma_wait3A_1913] : memref<6144x8x512xf32, #tpu.memory_space<hbm>> -> memref<8x8x512xf32, #tpu.memory_space<hbm>>
    tpu.wait_dma2 semaphore(%dma_wait3A_1906 : memref<!tpu.dma_semaphore, #tpu.memory_space<semaphore_mem>>) src(%dma_wait3A_1914 : memref<8x8x512xf32, #tpu.memory_space<hbm>>) dst(%dma_wait3A_1911 : memref<8x8x512xf32, #tpu.memory_space<vmem>>)
    %add3A_1915 = arith.constant 144 : i32
    %add3A_1916 = arith.addi %mul3A_2, %add3A_1915 : i32
    %dma_start3A_1917 = arith.constant 0 : i32
    %dma_start3A_1918 = arith.constant 0 : i32
    %dma_start3A_1919 = arith.constant 0 : i32
    %dma_start3A_1920 = arith.constant 0 : i32
    %dma_start3A_1921 = arith.constant 0 : i32
    %dma_start3A_1922 = tpu.memref_slice %arg7[%dma_start3A_1917, %dma_start3A_1919, %dma_start3A_1920, %dma_start3A_1921] : memref<3x8x8x512xf32, #tpu.memory_space<vmem>> -> memref<1x8x8x512xf32, #tpu.memory_space<vmem>>
    %dma_start3A_1923 = tpu.memref_squeeze %dma_start3A_1922 : memref<1x8x8x512xf32, #tpu.memory_space<vmem>> -> memref<8x8x512xf32, #tpu.memory_space<vmem>>
    %dma_start3A_1924 = arith.constant 0 : i32
    %dma_start3A_1925 = arith.constant 0 : i32
    %dma_start3A_1926 = tpu.memref_slice %arg4[%add3A_1916, %dma_start3A_1924, %dma_start3A_1925] : memref<6144x8x512xf32, #tpu.memory_space<hbm>> -> memref<8x8x512xf32, #tpu.memory_space<hbm>>
    %dma_start3A_1927 = tpu.memref_slice %arg9[%dma_start3A_1918] : memref<3x!tpu.dma_semaphore, #tpu.memory_space<semaphore_mem>> -> memref<1x!tpu.dma_semaphore, #tpu.memory_space<semaphore_mem>>
    %dma_start3A_1928 = tpu.memref_squeeze %dma_start3A_1927 : memref<1x!tpu.dma_semaphore, #tpu.memory_space<semaphore_mem>> -> memref<!tpu.dma_semaphore, #tpu.memory_space<semaphore_mem>>
    %dma_start3A_1929 = arith.constant 0 : i32
    %dma_start3A_1930 = arith.constant 0 : i32
    %dma_start3A_1931 = tpu.memref_slice %arg4[%add3A_1916, %dma_start3A_1929, %dma_start3A_1930] : memref<6144x8x512xf32, #tpu.memory_space<hbm>> -> memref<8x8x512xf32, #tpu.memory_space<hbm>>
    %dma_start3A_1932 = arith.constant 0 : i32
    %dma_start3A_1933 = arith.constant 0 : i32
    %dma_start3A_1934 = arith.constant 0 : i32
    %dma_start3A_1935 = tpu.memref_slice %arg7[%dma_start3A_1917, %dma_start3A_1932, %dma_start3A_1933, %dma_start3A_1934] : memref<3x8x8x512xf32, #tpu.memory_space<vmem>> -> memref<1x8x8x512xf32, #tpu.memory_space<vmem>>
    %dma_start3A_1936 = tpu.memref_squeeze %dma_start3A_1935 : memref<1x8x8x512xf32, #tpu.memory_space<vmem>> -> memref<8x8x512xf32, #tpu.memory_space<vmem>>
    tpu.enqueue_dma source(%dma_start3A_1936 : memref<8x8x512xf32, #tpu.memory_space<vmem>>) target(%dma_start3A_1931 : memref<8x8x512xf32, #tpu.memory_space<hbm>>) target_semaphore(%dma_start3A_1928 : memref<!tpu.dma_semaphore, #tpu.memory_space<semaphore_mem>>)
    %add3A_1937 = arith.constant 136 : i32
    %add3A_1938 = arith.addi %mul3A_2, %add3A_1937 : i32
    %dma_wait3A_1939 = arith.constant 2 : i32
    %dma_wait3A_1940 = arith.constant 2 : i32
    %dma_wait3A_1941 = arith.constant 0 : i32
    %dma_wait3A_1942 = arith.constant 0 : i32
    %dma_wait3A_1943 = arith.constant 0 : i32
    %dma_wait3A_1944 = tpu.memref_slice %arg7[%dma_wait3A_1939, %dma_wait3A_1941, %dma_wait3A_1942, %dma_wait3A_1943] : memref<3x8x8x512xf32, #tpu.memory_space<vmem>> -> memref<1x8x8x512xf32, #tpu.memory_space<vmem>>
    %dma_wait3A_1945 = tpu.memref_squeeze %dma_wait3A_1944 : memref<1x8x8x512xf32, #tpu.memory_space<vmem>> -> memref<8x8x512xf32, #tpu.memory_space<vmem>>
    %dma_wait3A_1946 = arith.constant 0 : i32
    %dma_wait3A_1947 = arith.constant 0 : i32
    %dma_wait3A_1948 = tpu.memref_slice %arg4[%add3A_1938, %dma_wait3A_1946, %dma_wait3A_1947] : memref<6144x8x512xf32, #tpu.memory_space<hbm>> -> memref<8x8x512xf32, #tpu.memory_space<hbm>>
    %dma_wait3A_1949 = tpu.memref_slice %arg9[%dma_wait3A_1940] : memref<3x!tpu.dma_semaphore, #tpu.memory_space<semaphore_mem>> -> memref<1x!tpu.dma_semaphore, #tpu.memory_space<semaphore_mem>>
    %dma_wait3A_1950 = tpu.memref_squeeze %dma_wait3A_1949 : memref<1x!tpu.dma_semaphore, #tpu.memory_space<semaphore_mem>> -> memref<!tpu.dma_semaphore, #tpu.memory_space<semaphore_mem>>
    %dma_wait3A_1951 = arith.constant 0 : i32
    %dma_wait3A_1952 = arith.constant 0 : i32
    %dma_wait3A_1953 = tpu.memref_slice %arg4[%add3A_1938, %dma_wait3A_1951, %dma_wait3A_1952] : memref<6144x8x512xf32, #tpu.memory_space<hbm>> -> memref<8x8x512xf32, #tpu.memory_space<hbm>>
    %dma_wait3A_1954 = arith.constant 0 : i32
    %dma_wait3A_1955 = arith.constant 0 : i32
    %dma_wait3A_1956 = arith.constant 0 : i32
    %dma_wait3A_1957 = tpu.memref_slice %arg7[%dma_wait3A_1939, %dma_wait3A_1954, %dma_wait3A_1955, %dma_wait3A_1956] : memref<3x8x8x512xf32, #tpu.memory_space<vmem>> -> memref<1x8x8x512xf32, #tpu.memory_space<vmem>>
    %dma_wait3A_1958 = tpu.memref_squeeze %dma_wait3A_1957 : memref<1x8x8x512xf32, #tpu.memory_space<vmem>> -> memref<8x8x512xf32, #tpu.memory_space<vmem>>
    tpu.wait_dma2 semaphore(%dma_wait3A_1950 : memref<!tpu.dma_semaphore, #tpu.memory_space<semaphore_mem>>) src(%dma_wait3A_1958 : memref<8x8x512xf32, #tpu.memory_space<vmem>>) dst(%dma_wait3A_1953 : memref<8x8x512xf32, #tpu.memory_space<hbm>>)
    %get3A_1959 = arith.constant 160 : index
    %get3A_1960 = tpu.vector_load %arg6[%get3A_1959] {strides = array<i32>} : memref<208xi32, #tpu.memory_space<vmem>>, vector<16xi32>,
    %slice3A_1961 = vector.extract_strided_slice %get3A_1960 {offsets = [0], sizes = [1], strides = [1]} : vector<16xi32> to vector<1xi32>
    %squeeze3A_1962 = vector.extract %slice3A_1961[0] : i32 from vector<1xi32>
    %dma_start3A_1963 = arith.constant 2 : i32
    %dma_start3A_1964 = arith.constant 2 : i32
    %dma_start3A_1965 = arith.constant 0 : i32
    %dma_start3A_1966 = arith.constant 0 : i32
    %dma_start3A_1967 = arith.constant 0 : i32
    %dma_start3A_1968 = tpu.memref_slice %arg7[%dma_start3A_1963, %dma_start3A_1965, %dma_start3A_1966, %dma_start3A_1967] : memref<3x8x8x512xf32, #tpu.memory_space<vmem>> -> memref<1x8x8x512xf32, #tpu.memory_space<vmem>>
    %dma_start3A_1969 = tpu.memref_squeeze %dma_start3A_1968 : memref<1x8x8x512xf32, #tpu.memory_space<vmem>> -> memref<8x8x512xf32, #tpu.memory_space<vmem>>
    %dma_start3A_1970 = arith.constant 0 : i32
    %dma_start3A_1971 = arith.constant 0 : i32
    %dma_start3A_1972 = tpu.memref_slice %arg2[%squeeze3A_1962, %dma_start3A_1970, %dma_start3A_1971] : memref<6144x8x512xf32, #tpu.memory_space<hbm>> -> memref<8x8x512xf32, #tpu.memory_space<hbm>>
    %dma_start3A_1973 = tpu.memref_slice %arg8[%dma_start3A_1964] : memref<3x!tpu.dma_semaphore, #tpu.memory_space<semaphore_mem>> -> memref<1x!tpu.dma_semaphore, #tpu.memory_space<semaphore_mem>>
    %dma_start3A_1974 = tpu.memref_squeeze %dma_start3A_1973 : memref<1x!tpu.dma_semaphore, #tpu.memory_space<semaphore_mem>> -> memref<!tpu.dma_semaphore, #tpu.memory_space<semaphore_mem>>
    %dma_start3A_1975 = arith.constant 0 : i32
    %dma_start3A_1976 = arith.constant 0 : i32
    %dma_start3A_1977 = arith.constant 0 : i32
    %dma_start3A_1978 = tpu.memref_slice %arg7[%dma_start3A_1963, %dma_start3A_1975, %dma_start3A_1976, %dma_start3A_1977] : memref<3x8x8x512xf32, #tpu.memory_space<vmem>> -> memref<1x8x8x512xf32, #tpu.memory_space<vmem>>
    %dma_start3A_1979 = tpu.memref_squeeze %dma_start3A_1978 : memref<1x8x8x512xf32, #tpu.memory_space<vmem>> -> memref<8x8x512xf32, #tpu.memory_space<vmem>>
    %dma_start3A_1980 = arith.constant 0 : i32
    %dma_start3A_1981 = arith.constant 0 : i32
    %dma_start3A_1982 = tpu.memref_slice %arg2[%squeeze3A_1962, %dma_start3A_1980, %dma_start3A_1981] : memref<6144x8x512xf32, #tpu.memory_space<hbm>> -> memref<8x8x512xf32, #tpu.memory_space<hbm>>
    tpu.enqueue_dma source(%dma_start3A_1982 : memref<8x8x512xf32, #tpu.memory_space<hbm>>) target(%dma_start3A_1979 : memref<8x8x512xf32, #tpu.memory_space<vmem>>) target_semaphore(%dma_start3A_1974 : memref<!tpu.dma_semaphore, #tpu.memory_space<semaphore_mem>>)
    %get3A_1983 = arith.constant 152 : index
    %get3A_1984 = tpu.vector_load %arg6[%get3A_1983] {strides = array<i32>} : memref<208xi32, #tpu.memory_space<vmem>>, vector<16xi32>,
    %slice3A_1985 = vector.extract_strided_slice %get3A_1984 {offsets = [0], sizes = [1], strides = [1]} : vector<16xi32> to vector<1xi32>
    %squeeze3A_1986 = vector.extract %slice3A_1985[0] : i32 from vector<1xi32>
    %dma_wait3A_1987 = arith.constant 1 : i32
    %dma_wait3A_1988 = arith.constant 1 : i32
    %dma_wait3A_1989 = arith.constant 0 : i32
    %dma_wait3A_1990 = arith.constant 0 : i32
    %dma_wait3A_1991 = arith.constant 0 : i32
    %dma_wait3A_1992 = tpu.memref_slice %arg7[%dma_wait3A_1987, %dma_wait3A_1989, %dma_wait3A_1990, %dma_wait3A_1991] : memref<3x8x8x512xf32, #tpu.memory_space<vmem>> -> memref<1x8x8x512xf32, #tpu.memory_space<vmem>>
    %dma_wait3A_1993 = tpu.memref_squeeze %dma_wait3A_1992 : memref<1x8x8x512xf32, #tpu.memory_space<vmem>> -> memref<8x8x512xf32, #tpu.memory_space<vmem>>
    %dma_wait3A_1994 = arith.constant 0 : i32
    %dma_wait3A_1995 = arith.constant 0 : i32
    %dma_wait3A_1996 = tpu.memref_slice %arg2[%squeeze3A_1986, %dma_wait3A_1994, %dma_wait3A_1995] : memref<6144x8x512xf32, #tpu.memory_space<hbm>> -> memref<8x8x512xf32, #tpu.memory_space<hbm>>
    %dma_wait3A_1997 = tpu.memref_slice %arg8[%dma_wait3A_1988] : memref<3x!tpu.dma_semaphore, #tpu.memory_space<semaphore_mem>> -> memref<1x!tpu.dma_semaphore, #tpu.memory_space<semaphore_mem>>
    %dma_wait3A_1998 = tpu.memref_squeeze %dma_wait3A_1997 : memref<1x!tpu.dma_semaphore, #tpu.memory_space<semaphore_mem>> -> memref<!tpu.dma_semaphore, #tpu.memory_space<semaphore_mem>>
    %dma_wait3A_1999 = arith.constant 0 : i32
    %dma_wait3A_2000 = arith.constant 0 : i32
    %dma_wait3A_2001 = arith.constant 0 : i32
    %dma_wait3A_2002 = tpu.memref_slice %arg7[%dma_wait3A_1987, %dma_wait3A_1999, %dma_wait3A_2000, %dma_wait3A_2001] : memref<3x8x8x512xf32, #tpu.memory_space<vmem>> -> memref<1x8x8x512xf32, #tpu.memory_space<vmem>>
    %dma_wait3A_2003 = tpu.memref_squeeze %dma_wait3A_2002 : memref<1x8x8x512xf32, #tpu.memory_space<vmem>> -> memref<8x8x512xf32, #tpu.memory_space<vmem>>
    %dma_wait3A_2004 = arith.constant 0 : i32
    %dma_wait3A_2005 = arith.constant 0 : i32
    %dma_wait3A_2006 = tpu.memref_slice %arg2[%squeeze3A_1986, %dma_wait3A_2004, %dma_wait3A_2005] : memref<6144x8x512xf32, #tpu.memory_space<hbm>> -> memref<8x8x512xf32, #tpu.memory_space<hbm>>
    tpu.wait_dma2 semaphore(%dma_wait3A_1998 : memref<!tpu.dma_semaphore, #tpu.memory_space<semaphore_mem>>) src(%dma_wait3A_2006 : memref<8x8x512xf32, #tpu.memory_space<hbm>>) dst(%dma_wait3A_2003 : memref<8x8x512xf32, #tpu.memory_space<vmem>>)
    %add3A_2007 = arith.constant 152 : i32
    %add3A_2008 = arith.addi %mul3A_2, %add3A_2007 : i32
    %dma_start3A_2009 = arith.constant 1 : i32
    %dma_start3A_2010 = arith.constant 1 : i32
    %dma_start3A_2011 = arith.constant 0 : i32
    %dma_start3A_2012 = arith.constant 0 : i32
    %dma_start3A_2013 = arith.constant 0 : i32
    %dma_start3A_2014 = tpu.memref_slice %arg7[%dma_start3A_2009, %dma_start3A_2011, %dma_start3A_2012, %dma_start3A_2013] : memref<3x8x8x512xf32, #tpu.memory_space<vmem>> -> memref<1x8x8x512xf32, #tpu.memory_space<vmem>>
    %dma_start3A_2015 = tpu.memref_squeeze %dma_start3A_2014 : memref<1x8x8x512xf32, #tpu.memory_space<vmem>> -> memref<8x8x512xf32, #tpu.memory_space<vmem>>
    %dma_start3A_2016 = arith.constant 0 : i32
    %dma_start3A_2017 = arith.constant 0 : i32
    %dma_start3A_2018 = tpu.memref_slice %arg4[%add3A_2008, %dma_start3A_2016, %dma_start3A_2017] : memref<6144x8x512xf32, #tpu.memory_space<hbm>> -> memref<8x8x512xf32, #tpu.memory_space<hbm>>
    %dma_start3A_2019 = tpu.memref_slice %arg9[%dma_start3A_2010] : memref<3x!tpu.dma_semaphore, #tpu.memory_space<semaphore_mem>> -> memref<1x!tpu.dma_semaphore, #tpu.memory_space<semaphore_mem>>
    %dma_start3A_2020 = tpu.memref_squeeze %dma_start3A_2019 : memref<1x!tpu.dma_semaphore, #tpu.memory_space<semaphore_mem>> -> memref<!tpu.dma_semaphore, #tpu.memory_space<semaphore_mem>>
    %dma_start3A_2021 = arith.constant 0 : i32
    %dma_start3A_2022 = arith.constant 0 : i32
    %dma_start3A_2023 = tpu.memref_slice %arg4[%add3A_2008, %dma_start3A_2021, %dma_start3A_2022] : memref<6144x8x512xf32, #tpu.memory_space<hbm>> -> memref<8x8x512xf32, #tpu.memory_space<hbm>>
    %dma_start3A_2024 = arith.constant 0 : i32
    %dma_start3A_2025 = arith.constant 0 : i32
    %dma_start3A_2026 = arith.constant 0 : i32
    %dma_start3A_2027 = tpu.memref_slice %arg7[%dma_start3A_2009, %dma_start3A_2024, %dma_start3A_2025, %dma_start3A_2026] : memref<3x8x8x512xf32, #tpu.memory_space<vmem>> -> memref<1x8x8x512xf32, #tpu.memory_space<vmem>>
    %dma_start3A_2028 = tpu.memref_squeeze %dma_start3A_2027 : memref<1x8x8x512xf32, #tpu.memory_space<vmem>> -> memref<8x8x512xf32, #tpu.memory_space<vmem>>
    tpu.enqueue_dma source(%dma_start3A_2028 : memref<8x8x512xf32, #tpu.memory_space<vmem>>) target(%dma_start3A_2023 : memref<8x8x512xf32, #tpu.memory_space<hbm>>) target_semaphore(%dma_start3A_2020 : memref<!tpu.dma_semaphore, #tpu.memory_space<semaphore_mem>>)
    %add3A_2029 = arith.constant 144 : i32
    %add3A_2030 = arith.addi %mul3A_2, %add3A_2029 : i32
    %dma_wait3A_2031 = arith.constant 0 : i32
    %dma_wait3A_2032 = arith.constant 0 : i32
    %dma_wait3A_2033 = arith.constant 0 : i32
    %dma_wait3A_2034 = arith.constant 0 : i32
    %dma_wait3A_2035 = arith.constant 0 : i32
    %dma_wait3A_2036 = tpu.memref_slice %arg7[%dma_wait3A_2031, %dma_wait3A_2033, %dma_wait3A_2034, %dma_wait3A_2035] : memref<3x8x8x512xf32, #tpu.memory_space<vmem>> -> memref<1x8x8x512xf32, #tpu.memory_space<vmem>>
    %dma_wait3A_2037 = tpu.memref_squeeze %dma_wait3A_2036 : memref<1x8x8x512xf32, #tpu.memory_space<vmem>> -> memref<8x8x512xf32, #tpu.memory_space<vmem>>
    %dma_wait3A_2038 = arith.constant 0 : i32
    %dma_wait3A_2039 = arith.constant 0 : i32
    %dma_wait3A_2040 = tpu.memref_slice %arg4[%add3A_2030, %dma_wait3A_2038, %dma_wait3A_2039] : memref<6144x8x512xf32, #tpu.memory_space<hbm>> -> memref<8x8x512xf32, #tpu.memory_space<hbm>>
    %dma_wait3A_2041 = tpu.memref_slice %arg9[%dma_wait3A_2032] : memref<3x!tpu.dma_semaphore, #tpu.memory_space<semaphore_mem>> -> memref<1x!tpu.dma_semaphore, #tpu.memory_space<semaphore_mem>>
    %dma_wait3A_2042 = tpu.memref_squeeze %dma_wait3A_2041 : memref<1x!tpu.dma_semaphore, #tpu.memory_space<semaphore_mem>> -> memref<!tpu.dma_semaphore, #tpu.memory_space<semaphore_mem>>
    %dma_wait3A_2043 = arith.constant 0 : i32
    %dma_wait3A_2044 = arith.constant 0 : i32
    %dma_wait3A_2045 = tpu.memref_slice %arg4[%add3A_2030, %dma_wait3A_2043, %dma_wait3A_2044] : memref<6144x8x512xf32, #tpu.memory_space<hbm>> -> memref<8x8x512xf32, #tpu.memory_space<hbm>>
    %dma_wait3A_2046 = arith.constant 0 : i32
    %dma_wait3A_2047 = arith.constant 0 : i32
    %dma_wait3A_2048 = arith.constant 0 : i32
    %dma_wait3A_2049 = tpu.memref_slice %arg7[%dma_wait3A_2031, %dma_wait3A_2046, %dma_wait3A_2047, %dma_wait3A_2048] : memref<3x8x8x512xf32, #tpu.memory_space<vmem>> -> memref<1x8x8x512xf32, #tpu.memory_space<vmem>>
    %dma_wait3A_2050 = tpu.memref_squeeze %dma_wait3A_2049 : memref<1x8x8x512xf32, #tpu.memory_space<vmem>> -> memref<8x8x512xf32, #tpu.memory_space<vmem>>
    tpu.wait_dma2 semaphore(%dma_wait3A_2042 : memref<!tpu.dma_semaphore, #tpu.memory_space<semaphore_mem>>) src(%dma_wait3A_2050 : memref<8x8x512xf32, #tpu.memory_space<vmem>>) dst(%dma_wait3A_2045 : memref<8x8x512xf32, #tpu.memory_space<hbm>>)
    %get3A_2051 = arith.constant 168 : index
    %get3A_2052 = tpu.vector_load %arg6[%get3A_2051] {strides = array<i32>} : memref<208xi32, #tpu.memory_space<vmem>>, vector<16xi32>,
    %slice3A_2053 = vector.extract_strided_slice %get3A_2052 {offsets = [0], sizes = [1], strides = [1]} : vector<16xi32> to vector<1xi32>
    %squeeze3A_2054 = vector.extract %slice3A_2053[0] : i32 from vector<1xi32>
    %dma_start3A_2055 = arith.constant 0 : i32
    %dma_start3A_2056 = arith.constant 0 : i32
    %dma_start3A_2057 = arith.constant 0 : i32
    %dma_start3A_2058 = arith.constant 0 : i32
    %dma_start3A_2059 = arith.constant 0 : i32
    %dma_start3A_2060 = tpu.memref_slice %arg7[%dma_start3A_2055, %dma_start3A_2057, %dma_start3A_2058, %dma_start3A_2059] : memref<3x8x8x512xf32, #tpu.memory_space<vmem>> -> memref<1x8x8x512xf32, #tpu.memory_space<vmem>>
    %dma_start3A_2061 = tpu.memref_squeeze %dma_start3A_2060 : memref<1x8x8x512xf32, #tpu.memory_space<vmem>> -> memref<8x8x512xf32, #tpu.memory_space<vmem>>
    %dma_start3A_2062 = arith.constant 0 : i32
    %dma_start3A_2063 = arith.constant 0 : i32
    %dma_start3A_2064 = tpu.memref_slice %arg2[%squeeze3A_2054, %dma_start3A_2062, %dma_start3A_2063] : memref<6144x8x512xf32, #tpu.memory_space<hbm>> -> memref<8x8x512xf32, #tpu.memory_space<hbm>>
    %dma_start3A_2065 = tpu.memref_slice %arg8[%dma_start3A_2056] : memref<3x!tpu.dma_semaphore, #tpu.memory_space<semaphore_mem>> -> memref<1x!tpu.dma_semaphore, #tpu.memory_space<semaphore_mem>>
    %dma_start3A_2066 = tpu.memref_squeeze %dma_start3A_2065 : memref<1x!tpu.dma_semaphore, #tpu.memory_space<semaphore_mem>> -> memref<!tpu.dma_semaphore, #tpu.memory_space<semaphore_mem>>
    %dma_start3A_2067 = arith.constant 0 : i32
    %dma_start3A_2068 = arith.constant 0 : i32
    %dma_start3A_2069 = arith.constant 0 : i32
    %dma_start3A_2070 = tpu.memref_slice %arg7[%dma_start3A_2055, %dma_start3A_2067, %dma_start3A_2068, %dma_start3A_2069] : memref<3x8x8x512xf32, #tpu.memory_space<vmem>> -> memref<1x8x8x512xf32, #tpu.memory_space<vmem>>
    %dma_start3A_2071 = tpu.memref_squeeze %dma_start3A_2070 : memref<1x8x8x512xf32, #tpu.memory_space<vmem>> -> memref<8x8x512xf32, #tpu.memory_space<vmem>>
    %dma_start3A_2072 = arith.constant 0 : i32
    %dma_start3A_2073 = arith.constant 0 : i32
    %dma_start3A_2074 = tpu.memref_slice %arg2[%squeeze3A_2054, %dma_start3A_2072, %dma_start3A_2073] : memref<6144x8x512xf32, #tpu.memory_space<hbm>> -> memref<8x8x512xf32, #tpu.memory_space<hbm>>
    tpu.enqueue_dma source(%dma_start3A_2074 : memref<8x8x512xf32, #tpu.memory_space<hbm>>) target(%dma_start3A_2071 : memref<8x8x512xf32, #tpu.memory_space<vmem>>) target_semaphore(%dma_start3A_2066 : memref<!tpu.dma_semaphore, #tpu.memory_space<semaphore_mem>>)
    %get3A_2075 = arith.constant 160 : index
    %get3A_2076 = tpu.vector_load %arg6[%get3A_2075] {strides = array<i32>} : memref<208xi32, #tpu.memory_space<vmem>>, vector<16xi32>,
    %slice3A_2077 = vector.extract_strided_slice %get3A_2076 {offsets = [0], sizes = [1], strides = [1]} : vector<16xi32> to vector<1xi32>
    %squeeze3A_2078 = vector.extract %slice3A_2077[0] : i32 from vector<1xi32>
    %dma_wait3A_2079 = arith.constant 2 : i32
    %dma_wait3A_2080 = arith.constant 2 : i32
    %dma_wait3A_2081 = arith.constant 0 : i32
    %dma_wait3A_2082 = arith.constant 0 : i32
    %dma_wait3A_2083 = arith.constant 0 : i32
    %dma_wait3A_2084 = tpu.memref_slice %arg7[%dma_wait3A_2079, %dma_wait3A_2081, %dma_wait3A_2082, %dma_wait3A_2083] : memref<3x8x8x512xf32, #tpu.memory_space<vmem>> -> memref<1x8x8x512xf32, #tpu.memory_space<vmem>>
    %dma_wait3A_2085 = tpu.memref_squeeze %dma_wait3A_2084 : memref<1x8x8x512xf32, #tpu.memory_space<vmem>> -> memref<8x8x512xf32, #tpu.memory_space<vmem>>
    %dma_wait3A_2086 = arith.constant 0 : i32
    %dma_wait3A_2087 = arith.constant 0 : i32
    %dma_wait3A_2088 = tpu.memref_slice %arg2[%squeeze3A_2078, %dma_wait3A_2086, %dma_wait3A_2087] : memref<6144x8x512xf32, #tpu.memory_space<hbm>> -> memref<8x8x512xf32, #tpu.memory_space<hbm>>
    %dma_wait3A_2089 = tpu.memref_slice %arg8[%dma_wait3A_2080] : memref<3x!tpu.dma_semaphore, #tpu.memory_space<semaphore_mem>> -> memref<1x!tpu.dma_semaphore, #tpu.memory_space<semaphore_mem>>
    %dma_wait3A_2090 = tpu.memref_squeeze %dma_wait3A_2089 : memref<1x!tpu.dma_semaphore, #tpu.memory_space<semaphore_mem>> -> memref<!tpu.dma_semaphore, #tpu.memory_space<semaphore_mem>>
    %dma_wait3A_2091 = arith.constant 0 : i32
    %dma_wait3A_2092 = arith.constant 0 : i32
    %dma_wait3A_2093 = arith.constant 0 : i32
    %dma_wait3A_2094 = tpu.memref_slice %arg7[%dma_wait3A_2079, %dma_wait3A_2091, %dma_wait3A_2092, %dma_wait3A_2093] : memref<3x8x8x512xf32, #tpu.memory_space<vmem>> -> memref<1x8x8x512xf32, #tpu.memory_space<vmem>>
    %dma_wait3A_2095 = tpu.memref_squeeze %dma_wait3A_2094 : memref<1x8x8x512xf32, #tpu.memory_space<vmem>> -> memref<8x8x512xf32, #tpu.memory_space<vmem>>
    %dma_wait3A_2096 = arith.constant 0 : i32
    %dma_wait3A_2097 = arith.constant 0 : i32
    %dma_wait3A_2098 = tpu.memref_slice %arg2[%squeeze3A_2078, %dma_wait3A_2096, %dma_wait3A_2097] : memref<6144x8x512xf32, #tpu.memory_space<hbm>> -> memref<8x8x512xf32, #tpu.memory_space<hbm>>
    tpu.wait_dma2 semaphore(%dma_wait3A_2090 : memref<!tpu.dma_semaphore, #tpu.memory_space<semaphore_mem>>) src(%dma_wait3A_2098 : memref<8x8x512xf32, #tpu.memory_space<hbm>>) dst(%dma_wait3A_2095 : memref<8x8x512xf32, #tpu.memory_space<vmem>>)
    %add3A_2099 = arith.constant 160 : i32
    %add3A_2100 = arith.addi %mul3A_2, %add3A_2099 : i32
    %dma_start3A_2101 = arith.constant 2 : i32
    %dma_start3A_2102 = arith.constant 2 : i32
    %dma_start3A_2103 = arith.constant 0 : i32
    %dma_start3A_2104 = arith.constant 0 : i32
    %dma_start3A_2105 = arith.constant 0 : i32
    %dma_start3A_2106 = tpu.memref_slice %arg7[%dma_start3A_2101, %dma_start3A_2103, %dma_start3A_2104, %dma_start3A_2105] : memref<3x8x8x512xf32, #tpu.memory_space<vmem>> -> memref<1x8x8x512xf32, #tpu.memory_space<vmem>>
    %dma_start3A_2107 = tpu.memref_squeeze %dma_start3A_2106 : memref<1x8x8x512xf32, #tpu.memory_space<vmem>> -> memref<8x8x512xf32, #tpu.memory_space<vmem>>
    %dma_start3A_2108 = arith.constant 0 : i32
    %dma_start3A_2109 = arith.constant 0 : i32
    %dma_start3A_2110 = tpu.memref_slice %arg4[%add3A_2100, %dma_start3A_2108, %dma_start3A_2109] : memref<6144x8x512xf32, #tpu.memory_space<hbm>> -> memref<8x8x512xf32, #tpu.memory_space<hbm>>
    %dma_start3A_2111 = tpu.memref_slice %arg9[%dma_start3A_2102] : memref<3x!tpu.dma_semaphore, #tpu.memory_space<semaphore_mem>> -> memref<1x!tpu.dma_semaphore, #tpu.memory_space<semaphore_mem>>
    %dma_start3A_2112 = tpu.memref_squeeze %dma_start3A_2111 : memref<1x!tpu.dma_semaphore, #tpu.memory_space<semaphore_mem>> -> memref<!tpu.dma_semaphore, #tpu.memory_space<semaphore_mem>>
    %dma_start3A_2113 = arith.constant 0 : i32
    %dma_start3A_2114 = arith.constant 0 : i32
    %dma_start3A_2115 = tpu.memref_slice %arg4[%add3A_2100, %dma_start3A_2113, %dma_start3A_2114] : memref<6144x8x512xf32, #tpu.memory_space<hbm>> -> memref<8x8x512xf32, #tpu.memory_space<hbm>>
    %dma_start3A_2116 = arith.constant 0 : i32
    %dma_start3A_2117 = arith.constant 0 : i32
    %dma_start3A_2118 = arith.constant 0 : i32
    %dma_start3A_2119 = tpu.memref_slice %arg7[%dma_start3A_2101, %dma_start3A_2116, %dma_start3A_2117, %dma_start3A_2118] : memref<3x8x8x512xf32, #tpu.memory_space<vmem>> -> memref<1x8x8x512xf32, #tpu.memory_space<vmem>>
    %dma_start3A_2120 = tpu.memref_squeeze %dma_start3A_2119 : memref<1x8x8x512xf32, #tpu.memory_space<vmem>> -> memref<8x8x512xf32, #tpu.memory_space<vmem>>
    tpu.enqueue_dma source(%dma_start3A_2120 : memref<8x8x512xf32, #tpu.memory_space<vmem>>) target(%dma_start3A_2115 : memref<8x8x512xf32, #tpu.memory_space<hbm>>) target_semaphore(%dma_start3A_2112 : memref<!tpu.dma_semaphore, #tpu.memory_space<semaphore_mem>>)
    %add3A_2121 = arith.constant 152 : i32
    %add3A_2122 = arith.addi %mul3A_2, %add3A_2121 : i32
    %dma_wait3A_2123 = arith.constant 1 : i32
    %dma_wait3A_2124 = arith.constant 1 : i32
    %dma_wait3A_2125 = arith.constant 0 : i32
    %dma_wait3A_2126 = arith.constant 0 : i32
    %dma_wait3A_2127 = arith.constant 0 : i32
    %dma_wait3A_2128 = tpu.memref_slice %arg7[%dma_wait3A_2123, %dma_wait3A_2125, %dma_wait3A_2126, %dma_wait3A_2127] : memref<3x8x8x512xf32, #tpu.memory_space<vmem>> -> memref<1x8x8x512xf32, #tpu.memory_space<vmem>>
    %dma_wait3A_2129 = tpu.memref_squeeze %dma_wait3A_2128 : memref<1x8x8x512xf32, #tpu.memory_space<vmem>> -> memref<8x8x512xf32, #tpu.memory_space<vmem>>
    %dma_wait3A_2130 = arith.constant 0 : i32
    %dma_wait3A_2131 = arith.constant 0 : i32
    %dma_wait3A_2132 = tpu.memref_slice %arg4[%add3A_2122, %dma_wait3A_2130, %dma_wait3A_2131] : memref<6144x8x512xf32, #tpu.memory_space<hbm>> -> memref<8x8x512xf32, #tpu.memory_space<hbm>>
    %dma_wait3A_2133 = tpu.memref_slice %arg9[%dma_wait3A_2124] : memref<3x!tpu.dma_semaphore, #tpu.memory_space<semaphore_mem>> -> memref<1x!tpu.dma_semaphore, #tpu.memory_space<semaphore_mem>>
    %dma_wait3A_2134 = tpu.memref_squeeze %dma_wait3A_2133 : memref<1x!tpu.dma_semaphore, #tpu.memory_space<semaphore_mem>> -> memref<!tpu.dma_semaphore, #tpu.memory_space<semaphore_mem>>
    %dma_wait3A_2135 = arith.constant 0 : i32
    %dma_wait3A_2136 = arith.constant 0 : i32
    %dma_wait3A_2137 = tpu.memref_slice %arg4[%add3A_2122, %dma_wait3A_2135, %dma_wait3A_2136] : memref<6144x8x512xf32, #tpu.memory_space<hbm>> -> memref<8x8x512xf32, #tpu.memory_space<hbm>>
    %dma_wait3A_2138 = arith.constant 0 : i32
    %dma_wait3A_2139 = arith.constant 0 : i32
    %dma_wait3A_2140 = arith.constant 0 : i32
    %dma_wait3A_2141 = tpu.memref_slice %arg7[%dma_wait3A_2123, %dma_wait3A_2138, %dma_wait3A_2139, %dma_wait3A_2140] : memref<3x8x8x512xf32, #tpu.memory_space<vmem>> -> memref<1x8x8x512xf32, #tpu.memory_space<vmem>>
    %dma_wait3A_2142 = tpu.memref_squeeze %dma_wait3A_2141 : memref<1x8x8x512xf32, #tpu.memory_space<vmem>> -> memref<8x8x512xf32, #tpu.memory_space<vmem>>
    tpu.wait_dma2 semaphore(%dma_wait3A_2134 : memref<!tpu.dma_semaphore, #tpu.memory_space<semaphore_mem>>) src(%dma_wait3A_2142 : memref<8x8x512xf32, #tpu.memory_space<vmem>>) dst(%dma_wait3A_2137 : memref<8x8x512xf32, #tpu.memory_space<hbm>>)
    %get3A_2143 = arith.constant 176 : index
    %get3A_2144 = tpu.vector_load %arg6[%get3A_2143] {strides = array<i32>} : memref<208xi32, #tpu.memory_space<vmem>>, vector<16xi32>,
    %slice3A_2145 = vector.extract_strided_slice %get3A_2144 {offsets = [0], sizes = [1], strides = [1]} : vector<16xi32> to vector<1xi32>
    %squeeze3A_2146 = vector.extract %slice3A_2145[0] : i32 from vector<1xi32>
    %dma_start3A_2147 = arith.constant 1 : i32
    %dma_start3A_2148 = arith.constant 1 : i32
    %dma_start3A_2149 = arith.constant 0 : i32
    %dma_start3A_2150 = arith.constant 0 : i32
    %dma_start3A_2151 = arith.constant 0 : i32
    %dma_start3A_2152 = tpu.memref_slice %arg7[%dma_start3A_2147, %dma_start3A_2149, %dma_start3A_2150, %dma_start3A_2151] : memref<3x8x8x512xf32, #tpu.memory_space<vmem>> -> memref<1x8x8x512xf32, #tpu.memory_space<vmem>>
    %dma_start3A_2153 = tpu.memref_squeeze %dma_start3A_2152 : memref<1x8x8x512xf32, #tpu.memory_space<vmem>> -> memref<8x8x512xf32, #tpu.memory_space<vmem>>
    %dma_start3A_2154 = arith.constant 0 : i32
    %dma_start3A_2155 = arith.constant 0 : i32
    %dma_start3A_2156 = tpu.memref_slice %arg2[%squeeze3A_2146, %dma_start3A_2154, %dma_start3A_2155] : memref<6144x8x512xf32, #tpu.memory_space<hbm>> -> memref<8x8x512xf32, #tpu.memory_space<hbm>>
    %dma_start3A_2157 = tpu.memref_slice %arg8[%dma_start3A_2148] : memref<3x!tpu.dma_semaphore, #tpu.memory_space<semaphore_mem>> -> memref<1x!tpu.dma_semaphore, #tpu.memory_space<semaphore_mem>>
    %dma_start3A_2158 = tpu.memref_squeeze %dma_start3A_2157 : memref<1x!tpu.dma_semaphore, #tpu.memory_space<semaphore_mem>> -> memref<!tpu.dma_semaphore, #tpu.memory_space<semaphore_mem>>
    %dma_start3A_2159 = arith.constant 0 : i32
    %dma_start3A_2160 = arith.constant 0 : i32
    %dma_start3A_2161 = arith.constant 0 : i32
    %dma_start3A_2162 = tpu.memref_slice %arg7[%dma_start3A_2147, %dma_start3A_2159, %dma_start3A_2160, %dma_start3A_2161] : memref<3x8x8x512xf32, #tpu.memory_space<vmem>> -> memref<1x8x8x512xf32, #tpu.memory_space<vmem>>
    %dma_start3A_2163 = tpu.memref_squeeze %dma_start3A_2162 : memref<1x8x8x512xf32, #tpu.memory_space<vmem>> -> memref<8x8x512xf32, #tpu.memory_space<vmem>>
    %dma_start3A_2164 = arith.constant 0 : i32
    %dma_start3A_2165 = arith.constant 0 : i32
    %dma_start3A_2166 = tpu.memref_slice %arg2[%squeeze3A_2146, %dma_start3A_2164, %dma_start3A_2165] : memref<6144x8x512xf32, #tpu.memory_space<hbm>> -> memref<8x8x512xf32, #tpu.memory_space<hbm>>
    tpu.enqueue_dma source(%dma_start3A_2166 : memref<8x8x512xf32, #tpu.memory_space<hbm>>) target(%dma_start3A_2163 : memref<8x8x512xf32, #tpu.memory_space<vmem>>) target_semaphore(%dma_start3A_2158 : memref<!tpu.dma_semaphore, #tpu.memory_space<semaphore_mem>>)
    %get3A_2167 = arith.constant 168 : index
    %get3A_2168 = tpu.vector_load %arg6[%get3A_2167] {strides = array<i32>} : memref<208xi32, #tpu.memory_space<vmem>>, vector<16xi32>,
    %slice3A_2169 = vector.extract_strided_slice %get3A_2168 {offsets = [0], sizes = [1], strides = [1]} : vector<16xi32> to vector<1xi32>
    %squeeze3A_2170 = vector.extract %slice3A_2169[0] : i32 from vector<1xi32>
    %dma_wait3A_2171 = arith.constant 0 : i32
    %dma_wait3A_2172 = arith.constant 0 : i32
    %dma_wait3A_2173 = arith.constant 0 : i32
    %dma_wait3A_2174 = arith.constant 0 : i32
    %dma_wait3A_2175 = arith.constant 0 : i32
    %dma_wait3A_2176 = tpu.memref_slice %arg7[%dma_wait3A_2171, %dma_wait3A_2173, %dma_wait3A_2174, %dma_wait3A_2175] : memref<3x8x8x512xf32, #tpu.memory_space<vmem>> -> memref<1x8x8x512xf32, #tpu.memory_space<vmem>>
    %dma_wait3A_2177 = tpu.memref_squeeze %dma_wait3A_2176 : memref<1x8x8x512xf32, #tpu.memory_space<vmem>> -> memref<8x8x512xf32, #tpu.memory_space<vmem>>
    %dma_wait3A_2178 = arith.constant 0 : i32
    %dma_wait3A_2179 = arith.constant 0 : i32
    %dma_wait3A_2180 = tpu.memref_slice %arg2[%squeeze3A_2170, %dma_wait3A_2178, %dma_wait3A_2179] : memref<6144x8x512xf32, #tpu.memory_space<hbm>> -> memref<8x8x512xf32, #tpu.memory_space<hbm>>
    %dma_wait3A_2181 = tpu.memref_slice %arg8[%dma_wait3A_2172] : memref<3x!tpu.dma_semaphore, #tpu.memory_space<semaphore_mem>> -> memref<1x!tpu.dma_semaphore, #tpu.memory_space<semaphore_mem>>
    %dma_wait3A_2182 = tpu.memref_squeeze %dma_wait3A_2181 : memref<1x!tpu.dma_semaphore, #tpu.memory_space<semaphore_mem>> -> memref<!tpu.dma_semaphore, #tpu.memory_space<semaphore_mem>>
    %dma_wait3A_2183 = arith.constant 0 : i32
    %dma_wait3A_2184 = arith.constant 0 : i32
    %dma_wait3A_2185 = arith.constant 0 : i32
    %dma_wait3A_2186 = tpu.memref_slice %arg7[%dma_wait3A_2171, %dma_wait3A_2183, %dma_wait3A_2184, %dma_wait3A_2185] : memref<3x8x8x512xf32, #tpu.memory_space<vmem>> -> memref<1x8x8x512xf32, #tpu.memory_space<vmem>>
    %dma_wait3A_2187 = tpu.memref_squeeze %dma_wait3A_2186 : memref<1x8x8x512xf32, #tpu.memory_space<vmem>> -> memref<8x8x512xf32, #tpu.memory_space<vmem>>
    %dma_wait3A_2188 = arith.constant 0 : i32
    %dma_wait3A_2189 = arith.constant 0 : i32
    %dma_wait3A_2190 = tpu.memref_slice %arg2[%squeeze3A_2170, %dma_wait3A_2188, %dma_wait3A_2189] : memref<6144x8x512xf32, #tpu.memory_space<hbm>> -> memref<8x8x512xf32, #tpu.memory_space<hbm>>
    tpu.wait_dma2 semaphore(%dma_wait3A_2182 : memref<!tpu.dma_semaphore, #tpu.memory_space<semaphore_mem>>) src(%dma_wait3A_2190 : memref<8x8x512xf32, #tpu.memory_space<hbm>>) dst(%dma_wait3A_2187 : memref<8x8x512xf32, #tpu.memory_space<vmem>>)
    %add3A_2191 = arith.constant 168 : i32
    %add3A_2192 = arith.addi %mul3A_2, %add3A_2191 : i32
    %dma_start3A_2193 = arith.constant 0 : i32
    %dma_start3A_2194 = arith.constant 0 : i32
    %dma_start3A_2195 = arith.constant 0 : i32
    %dma_start3A_2196 = arith.constant 0 : i32
    %dma_start3A_2197 = arith.constant 0 : i32
    %dma_start3A_2198 = tpu.memref_slice %arg7[%dma_start3A_2193, %dma_start3A_2195, %dma_start3A_2196, %dma_start3A_2197] : memref<3x8x8x512xf32, #tpu.memory_space<vmem>> -> memref<1x8x8x512xf32, #tpu.memory_space<vmem>>
    %dma_start3A_2199 = tpu.memref_squeeze %dma_start3A_2198 : memref<1x8x8x512xf32, #tpu.memory_space<vmem>> -> memref<8x8x512xf32, #tpu.memory_space<vmem>>
    %dma_start3A_2200 = arith.constant 0 : i32
    %dma_start3A_2201 = arith.constant 0 : i32
    %dma_start3A_2202 = tpu.memref_slice %arg4[%add3A_2192, %dma_start3A_2200, %dma_start3A_2201] : memref<6144x8x512xf32, #tpu.memory_space<hbm>> -> memref<8x8x512xf32, #tpu.memory_space<hbm>>
    %dma_start3A_2203 = tpu.memref_slice %arg9[%dma_start3A_2194] : memref<3x!tpu.dma_semaphore, #tpu.memory_space<semaphore_mem>> -> memref<1x!tpu.dma_semaphore, #tpu.memory_space<semaphore_mem>>
    %dma_start3A_2204 = tpu.memref_squeeze %dma_start3A_2203 : memref<1x!tpu.dma_semaphore, #tpu.memory_space<semaphore_mem>> -> memref<!tpu.dma_semaphore, #tpu.memory_space<semaphore_mem>>
    %dma_start3A_2205 = arith.constant 0 : i32
    %dma_start3A_2206 = arith.constant 0 : i32
    %dma_start3A_2207 = tpu.memref_slice %arg4[%add3A_2192, %dma_start3A_2205, %dma_start3A_2206] : memref<6144x8x512xf32, #tpu.memory_space<hbm>> -> memref<8x8x512xf32, #tpu.memory_space<hbm>>
    %dma_start3A_2208 = arith.constant 0 : i32
    %dma_start3A_2209 = arith.constant 0 : i32
    %dma_start3A_2210 = arith.constant 0 : i32
    %dma_start3A_2211 = tpu.memref_slice %arg7[%dma_start3A_2193, %dma_start3A_2208, %dma_start3A_2209, %dma_start3A_2210] : memref<3x8x8x512xf32, #tpu.memory_space<vmem>> -> memref<1x8x8x512xf32, #tpu.memory_space<vmem>>
    %dma_start3A_2212 = tpu.memref_squeeze %dma_start3A_2211 : memref<1x8x8x512xf32, #tpu.memory_space<vmem>> -> memref<8x8x512xf32, #tpu.memory_space<vmem>>
    tpu.enqueue_dma source(%dma_start3A_2212 : memref<8x8x512xf32, #tpu.memory_space<vmem>>) target(%dma_start3A_2207 : memref<8x8x512xf32, #tpu.memory_space<hbm>>) target_semaphore(%dma_start3A_2204 : memref<!tpu.dma_semaphore, #tpu.memory_space<semaphore_mem>>)
    %add3A_2213 = arith.constant 160 : i32
    %add3A_2214 = arith.addi %mul3A_2, %add3A_2213 : i32
    %dma_wait3A_2215 = arith.constant 2 : i32
    %dma_wait3A_2216 = arith.constant 2 : i32
    %dma_wait3A_2217 = arith.constant 0 : i32
    %dma_wait3A_2218 = arith.constant 0 : i32
    %dma_wait3A_2219 = arith.constant 0 : i32
    %dma_wait3A_2220 = tpu.memref_slice %arg7[%dma_wait3A_2215, %dma_wait3A_2217, %dma_wait3A_2218, %dma_wait3A_2219] : memref<3x8x8x512xf32, #tpu.memory_space<vmem>> -> memref<1x8x8x512xf32, #tpu.memory_space<vmem>>
    %dma_wait3A_2221 = tpu.memref_squeeze %dma_wait3A_2220 : memref<1x8x8x512xf32, #tpu.memory_space<vmem>> -> memref<8x8x512xf32, #tpu.memory_space<vmem>>
    %dma_wait3A_2222 = arith.constant 0 : i32
    %dma_wait3A_2223 = arith.constant 0 : i32
    %dma_wait3A_2224 = tpu.memref_slice %arg4[%add3A_2214, %dma_wait3A_2222, %dma_wait3A_2223] : memref<6144x8x512xf32, #tpu.memory_space<hbm>> -> memref<8x8x512xf32, #tpu.memory_space<hbm>>
    %dma_wait3A_2225 = tpu.memref_slice %arg9[%dma_wait3A_2216] : memref<3x!tpu.dma_semaphore, #tpu.memory_space<semaphore_mem>> -> memref<1x!tpu.dma_semaphore, #tpu.memory_space<semaphore_mem>>
    %dma_wait3A_2226 = tpu.memref_squeeze %dma_wait3A_2225 : memref<1x!tpu.dma_semaphore, #tpu.memory_space<semaphore_mem>> -> memref<!tpu.dma_semaphore, #tpu.memory_space<semaphore_mem>>
    %dma_wait3A_2227 = arith.constant 0 : i32
    %dma_wait3A_2228 = arith.constant 0 : i32
    %dma_wait3A_2229 = tpu.memref_slice %arg4[%add3A_2214, %dma_wait3A_2227, %dma_wait3A_2228] : memref<6144x8x512xf32, #tpu.memory_space<hbm>> -> memref<8x8x512xf32, #tpu.memory_space<hbm>>
    %dma_wait3A_2230 = arith.constant 0 : i32
    %dma_wait3A_2231 = arith.constant 0 : i32
    %dma_wait3A_2232 = arith.constant 0 : i32
    %dma_wait3A_2233 = tpu.memref_slice %arg7[%dma_wait3A_2215, %dma_wait3A_2230, %dma_wait3A_2231, %dma_wait3A_2232] : memref<3x8x8x512xf32, #tpu.memory_space<vmem>> -> memref<1x8x8x512xf32, #tpu.memory_space<vmem>>
    %dma_wait3A_2234 = tpu.memref_squeeze %dma_wait3A_2233 : memref<1x8x8x512xf32, #tpu.memory_space<vmem>> -> memref<8x8x512xf32, #tpu.memory_space<vmem>>
    tpu.wait_dma2 semaphore(%dma_wait3A_2226 : memref<!tpu.dma_semaphore, #tpu.memory_space<semaphore_mem>>) src(%dma_wait3A_2234 : memref<8x8x512xf32, #tpu.memory_space<vmem>>) dst(%dma_wait3A_2229 : memref<8x8x512xf32, #tpu.memory_space<hbm>>)
    %get3A_2235 = arith.constant 184 : index
    %get3A_2236 = tpu.vector_load %arg6[%get3A_2235] {strides = array<i32>} : memref<208xi32, #tpu.memory_space<vmem>>, vector<16xi32>,
    %slice3A_2237 = vector.extract_strided_slice %get3A_2236 {offsets = [0], sizes = [1], strides = [1]} : vector<16xi32> to vector<1xi32>
    %squeeze3A_2238 = vector.extract %slice3A_2237[0] : i32 from vector<1xi32>
    %dma_start3A_2239 = arith.constant 2 : i32
    %dma_start3A_2240 = arith.constant 2 : i32
    %dma_start3A_2241 = arith.constant 0 : i32
    %dma_start3A_2242 = arith.constant 0 : i32
    %dma_start3A_2243 = arith.constant 0 : i32
    %dma_start3A_2244 = tpu.memref_slice %arg7[%dma_start3A_2239, %dma_start3A_2241, %dma_start3A_2242, %dma_start3A_2243] : memref<3x8x8x512xf32, #tpu.memory_space<vmem>> -> memref<1x8x8x512xf32, #tpu.memory_space<vmem>>
    %dma_start3A_2245 = tpu.memref_squeeze %dma_start3A_2244 : memref<1x8x8x512xf32, #tpu.memory_space<vmem>> -> memref<8x8x512xf32, #tpu.memory_space<vmem>>
    %dma_start3A_2246 = arith.constant 0 : i32
    %dma_start3A_2247 = arith.constant 0 : i32
    %dma_start3A_2248 = tpu.memref_slice %arg2[%squeeze3A_2238, %dma_start3A_2246, %dma_start3A_2247] : memref<6144x8x512xf32, #tpu.memory_space<hbm>> -> memref<8x8x512xf32, #tpu.memory_space<hbm>>
    %dma_start3A_2249 = tpu.memref_slice %arg8[%dma_start3A_2240] : memref<3x!tpu.dma_semaphore, #tpu.memory_space<semaphore_mem>> -> memref<1x!tpu.dma_semaphore, #tpu.memory_space<semaphore_mem>>
    %dma_start3A_2250 = tpu.memref_squeeze %dma_start3A_2249 : memref<1x!tpu.dma_semaphore, #tpu.memory_space<semaphore_mem>> -> memref<!tpu.dma_semaphore, #tpu.memory_space<semaphore_mem>>
    %dma_start3A_2251 = arith.constant 0 : i32
    %dma_start3A_2252 = arith.constant 0 : i32
    %dma_start3A_2253 = arith.constant 0 : i32
    %dma_start3A_2254 = tpu.memref_slice %arg7[%dma_start3A_2239, %dma_start3A_2251, %dma_start3A_2252, %dma_start3A_2253] : memref<3x8x8x512xf32, #tpu.memory_space<vmem>> -> memref<1x8x8x512xf32, #tpu.memory_space<vmem>>
    %dma_start3A_2255 = tpu.memref_squeeze %dma_start3A_2254 : memref<1x8x8x512xf32, #tpu.memory_space<vmem>> -> memref<8x8x512xf32, #tpu.memory_space<vmem>>
    %dma_start3A_2256 = arith.constant 0 : i32
    %dma_start3A_2257 = arith.constant 0 : i32
    %dma_start3A_2258 = tpu.memref_slice %arg2[%squeeze3A_2238, %dma_start3A_2256, %dma_start3A_2257] : memref<6144x8x512xf32, #tpu.memory_space<hbm>> -> memref<8x8x512xf32, #tpu.memory_space<hbm>>
    tpu.enqueue_dma source(%dma_start3A_2258 : memref<8x8x512xf32, #tpu.memory_space<hbm>>) target(%dma_start3A_2255 : memref<8x8x512xf32, #tpu.memory_space<vmem>>) target_semaphore(%dma_start3A_2250 : memref<!tpu.dma_semaphore, #tpu.memory_space<semaphore_mem>>)
    %get3A_2259 = arith.constant 176 : index
    %get3A_2260 = tpu.vector_load %arg6[%get3A_2259] {strides = array<i32>} : memref<208xi32, #tpu.memory_space<vmem>>, vector<16xi32>,
    %slice3A_2261 = vector.extract_strided_slice %get3A_2260 {offsets = [0], sizes = [1], strides = [1]} : vector<16xi32> to vector<1xi32>
    %squeeze3A_2262 = vector.extract %slice3A_2261[0] : i32 from vector<1xi32>
    %dma_wait3A_2263 = arith.constant 1 : i32
    %dma_wait3A_2264 = arith.constant 1 : i32
    %dma_wait3A_2265 = arith.constant 0 : i32
    %dma_wait3A_2266 = arith.constant 0 : i32
    %dma_wait3A_2267 = arith.constant 0 : i32
    %dma_wait3A_2268 = tpu.memref_slice %arg7[%dma_wait3A_2263, %dma_wait3A_2265, %dma_wait3A_2266, %dma_wait3A_2267] : memref<3x8x8x512xf32, #tpu.memory_space<vmem>> -> memref<1x8x8x512xf32, #tpu.memory_space<vmem>>
    %dma_wait3A_2269 = tpu.memref_squeeze %dma_wait3A_2268 : memref<1x8x8x512xf32, #tpu.memory_space<vmem>> -> memref<8x8x512xf32, #tpu.memory_space<vmem>>
    %dma_wait3A_2270 = arith.constant 0 : i32
    %dma_wait3A_2271 = arith.constant 0 : i32
    %dma_wait3A_2272 = tpu.memref_slice %arg2[%squeeze3A_2262, %dma_wait3A_2270, %dma_wait3A_2271] : memref<6144x8x512xf32, #tpu.memory_space<hbm>> -> memref<8x8x512xf32, #tpu.memory_space<hbm>>
    %dma_wait3A_2273 = tpu.memref_slice %arg8[%dma_wait3A_2264] : memref<3x!tpu.dma_semaphore, #tpu.memory_space<semaphore_mem>> -> memref<1x!tpu.dma_semaphore, #tpu.memory_space<semaphore_mem>>
    %dma_wait3A_2274 = tpu.memref_squeeze %dma_wait3A_2273 : memref<1x!tpu.dma_semaphore, #tpu.memory_space<semaphore_mem>> -> memref<!tpu.dma_semaphore, #tpu.memory_space<semaphore_mem>>
    %dma_wait3A_2275 = arith.constant 0 : i32
    %dma_wait3A_2276 = arith.constant 0 : i32
    %dma_wait3A_2277 = arith.constant 0 : i32
    %dma_wait3A_2278 = tpu.memref_slice %arg7[%dma_wait3A_2263, %dma_wait3A_2275, %dma_wait3A_2276, %dma_wait3A_2277] : memref<3x8x8x512xf32, #tpu.memory_space<vmem>> -> memref<1x8x8x512xf32, #tpu.memory_space<vmem>>
    %dma_wait3A_2279 = tpu.memref_squeeze %dma_wait3A_2278 : memref<1x8x8x512xf32, #tpu.memory_space<vmem>> -> memref<8x8x512xf32, #tpu.memory_space<vmem>>
    %dma_wait3A_2280 = arith.constant 0 : i32
    %dma_wait3A_2281 = arith.constant 0 : i32
    %dma_wait3A_2282 = tpu.memref_slice %arg2[%squeeze3A_2262, %dma_wait3A_2280, %dma_wait3A_2281] : memref<6144x8x512xf32, #tpu.memory_space<hbm>> -> memref<8x8x512xf32, #tpu.memory_space<hbm>>
    tpu.wait_dma2 semaphore(%dma_wait3A_2274 : memref<!tpu.dma_semaphore, #tpu.memory_space<semaphore_mem>>) src(%dma_wait3A_2282 : memref<8x8x512xf32, #tpu.memory_space<hbm>>) dst(%dma_wait3A_2279 : memref<8x8x512xf32, #tpu.memory_space<vmem>>)
    %add3A_2283 = arith.constant 176 : i32
    %add3A_2284 = arith.addi %mul3A_2, %add3A_2283 : i32
    %dma_start3A_2285 = arith.constant 1 : i32
    %dma_start3A_2286 = arith.constant 1 : i32
    %dma_start3A_2287 = arith.constant 0 : i32
    %dma_start3A_2288 = arith.constant 0 : i32
    %dma_start3A_2289 = arith.constant 0 : i32
    %dma_start3A_2290 = tpu.memref_slice %arg7[%dma_start3A_2285, %dma_start3A_2287, %dma_start3A_2288, %dma_start3A_2289] : memref<3x8x8x512xf32, #tpu.memory_space<vmem>> -> memref<1x8x8x512xf32, #tpu.memory_space<vmem>>
    %dma_start3A_2291 = tpu.memref_squeeze %dma_start3A_2290 : memref<1x8x8x512xf32, #tpu.memory_space<vmem>> -> memref<8x8x512xf32, #tpu.memory_space<vmem>>
    %dma_start3A_2292 = arith.constant 0 : i32
    %dma_start3A_2293 = arith.constant 0 : i32
    %dma_start3A_2294 = tpu.memref_slice %arg4[%add3A_2284, %dma_start3A_2292, %dma_start3A_2293] : memref<6144x8x512xf32, #tpu.memory_space<hbm>> -> memref<8x8x512xf32, #tpu.memory_space<hbm>>
    %dma_start3A_2295 = tpu.memref_slice %arg9[%dma_start3A_2286] : memref<3x!tpu.dma_semaphore, #tpu.memory_space<semaphore_mem>> -> memref<1x!tpu.dma_semaphore, #tpu.memory_space<semaphore_mem>>
    %dma_start3A_2296 = tpu.memref_squeeze %dma_start3A_2295 : memref<1x!tpu.dma_semaphore, #tpu.memory_space<semaphore_mem>> -> memref<!tpu.dma_semaphore, #tpu.memory_space<semaphore_mem>>
    %dma_start3A_2297 = arith.constant 0 : i32
    %dma_start3A_2298 = arith.constant 0 : i32
    %dma_start3A_2299 = tpu.memref_slice %arg4[%add3A_2284, %dma_start3A_2297, %dma_start3A_2298] : memref<6144x8x512xf32, #tpu.memory_space<hbm>> -> memref<8x8x512xf32, #tpu.memory_space<hbm>>
    %dma_start3A_2300 = arith.constant 0 : i32
    %dma_start3A_2301 = arith.constant 0 : i32
    %dma_start3A_2302 = arith.constant 0 : i32
    %dma_start3A_2303 = tpu.memref_slice %arg7[%dma_start3A_2285, %dma_start3A_2300, %dma_start3A_2301, %dma_start3A_2302] : memref<3x8x8x512xf32, #tpu.memory_space<vmem>> -> memref<1x8x8x512xf32, #tpu.memory_space<vmem>>
    %dma_start3A_2304 = tpu.memref_squeeze %dma_start3A_2303 : memref<1x8x8x512xf32, #tpu.memory_space<vmem>> -> memref<8x8x512xf32, #tpu.memory_space<vmem>>
    tpu.enqueue_dma source(%dma_start3A_2304 : memref<8x8x512xf32, #tpu.memory_space<vmem>>) target(%dma_start3A_2299 : memref<8x8x512xf32, #tpu.memory_space<hbm>>) target_semaphore(%dma_start3A_2296 : memref<!tpu.dma_semaphore, #tpu.memory_space<semaphore_mem>>)
    %get3A_2305 = arith.constant 184 : index
    %get3A_2306 = tpu.vector_load %arg6[%get3A_2305] {strides = array<i32>} : memref<208xi32, #tpu.memory_space<vmem>>, vector<16xi32>,
    %slice3A_2307 = vector.extract_strided_slice %get3A_2306 {offsets = [0], sizes = [1], strides = [1]} : vector<16xi32> to vector<1xi32>
    %squeeze3A_2308 = vector.extract %slice3A_2307[0] : i32 from vector<1xi32>
    %dma_wait3A_2309 = arith.constant 2 : i32
    %dma_wait3A_2310 = arith.constant 2 : i32
    %dma_wait3A_2311 = arith.constant 0 : i32
    %dma_wait3A_2312 = arith.constant 0 : i32
    %dma_wait3A_2313 = arith.constant 0 : i32
    %dma_wait3A_2314 = tpu.memref_slice %arg7[%dma_wait3A_2309, %dma_wait3A_2311, %dma_wait3A_2312, %dma_wait3A_2313] : memref<3x8x8x512xf32, #tpu.memory_space<vmem>> -> memref<1x8x8x512xf32, #tpu.memory_space<vmem>>
    %dma_wait3A_2315 = tpu.memref_squeeze %dma_wait3A_2314 : memref<1x8x8x512xf32, #tpu.memory_space<vmem>> -> memref<8x8x512xf32, #tpu.memory_space<vmem>>
    %dma_wait3A_2316 = arith.constant 0 : i32
    %dma_wait3A_2317 = arith.constant 0 : i32
    %dma_wait3A_2318 = tpu.memref_slice %arg2[%squeeze3A_2308, %dma_wait3A_2316, %dma_wait3A_2317] : memref<6144x8x512xf32, #tpu.memory_space<hbm>> -> memref<8x8x512xf32, #tpu.memory_space<hbm>>
    %dma_wait3A_2319 = tpu.memref_slice %arg8[%dma_wait3A_2310] : memref<3x!tpu.dma_semaphore, #tpu.memory_space<semaphore_mem>> -> memref<1x!tpu.dma_semaphore, #tpu.memory_space<semaphore_mem>>
    %dma_wait3A_2320 = tpu.memref_squeeze %dma_wait3A_2319 : memref<1x!tpu.dma_semaphore, #tpu.memory_space<semaphore_mem>> -> memref<!tpu.dma_semaphore, #tpu.memory_space<semaphore_mem>>
    %dma_wait3A_2321 = arith.constant 0 : i32
    %dma_wait3A_2322 = arith.constant 0 : i32
    %dma_wait3A_2323 = arith.constant 0 : i32
    %dma_wait3A_2324 = tpu.memref_slice %arg7[%dma_wait3A_2309, %dma_wait3A_2321, %dma_wait3A_2322, %dma_wait3A_2323] : memref<3x8x8x512xf32, #tpu.memory_space<vmem>> -> memref<1x8x8x512xf32, #tpu.memory_space<vmem>>
    %dma_wait3A_2325 = tpu.memref_squeeze %dma_wait3A_2324 : memref<1x8x8x512xf32, #tpu.memory_space<vmem>> -> memref<8x8x512xf32, #tpu.memory_space<vmem>>
    %dma_wait3A_2326 = arith.constant 0 : i32
    %dma_wait3A_2327 = arith.constant 0 : i32
    %dma_wait3A_2328 = tpu.memref_slice %arg2[%squeeze3A_2308, %dma_wait3A_2326, %dma_wait3A_2327] : memref<6144x8x512xf32, #tpu.memory_space<hbm>> -> memref<8x8x512xf32, #tpu.memory_space<hbm>>
    tpu.wait_dma2 semaphore(%dma_wait3A_2320 : memref<!tpu.dma_semaphore, #tpu.memory_space<semaphore_mem>>) src(%dma_wait3A_2328 : memref<8x8x512xf32, #tpu.memory_space<hbm>>) dst(%dma_wait3A_2325 : memref<8x8x512xf32, #tpu.memory_space<vmem>>)
    %add3A_2329 = arith.constant 184 : i32
    %add3A_2330 = arith.addi %mul3A_2, %add3A_2329 : i32
    %dma_start3A_2331 = arith.constant 2 : i32
    %dma_start3A_2332 = arith.constant 2 : i32
    %dma_start3A_2333 = arith.constant 0 : i32
    %dma_start3A_2334 = arith.constant 0 : i32
    %dma_start3A_2335 = arith.constant 0 : i32
    %dma_start3A_2336 = tpu.memref_slice %arg7[%dma_start3A_2331, %dma_start3A_2333, %dma_start3A_2334, %dma_start3A_2335] : memref<3x8x8x512xf32, #tpu.memory_space<vmem>> -> memref<1x8x8x512xf32, #tpu.memory_space<vmem>>
    %dma_start3A_2337 = tpu.memref_squeeze %dma_start3A_2336 : memref<1x8x8x512xf32, #tpu.memory_space<vmem>> -> memref<8x8x512xf32, #tpu.memory_space<vmem>>
    %dma_start3A_2338 = arith.constant 0 : i32
    %dma_start3A_2339 = arith.constant 0 : i32
    %dma_start3A_2340 = tpu.memref_slice %arg4[%add3A_2330, %dma_start3A_2338, %dma_start3A_2339] : memref<6144x8x512xf32, #tpu.memory_space<hbm>> -> memref<8x8x512xf32, #tpu.memory_space<hbm>>
    %dma_start3A_2341 = tpu.memref_slice %arg9[%dma_start3A_2332] : memref<3x!tpu.dma_semaphore, #tpu.memory_space<semaphore_mem>> -> memref<1x!tpu.dma_semaphore, #tpu.memory_space<semaphore_mem>>
    %dma_start3A_2342 = tpu.memref_squeeze %dma_start3A_2341 : memref<1x!tpu.dma_semaphore, #tpu.memory_space<semaphore_mem>> -> memref<!tpu.dma_semaphore, #tpu.memory_space<semaphore_mem>>
    %dma_start3A_2343 = arith.constant 0 : i32
    %dma_start3A_2344 = arith.constant 0 : i32
    %dma_start3A_2345 = tpu.memref_slice %arg4[%add3A_2330, %dma_start3A_2343, %dma_start3A_2344] : memref<6144x8x512xf32, #tpu.memory_space<hbm>> -> memref<8x8x512xf32, #tpu.memory_space<hbm>>
    %dma_start3A_2346 = arith.constant 0 : i32
    %dma_start3A_2347 = arith.constant 0 : i32
    %dma_start3A_2348 = arith.constant 0 : i32
    %dma_start3A_2349 = tpu.memref_slice %arg7[%dma_start3A_2331, %dma_start3A_2346, %dma_start3A_2347, %dma_start3A_2348] : memref<3x8x8x512xf32, #tpu.memory_space<vmem>> -> memref<1x8x8x512xf32, #tpu.memory_space<vmem>>
    %dma_start3A_2350 = tpu.memref_squeeze %dma_start3A_2349 : memref<1x8x8x512xf32, #tpu.memory_space<vmem>> -> memref<8x8x512xf32, #tpu.memory_space<vmem>>
    tpu.enqueue_dma source(%dma_start3A_2350 : memref<8x8x512xf32, #tpu.memory_space<vmem>>) target(%dma_start3A_2345 : memref<8x8x512xf32, #tpu.memory_space<hbm>>) target_semaphore(%dma_start3A_2342 : memref<!tpu.dma_semaphore, #tpu.memory_space<semaphore_mem>>)
    %add3A_2351 = arith.constant 168 : i32
    %add3A_2352 = arith.addi %mul3A_2, %add3A_2351 : i32
    %dma_wait3A_2353 = arith.constant 0 : i32
    %dma_wait3A_2354 = arith.constant 0 : i32
    %dma_wait3A_2355 = arith.constant 0 : i32
    %dma_wait3A_2356 = arith.constant 0 : i32
    %dma_wait3A_2357 = arith.constant 0 : i32
    %dma_wait3A_2358 = tpu.memref_slice %arg7[%dma_wait3A_2353, %dma_wait3A_2355, %dma_wait3A_2356, %dma_wait3A_2357] : memref<3x8x8x512xf32, #tpu.memory_space<vmem>> -> memref<1x8x8x512xf32, #tpu.memory_space<vmem>>
    %dma_wait3A_2359 = tpu.memref_squeeze %dma_wait3A_2358 : memref<1x8x8x512xf32, #tpu.memory_space<vmem>> -> memref<8x8x512xf32, #tpu.memory_space<vmem>>
    %dma_wait3A_2360 = arith.constant 0 : i32
    %dma_wait3A_2361 = arith.constant 0 : i32
    %dma_wait3A_2362 = tpu.memref_slice %arg4[%add3A_2352, %dma_wait3A_2360, %dma_wait3A_2361] : memref<6144x8x512xf32, #tpu.memory_space<hbm>> -> memref<8x8x512xf32, #tpu.memory_space<hbm>>
    %dma_wait3A_2363 = tpu.memref_slice %arg9[%dma_wait3A_2354] : memref<3x!tpu.dma_semaphore, #tpu.memory_space<semaphore_mem>> -> memref<1x!tpu.dma_semaphore, #tpu.memory_space<semaphore_mem>>
    %dma_wait3A_2364 = tpu.memref_squeeze %dma_wait3A_2363 : memref<1x!tpu.dma_semaphore, #tpu.memory_space<semaphore_mem>> -> memref<!tpu.dma_semaphore, #tpu.memory_space<semaphore_mem>>
    %dma_wait3A_2365 = arith.constant 0 : i32
    %dma_wait3A_2366 = arith.constant 0 : i32
    %dma_wait3A_2367 = tpu.memref_slice %arg4[%add3A_2352, %dma_wait3A_2365, %dma_wait3A_2366] : memref<6144x8x512xf32, #tpu.memory_space<hbm>> -> memref<8x8x512xf32, #tpu.memory_space<hbm>>
    %dma_wait3A_2368 = arith.constant 0 : i32
    %dma_wait3A_2369 = arith.constant 0 : i32
    %dma_wait3A_2370 = arith.constant 0 : i32
    %dma_wait3A_2371 = tpu.memref_slice %arg7[%dma_wait3A_2353, %dma_wait3A_2368, %dma_wait3A_2369, %dma_wait3A_2370] : memref<3x8x8x512xf32, #tpu.memory_space<vmem>> -> memref<1x8x8x512xf32, #tpu.memory_space<vmem>>
    %dma_wait3A_2372 = tpu.memref_squeeze %dma_wait3A_2371 : memref<1x8x8x512xf32, #tpu.memory_space<vmem>> -> memref<8x8x512xf32, #tpu.memory_space<vmem>>
    tpu.wait_dma2 semaphore(%dma_wait3A_2364 : memref<!tpu.dma_semaphore, #tpu.memory_space<semaphore_mem>>) src(%dma_wait3A_2372 : memref<8x8x512xf32, #tpu.memory_space<vmem>>) dst(%dma_wait3A_2367 : memref<8x8x512xf32, #tpu.memory_space<hbm>>)
    %add3A_2373 = arith.constant 176 : i32
    %add3A_2374 = arith.addi %mul3A_2, %add3A_2373 : i32
    %dma_wait3A_2375 = arith.constant 1 : i32
    %dma_wait3A_2376 = arith.constant 1 : i32
    %dma_wait3A_2377 = arith.constant 0 : i32
    %dma_wait3A_2378 = arith.constant 0 : i32
    %dma_wait3A_2379 = arith.constant 0 : i32
    %dma_wait3A_2380 = tpu.memref_slice %arg7[%dma_wait3A_2375, %dma_wait3A_2377, %dma_wait3A_2378, %dma_wait3A_2379] : memref<3x8x8x512xf32, #tpu.memory_space<vmem>> -> memref<1x8x8x512xf32, #tpu.memory_space<vmem>>
    %dma_wait3A_2381 = tpu.memref_squeeze %dma_wait3A_2380 : memref<1x8x8x512xf32, #tpu.memory_space<vmem>> -> memref<8x8x512xf32, #tpu.memory_space<vmem>>
    %dma_wait3A_2382 = arith.constant 0 : i32
    %dma_wait3A_2383 = arith.constant 0 : i32
    %dma_wait3A_2384 = tpu.memref_slice %arg4[%add3A_2374, %dma_wait3A_2382, %dma_wait3A_2383] : memref<6144x8x512xf32, #tpu.memory_space<hbm>> -> memref<8x8x512xf32, #tpu.memory_space<hbm>>
    %dma_wait3A_2385 = tpu.memref_slice %arg9[%dma_wait3A_2376] : memref<3x!tpu.dma_semaphore, #tpu.memory_space<semaphore_mem>> -> memref<1x!tpu.dma_semaphore, #tpu.memory_space<semaphore_mem>>
    %dma_wait3A_2386 = tpu.memref_squeeze %dma_wait3A_2385 : memref<1x!tpu.dma_semaphore, #tpu.memory_space<semaphore_mem>> -> memref<!tpu.dma_semaphore, #tpu.memory_space<semaphore_mem>>
    %dma_wait3A_2387 = arith.constant 0 : i32
    %dma_wait3A_2388 = arith.constant 0 : i32
    %dma_wait3A_2389 = tpu.memref_slice %arg4[%add3A_2374, %dma_wait3A_2387, %dma_wait3A_2388] : memref<6144x8x512xf32, #tpu.memory_space<hbm>> -> memref<8x8x512xf32, #tpu.memory_space<hbm>>
    %dma_wait3A_2390 = arith.constant 0 : i32
    %dma_wait3A_2391 = arith.constant 0 : i32
    %dma_wait3A_2392 = arith.constant 0 : i32
    %dma_wait3A_2393 = tpu.memref_slice %arg7[%dma_wait3A_2375, %dma_wait3A_2390, %dma_wait3A_2391, %dma_wait3A_2392] : memref<3x8x8x512xf32, #tpu.memory_space<vmem>> -> memref<1x8x8x512xf32, #tpu.memory_space<vmem>>
    %dma_wait3A_2394 = tpu.memref_squeeze %dma_wait3A_2393 : memref<1x8x8x512xf32, #tpu.memory_space<vmem>> -> memref<8x8x512xf32, #tpu.memory_space<vmem>>
    tpu.wait_dma2 semaphore(%dma_wait3A_2386 : memref<!tpu.dma_semaphore, #tpu.memory_space<semaphore_mem>>) src(%dma_wait3A_2394 : memref<8x8x512xf32, #tpu.memory_space<vmem>>) dst(%dma_wait3A_2389 : memref<8x8x512xf32, #tpu.memory_space<hbm>>)
    %add3A_2395 = arith.constant 184 : i32
    %add3A_2396 = arith.addi %mul3A_2, %add3A_2395 : i32
    %dma_wait3A_2397 = arith.constant 2 : i32
    %dma_wait3A_2398 = arith.constant 2 : i32
    %dma_wait3A_2399 = arith.constant 0 : i32
    %dma_wait3A_2400 = arith.constant 0 : i32
    %dma_wait3A_2401 = arith.constant 0 : i32
    %dma_wait3A_2402 = tpu.memref_slice %arg7[%dma_wait3A_2397, %dma_wait3A_2399, %dma_wait3A_2400, %dma_wait3A_2401] : memref<3x8x8x512xf32, #tpu.memory_space<vmem>> -> memref<1x8x8x512xf32, #tpu.memory_space<vmem>>
    %dma_wait3A_2403 = tpu.memref_squeeze %dma_wait3A_2402 : memref<1x8x8x512xf32, #tpu.memory_space<vmem>> -> memref<8x8x512xf32, #tpu.memory_space<vmem>>
    %dma_wait3A_2404 = arith.constant 0 : i32
    %dma_wait3A_2405 = arith.constant 0 : i32
    %dma_wait3A_2406 = tpu.memref_slice %arg4[%add3A_2396, %dma_wait3A_2404, %dma_wait3A_2405] : memref<6144x8x512xf32, #tpu.memory_space<hbm>> -> memref<8x8x512xf32, #tpu.memory_space<hbm>>
    %dma_wait3A_2407 = tpu.memref_slice %arg9[%dma_wait3A_2398] : memref<3x!tpu.dma_semaphore, #tpu.memory_space<semaphore_mem>> -> memref<1x!tpu.dma_semaphore, #tpu.memory_space<semaphore_mem>>
    %dma_wait3A_2408 = tpu.memref_squeeze %dma_wait3A_2407 : memref<1x!tpu.dma_semaphore, #tpu.memory_space<semaphore_mem>> -> memref<!tpu.dma_semaphore, #tpu.memory_space<semaphore_mem>>
    %dma_wait3A_2409 = arith.constant 0 : i32
    %dma_wait3A_2410 = arith.constant 0 : i32
    %dma_wait3A_2411 = tpu.memref_slice %arg4[%add3A_2396, %dma_wait3A_2409, %dma_wait3A_2410] : memref<6144x8x512xf32, #tpu.memory_space<hbm>> -> memref<8x8x512xf32, #tpu.memory_space<hbm>>
    %dma_wait3A_2412 = arith.constant 0 : i32
    %dma_wait3A_2413 = arith.constant 0 : i32
    %dma_wait3A_2414 = arith.constant 0 : i32
    %dma_wait3A_2415 = tpu.memref_slice %arg7[%dma_wait3A_2397, %dma_wait3A_2412, %dma_wait3A_2413, %dma_wait3A_2414] : memref<3x8x8x512xf32, #tpu.memory_space<vmem>> -> memref<1x8x8x512xf32, #tpu.memory_space<vmem>>
    %dma_wait3A_2416 = tpu.memref_squeeze %dma_wait3A_2415 : memref<1x8x8x512xf32, #tpu.memory_space<vmem>> -> memref<8x8x512xf32, #tpu.memory_space<vmem>>
    tpu.wait_dma2 semaphore(%dma_wait3A_2408 : memref<!tpu.dma_semaphore, #tpu.memory_space<semaphore_mem>>) src(%dma_wait3A_2416 : memref<8x8x512xf32, #tpu.memory_space<vmem>>) dst(%dma_wait3A_2411 : memref<8x8x512xf32, #tpu.memory_space<hbm>>)
    return
  }
}

</mosaic_0001>

<sc_bundles>
// kernel: _sc_permute.3.cloned.1.call-start
scs
__scs_entry_jumppad:
0x0: {  	(pc) =	sbr.rel $0x88, $3  }
0x1: {  	(tag) =	ssettag $0x0;
	lr =	simm.s32 $0x1  }
0x2: {  	[smem:$0x3F9F] =	sst lr;
	_ =	strace $0xD0000000  }
0x3: {  	_ = 	snop  }
0x4: {  	_ = 	snop  }
0x5: {  	_ = 	snop  }
0x6: {  	_ = 	snop  }
0x7: {  	_ = 	snop  }
__scs_overlays_trampoline_lowered:
0x8: {  	[smem:$0x3FAE] =	sst s0  }
0x9: {  	[smem:$0x3FAF] =	sst s1  }
0xa: {  	[smem:$0x3FB0] =	sst s2  }
0xb: {  	[smem:$0x3FB1] =	sst s3  }
0xc: {  	[smem:$0x3FB2] =	sst s4  }
0xd: {  	[smem:$0x3FB3] =	sst s5  }
0xe: {  	[smem:$0x3FB4] =	sst s6  }
0xf: {  	[smem:$0x3FB5] =	sst s7  }
0x10: {  	[smem:$0x3FB6] =	sst s8  }
0x11: {  	[smem:$0x3FB7] =	sst s9;
	s0 =	simm.s32 @!p0 $0x0  }
0x12: {  	s1 =	sld [smem:$0x3F9D];
	s0 =	simm.s32 @p0 $0x1  }
0x13: {  	[smem:$0x3FB8] =	sst s0;
	s0 =	simm.s32 @!p1 $0x0  }
0x14: {  	s2 =	sld [smem:$0x3F9C];
	s0 =	simm.s32 @p1 $0x1  }
0x15: {  	[smem:$0x3FB9] =	sst s0;
	s0 =	simm.s32 @!p2 $0x0  }
0x16: {  	s3 =	sld [smem:$0x3FDB];
	s0 =	simm.s32 @p2 $0x1  }
0x17: {  	s4 =	simm.s32 $0x1BF5;
	[smem:$0x3FBB] =	sst s0  }
0x18: {  	s0 =	sld [smem:$0x3F9E];
	_ =	swait.ge [sflag:s4], $0x0  }
0x19: {  	s7 =	sld [smem:$0x3F9F]  }
0x1a: {  	s8 =	sadd.s32 $0xFFFFE003, lr  }
0x1b: {  	s9 =	sadd.s32 $0xFFFFFEF7, lr;
	s5 =	simm.s32 $0xFFFFFFFF;
	p2 =	slt.u32 s8, $0xFFFFF086  }
0x1c: {  	p1 =	slt.u32 s9, $0xF7A;
	s5 =	simm.s32 @!p2 $0x0  }
0x1d: {  	s5 =	simm.s32 @p1 $0x1;
	p0 =	seq.s32 s7, s2  }
0x1e: {  	s7 =	smul.u32 @!p0 $0xF7A, s2;
	p2 =	seq.s32 @!p0 s5, $0x0  }
0x1f: {  	s9 =	smul.u32 $0xF7A, s1;
	s8 =	simm.s32 @!p0 $0x1BF5;
	p2 =	por !p2, p0  }
0x20: {  	[sflag:s8] =	ssyncset.s32 @!p0 $0xFFFFF086;
	s6 =	sadd.s32 @!p0 s3, s7;
	s7 =	simm.s32 @!p0 $0x108  }
0x21: {  	s3 =	sadd.s32 s3, s9;
	s6 =	sadd.s32 @!p0 $0x88, s6;
	s7 =	simm.s32 @p2 $0x1082  }
0x22: {  	[simem:s7], [sflag:s8] =	dma.local @!p0 [hbm:s6], $0xF7A  }
0x23: {  	s9 =	sor.u32 $0xD0000000, s2;
	s6 =	simm.s32 $0x108;
	_ =	swait.ge @!p0 [sflag:s8], $0x0  }
0x24: {  	s3 =	sadd.s32 $0x88, s3;
	s6 =	simm.s32 @!p1 $0x1082;
	[sflag:s4] =	ssyncset.s32 $0xFFFFF086  }
0x25: {  	[simem:s6], [sflag:s4] =	dma.local [hbm:s3], $0xF7A  }
0x26: {  	[smem:$0x3F9F] =	sst s1;
	(tag) =	ssettag s2;
	_ =	strace s9  }
0x27: {  	s1 =	sld [smem:$0x3FAF]  }
0x28: {  	s2 =	sld [smem:$0x3FB0]  }
0x29: {  	s4 =	sld [smem:$0x3FB2]  }
0x2a: {  	p0 =	seq.s32 s5, $0x0;
	s5 =	sld [smem:$0x3FB3]  }
0x2b: {  	s6 =	sld [smem:$0x3FB4]  }
0x2c: {  	s7 =	sld [smem:$0x3FB5]  }
0x2d: {  	s3 =	simm.s32 $0x108;
	s8 =	sld [smem:$0x3FB6]  }
0x2e: {  	s3 =	simm.s32 @!p0 $0x1082;
	s9 =	sld [smem:$0x3FB7]  }
0x2f: {  	lr =	sadd.s32 s0, s3;
	s0 =	sld [smem:$0x3FAE]  }
0x30: {  	s3 =	sld [smem:$0x3FB1]  }
0x31: {  	[smem:$0x3FBA] =	sst s10  }
0x32: {  	s10 =	sld [smem:$0x3FB8];
	_ =	sdelay $0x3  }
0x33: {  	p0 =	seq.s32 s10, $0x1;
	s10 =	sld [smem:$0x3FBA];
	_ =	sdelay $0x3  }
0x34: {  	[smem:$0x3FBA] =	sst s10  }
0x35: {  	s10 =	sld [smem:$0x3FB9];
	_ =	sdelay $0x3  }
0x36: {  	p1 =	seq.s32 s10, $0x1;
	s10 =	sld [smem:$0x3FBA];
	_ =	sdelay $0x3  }
0x37: {  	[smem:$0x3FBA] =	sst s10  }
0x38: {  	s10 =	sld [smem:$0x3FBB]  }
0x39: {  	_ = 	snop;
	(pc) =	sbr.ind lr, $3  }
0x3a: {  	_ = 	snop  }
0x3b: {  	_ = 	snop  }
0x3c: {  	p2 =	seq.s32 s10, $0x1;
	s10 =	sld [smem:$0x3FBA]  }
0x3d: {  	_ =	shalt  }
0x3e: {  	_ =	shalt  }
0x3f: {  	_ =	shalt  }
0x40: {  	_ =	shalt  }
0x41: {  	_ =	shalt  }
0x42: {  	_ =	shalt  }
0x43: {  	_ =	shalt  }
0x44: {  	_ =	shalt  }
0x45: {  	_ =	shalt  }
0x46: {  	_ =	shalt  }
0x47: {  	_ =	shalt  }
0x48: {  	_ =	shalt  }
0x49: {  	_ =	shalt  }
0x4a: {  	_ =	shalt  }
0x4b: {  	_ =	shalt  }
0x4c: {  	_ =	shalt  }
0x4d: {  	_ =	shalt  }
0x4e: {  	_ =	shalt  }
0x4f: {  	_ =	shalt  }
0x50: {  	_ =	shalt  }
0x51: {  	_ =	shalt  }
0x52: {  	_ =	shalt  }
0x53: {  	_ =	shalt  }
0x54: {  	_ =	shalt  }
0x55: {  	_ =	shalt  }
0x56: {  	_ =	shalt  }
0x57: {  	_ =	shalt  }
0x58: {  	_ =	shalt  }
0x59: {  	_ =	shalt  }
0x5a: {  	_ =	shalt  }
0x5b: {  	_ =	shalt  }
0x5c: {  	_ =	shalt  }
0x5d: {  	_ =	shalt  }
0x5e: {  	_ =	shalt  }
0x5f: {  	_ =	shalt  }
0x60: {  	_ =	shalt  }
0x61: {  	_ =	shalt  }
0x62: {  	_ =	shalt  }
0x63: {  	_ =	shalt  }
0x64: {  	_ =	shalt  }
0x65: {  	_ =	shalt  }
0x66: {  	_ =	shalt  }
0x67: {  	_ =	shalt  }
0x68: {  	_ =	shalt  }
0x69: {  	_ =	shalt  }
0x6a: {  	_ =	shalt  }
0x6b: {  	_ =	shalt  }
0x6c: {  	_ =	shalt  }
0x6d: {  	_ =	shalt  }
0x6e: {  	_ =	shalt  }
0x6f: {  	_ =	shalt  }
0x70: {  	_ =	shalt  }
0x71: {  	_ =	shalt  }
0x72: {  	_ =	shalt  }
0x73: {  	_ =	shalt  }
0x74: {  	_ =	shalt  }
0x75: {  	_ =	shalt  }
0x76: {  	_ =	shalt  }
0x77: {  	_ =	shalt  }
0x78: {  	_ =	shalt  }
0x79: {  	_ =	shalt  }
0x7a: {  	_ =	shalt  }
0x7b: {  	_ =	shalt  }
0x7c: {  	_ =	shalt  }
0x7d: {  	_ =	shalt  }
0x7e: {  	_ =	shalt  }
0x7f: {  	_ =	shalt  }
0x80: {  	_ =	shalt  }
0x81: {  	_ =	shalt  }
0x82: {  	_ =	shalt  }
0x83: {  	_ =	shalt  }
0x84: {  	_ =	shalt  }
0x85: {  	_ =	shalt  }
0x86: {  	_ =	shalt  }
0x87: {  	_ =	shalt  }
.Lfunc_end0:
.L_simem_size_0:
called_computation_lowered:
.L_overlay_start_0:
0x88: {  	s2 =	sld [smem:$0x3FD9]  }
0x89: {  	s3 =	sld [smem:$0x3FFE];
	_ =	sdelay $0x1  }
0x8a: {  	s1 =	srdreg.scid  }
0x8b: {  	s0 =	sand.u32 $0x1, s1  }
0x8c: {  	s18 =	sshll.u32 s0, $0xA;
	s2 =	sadd.s32 s3, s2  }
0x8d: {  	s2 =	sadd.s32 s2, s18  }
0x8e: {  	[smem:$0x3FC6] =	sst s2  }
0x8f: {  	_ = 	snop  }
0x90: {  	s2 =	sld [smem:$0x3FC9]  }
0x91: {  	s19 =	sld [smem:$0x3FC8]  }
0x92: {  	s4 =	sld [smem:$0x3FD0];
	(tm) =	ssettm $0x1  }
0x93: {  	s5 =	sld [smem:$0x3FFB];
	_ =	sdelay $0x3  }
0x94: {  	_ =	strace s5  }
0x95: {  	s5 =	sld [smem:$0x3FFC];
	_ =	sdelay $0x3  }
0x96: {  	_ =	strace s5  }
0x97: {  	s5 =	sld [smem:$0x3FFD];
	_ =	sdelay $0x3  }
0x98: {  	_ =	strace s5  }
0x99: {  	_ =	strace $0x8FFFFFFF  }
0x9a: {  	s20 =	sld [smem:$0x3FDB];
	_ =	sdelay $0x1  }
0x9b: {  	s6 =	simm.s32 $_scs_section_size  }
0x9c: {  	s7 =	simm.s32 $_size__tile_overlayer_lowered;
	s8 =	simm.s32 $_tile_overlayer_lowered  }
0x9d: {  	s23 =	simm.s32 $0x1BFF;
	s22 =	sshll.u32 s8, $0x1;
	s5 =	sadd.s32 s6, s20  }
0x9e: {  	s9 =	simm.s32 $0x0;
	s21 =	sshll.u32 s7, $0x1;
	s7 =	sadd.s32 s22, s5  }
0x9f: {  	[timem:s9], [sflag:s23] =	dma.local [hbm:s7], s21  }
0xa0: {  	_ =	swait.ge [sflag:s23], s21  }
0xa1: {  	s6 =	ssub.s32 $0x0, s21;
	[sflag:s23] =	ssyncset.done $0x0  }
0xa2: {  	[sflag:s23] =	ssyncadd.s32 s6;
	_ =	sdelay $0x1  }
0xa3: {  	s24 =	simm.s32 $0x1B8B  }
0xa4: {  	_ =	swait.ge [sflag:s24], $0x1  }
0xa5: {  	[sflag:s24] =	ssyncset.done $0x0  }
0xa6: {  	s25 =	simm.s32 $0x1B8E;
	[sflag:s24] =	ssyncadd.s32 $0xFFFFFFFF  }
0xa7: {  	s26 =	simm.s32 $execute0_lowered;
	[smem:$0x3FD2] =	sst s25  }
0xa8: {  	s6 =	sshll.u32 s26, $0x1;
	_ =	strace $0x80000046;
	[dreg:$0x1] =	wrdreg $0xFFFFFFFF  }
0xa9: {  	s28 =	simm.s32 $_size_execute0_lowered;
	s5 =	sadd.s32 s5, s6;
	[dreg:$0x0] =	wrdreg $0x0  }
0xaa: {  	s6 =	sshll.u32 s28, $0x1;
	[dreg:$0x2] =	wrdreg s5  }
0xab: {  	[dreg:$0x3] =	wrdreg s6  }
0xac: {  	[dreg:$0x4] =	wrdreg $0xC0  }
0xad: {  	_ =	task [dreg:s9], $0x5FFFF  }
0xae: {  	[dreg:$0x1] =	wrdreg $0xFFFFFFFF  }
0xaf: {  	[dreg:$0x0] =	wrdreg $0x60  }
0xb0: {  	[dreg:$0x2] =	wrdreg s2  }
0xb1: {  	[dreg:$0x3] =	wrdreg s19  }
0xb2: {  	[dreg:$0x4] =	wrdreg s4  }
0xb3: {  	[dreg:$0x5] =	wrdreg $0x9  }
0xb4: {  	_ =	task.clear_ibuf [dreg:s9], $0x6FFFF;
	_ =	strace $0x90000046  }
0xb5: {  	s29 =	simm.s32 $0x9;
	_ =	strace $0x80000048  }
0xb6: {  	_ =	swait.ge [sflag:s29], $0x1  }
0xb7: {  	[sflag:s29] =	ssyncadd.s32 $0xFFFFFFFF  }
0xb8: {  	_ =	strace $0x90000048  }
0xb9: {  	_ =	sfence  }
0xba: {  	s30 =	sld [smem:$0x0];
	_ =	sdelay $0x2  }
0xbb: {  	s31 =	sshll.u32 s1, $0xD;
	s1 =	sshrl.u32 s1, $0x2  }
0xbc: {  	s3 =	sand.u32 $0x4000, s31;
	s1 =	sadd.s32 s1, s30  }
0xbd: {  	s0 =	sor.u32 s3, s0;
	s1 =	sshll.u32 s1, $0x11  }
0xbe: {  	s0 =	sor.u32 s1, s0  }
0xbf: {  	s0 =	sadd.s32 $0x8F2B, s0  }
0xc0: {  	[sflag:s0] =	ssyncadd.remote.s32 $0x1  }
0xc1: {  	_ =	sfence.sel $0xFFFF  }
0xc2: {  	[dreg:$0x0] =	wrdreg $0xFFFFFFFF;
	(pc) =	sbr.abs _section_cstart, $3  }
0xc3: {  	[dreg:$0x1] =	wrdreg $0xFFFFFFFF  }
0xc4: {  	_ =	task.clear_ibuf [dreg:s9], $0x2FFFF;
	_ =	strace $0x9FFFFFFF  }
0xc5: {  	(tm) =	ssettm $0x7FFFFFFF  }
tec
execute0_lowered:
.L_overlay_start_1:
0x0: {  	(tag) =	ssettag $0x1  }
0x1: {  	s1 =	rddreg [dreg:$0x0];
	s2 =	srdreg.scid  }
0x2: {  	s0 =	stileid.u32;
	s3 =	rddreg [dreg:$0x1]  }
0x3: {  	s5 =	rddreg [dreg:$0x2];
	s6 =	sand.u32 $0x1, s2;
	s12 =	sshll.u32 s0, $0x1  }
0x4: {  	[dreg:$0x4] =	wrdreg s3;
	s8 =	sor.u32 s6, s12  }
0x5: {  	s2 =	rddreg [dreg:$0x3];
	s3 =	simm.s32 $0x0;
	s7 =	smul.u32 $0xC0, s8  }
0x6: {  	[smem:$0x7FF] =	sst s3;
	s4 =	smul.u32 $0x18000, s8  }
0x7: {  	s6 =	ssub.s32 $0x2, s6;
	_ =	strace $0x80000047;
	s8 =	smul.u32 $0xC0000, s8  }
0x8: {  	s9 =	sor.u32 $0x10, s7;
	s4 =	sadd.s32 s5, s4;
	s12 =	sor.u32 $0x20, s7  }
0x9: {  	s8 =	sshrl.u32 s8, $0x3;
	s10 =	sadd.s32 $0x1000, s4;
	s11 =	sshll.u32 s9, $0x9  }
0xa: {  	s14 =	sadd.s32 $0x3000, s4;
	s15 =	sshll.u32 s12, $0x9;
	[dreg:$0x5] =	wrdreg s10  }
0xb: {  	s17 =	sadd.s32 $0x5000, s4;
	s20 =	sadd.s32 $0x7000, s4;
	[dreg:$0x7] =	wrdreg s14  }
0xc: {  	s8 =	sadd.s32 s5, s8;
	v1 =	vmov s9;
	s9 =	simm.s32 $0x1;
	[dreg:$0x9] =	wrdreg s17  }
0xd: {  	s13 =	sadd.s32 s5, s11;
	s16 =	sadd.s32 s5, s15;
	[dreg:$0xb] =	wrdreg s20  }
0xe: {  	s11 =	sadd.s32 $0x40, s7;
	s14 =	sadd.s32 $0x50, s7;
	[dreg:$0x6] =	wrdreg s13  }
0xf: {  	s22 =	sadd.s32 $0x9000, s8;
	s25 =	sadd.s32 $0xB000, s8;
	[dreg:$0x8] =	wrdreg s16  }
0x10: {  	s17 =	sadd.s32 $0x70, s7;
	s29 =	sadd.s32 $0xD000, s8;
	[dreg:$0xd] =	wrdreg s22  }
0x11: {  	s10 =	sadd.s32 $0xF000, s8;
	s20 =	sadd.s32 $0x11000, s8;
	[dreg:$0xf] =	wrdreg s25  }
0x12: {  	s13 =	sor.u32 $0x30, s7;
	s15 =	sshll.u32 s11, $0x9;
	[dreg:$0x11] =	wrdreg s29  }
0x13: {  	s23 =	sshll.u32 s14, $0x9;
	s16 =	sadd.s32 $0x60, s7;
	[dreg:$0x13] =	wrdreg s10  }
0x14: {  	s30 =	sshll.u32 s17, $0x9;
	s22 =	sadd.s32 $0xA0, s7;
	[dreg:$0x15] =	wrdreg s20  }
0x15: {  	v4 =	vmov s11;
	v5 =	vmov s14;
	s10 =	simm.s32 $0x10180;
	s11 =	simm.s32 $0x2;
	s14 =	simm.s32 $0x5  }
0x16: {  	s18 =	sshll.u32 s13, $0x9;
	s21 =	sadd.s32 s5, s15;
	s24 =	sadd.s32 s5, s23  }
0x17: {  	v12 =	vlaneseq.u32;
	s26 =	sshll.u32 s16, $0x9;
	s31 =	sadd.s32 s5, s30;
	s15 =	sadd.s32 $0x90, s7  }
0x18: {  	v13 =	vor.u32 $0x10, v12;
	v14 =	vor.u32 $0x20, v12;
	v0 =	vmov s7;
	s25 =	sshll.u32 s22, $0x9;
	s30 =	sshrl.u32 s6, $0x1;
	[dreg:$0xc] =	wrdreg s21  }
0x19: {  	v0 =	vshrl.u32 v0, $0x6;
	v2 =	vmov s12;
	v3 =	vmov s13;
	s13 =	simm.s32 $0x3;
	s19 =	sadd.s32 s5, s18;
	[dreg:$0xe] =	wrdreg s24  }
0x1a: {  	v0 =	vbroadcast v0, $0x0;
	v1 =	vshrl.u32 v1, $0x6;
	v2 =	vshrl.u32 v2, $0x6;
	s28 =	sadd.s32 s5, s26;
	s18 =	sadd.s32 $0x80, s7;
	[dreg:$0x12] =	wrdreg s31  }
0x1b: {  	v1 =	vbroadcast v1, $0x0;
	v2 =	vbroadcast v2, $0x0;
	v7 =	vmov s17;
	s21 =	sshll.u32 s15, $0x9;
	s24 =	sadd.s32 $0x13000, s8;
	[dreg:$0xa] =	wrdreg s19  }
0x1c: {  	v4 =	vshrl.u32 v4, $0x6;
	v5 =	vshrl.u32 v5, $0x6;
	v6 =	vmov s16;
	s7 =	sadd.s32 $0xB0, s7;
	s26 =	sadd.s32 s5, s25;
	[dreg:$0x10] =	wrdreg s28  }
0x1d: {  	v7 =	vshrl.u32 v7, $0x6;
	v10 =	vmov s22;
	v3 =	vshrl.u32 v3, $0x6;
	s6 =	ssub.s32 s6, s30;
	s31 =	sadd.s32 $0x17000, s8;
	[dreg:$0x17] =	wrdreg s24  }
0x1e: {  	v4 =	vbroadcast v4, $0x0;
	v5 =	vbroadcast v5, $0x0;
	v9 =	vmov s15;
	s15 =	simm.s32 $0x6;
	s12 =	sshll.u32 s18, $0x9;
	[dreg:$0x18] =	wrdreg s26  }
0x1f: {  	v6 =	vshrl.u32 v6, $0x6;
	v7 =	vbroadcast v7, $0x0;
	v10 =	vshrl.u32 v10, $0x6;
	s23 =	sadd.s32 s5, s21;
	s28 =	sadd.s32 $0x15000, s8;
	[dreg:$0x1b] =	wrdreg s31  }
0x20: {  	v3 =	vbroadcast v3, $0x0;
	v8 =	vmov s18;
	s29 =	sshll.u32 s7, $0x9;
	v11 =	vmov s7;
	s7 =	simm.s32 $0x180;
	[dreg:$0x16] =	wrdreg s23  }
0x21: {  	v6 =	vbroadcast v6, $0x0;
	v9 =	vshrl.u32 v9, $0x6;
	s8 =	simm.s32 $0x8180;
	v10 =	vbroadcast v10, $0x0;
	s19 =	sadd.s32 s5, s12;
	[dreg:$0x19] =	wrdreg s28  }
0x22: {  	v8 =	vshrl.u32 v8, $0x6;
	s5 =	sadd.s32 s5, s29;
	v9 =	vbroadcast v9, $0x0;
	v11 =	vshrl.u32 v11, $0x6;
	s12 =	simm.s32 $0x4;
	[dreg:$0x14] =	wrdreg s19  }
0x23: {  	v15 =	vor.u32 $0x30, v12;
	v8 =	vbroadcast v8, $0x0;
	[dreg:$0x1a] =	wrdreg s5;
	s5 =	smax.u32 s6, $0x1;
	s6 =	simm.s32 $0x7;
	v11 =	vbroadcast v11, $0x0  }
.LBB2_1:
0x24: {  	s16 =	rddreg [dreg:$0x4]  }
0x25: {  	[tilespmem:s3], [sflag:$0x7] =	stream.linear.gather [hbm4b:s16+s3], $0x80, $0x38;
	[tilespmem:$0x18180] =	vst v63  }
0x26: {  	_ =	swait.ge [sflag:s6], $0x80  }
0x27: {  	[sflag:s6] =	ssyncset.done $0x0  }
0x28: {  	[sflag:s6] =	ssyncadd.s32 $0xFFFFFF80  }
0x29: {  	v16 =	vld.idx.msk [tilespmem:v0+s3+$0x0], $0xffff;
	_ =	sdelay $0x4  }
0x2a: {  	v16 =	vshll.u32 v16, $0x6  }
0x2b: {  	(v2sf) =	vpush v16, $0x0;
	_ =	sdelay $0xe  }
0x2c: {  	s26 =	spop (v2sf)  }
0x2d: {  	s16 =	sshll.u32 s26, $0x9  }
0x2e: {  	v16 =	vor.u32 v12, v16;
	s16 =	sand.u32 $0x1FFF8000, s16  }
0x2f: {  	[tilespmem:$0x80] =	vst v16;
	s16 =	sadd.s32 s1, s16  }
0x30: {  	[tilespmem:s7], [sflag:$0x1] =	stream.linear.gather [hbm4b:s16+s3], $0x8000, $0x38;
	[tilespmem:$0x18180] =	vst v63  }
0x31: {  	v16 =	vld [tilespmem:$0x88];
	_ =	sdelay $0x4  }
0x32: {  	(v2sf) =	vpush v16, $0x0;
	_ =	sdelay $0xe  }
0x33: {  	s28 =	spop (v2sf)  }
0x34: {  	s16 =	sshll.u32 s28, $0x9  }
0x35: {  	s16 =	sand.u32 $0x1FFFFE00, s16  }
0x36: {  	s16 =	sadd.s32 s1, s16  }
0x37: {  	[tilespmem:s8], [sflag:$0x2] =	stream.linear.gather [hbm4b:s16+s3], $0x8000, $0x38;
	[tilespmem:$0x18180] =	vst v63  }
0x38: {  	v16 =	vld.idx.msk [tilespmem:v1+s3+$0x0], $0xffff;
	_ =	sdelay $0x4  }
0x39: {  	v16 =	vshll.u32 v16, $0x6  }
0x3a: {  	v16 =	vor.u32 v13, v16  }
0x3b: {  	[tilespmem:$0x90] =	vst v16  }
0x3c: {  	v16 =	vld.idx.msk [tilespmem:v2+s3+$0x0], $0xffff;
	_ =	sdelay $0x4  }
0x3d: {  	v16 =	vshll.u32 v16, $0x6  }
0x3e: {  	v16 =	vor.u32 v14, v16  }
0x3f: {  	[tilespmem:$0xA0] =	vst v16  }
0x40: {  	v16 =	vld.idx.msk [tilespmem:v3+s3+$0x0], $0xffff;
	_ =	sdelay $0x4  }
0x41: {  	v16 =	vshll.u32 v16, $0x6  }
0x42: {  	v16 =	vor.u32 v15, v16  }
0x43: {  	[tilespmem:$0xB0] =	vst v16  }
0x44: {  	v16 =	vld.idx.msk [tilespmem:v4+s3+$0x0], $0xffff;
	_ =	sdelay $0x4  }
0x45: {  	v16 =	vshll.u32 v16, $0x6  }
0x46: {  	v16 =	vor.u32 v12, v16  }
0x47: {  	[tilespmem:$0xC0] =	vst v16  }
0x48: {  	v16 =	vld.idx.msk [tilespmem:v5+s3+$0x0], $0xffff;
	_ =	sdelay $0x4  }
0x49: {  	v16 =	vshll.u32 v16, $0x6  }
0x4a: {  	v16 =	vor.u32 v13, v16  }
0x4b: {  	[tilespmem:$0xD0] =	vst v16  }
0x4c: {  	v16 =	vld.idx.msk [tilespmem:v6+s3+$0x0], $0xffff;
	_ =	sdelay $0x4  }
0x4d: {  	v16 =	vshll.u32 v16, $0x6  }
0x4e: {  	v16 =	vor.u32 v14, v16  }
0x4f: {  	[tilespmem:$0xE0] =	vst v16  }
0x50: {  	v16 =	vld.idx.msk [tilespmem:v7+s3+$0x0], $0xffff;
	_ =	sdelay $0x4  }
0x51: {  	v16 =	vshll.u32 v16, $0x6  }
0x52: {  	v16 =	vor.u32 v15, v16  }
0x53: {  	[tilespmem:$0xF0] =	vst v16  }
0x54: {  	v16 =	vld.idx.msk [tilespmem:v8+s3+$0x0], $0xffff;
	_ =	sdelay $0x4  }
0x55: {  	v16 =	vshll.u32 v16, $0x6  }
0x56: {  	v16 =	vor.u32 v12, v16  }
0x57: {  	[tilespmem:$0x100] =	vst v16  }
0x58: {  	v16 =	vld.idx.msk [tilespmem:v9+s3+$0x0], $0xffff;
	_ =	sdelay $0x4  }
0x59: {  	v16 =	vshll.u32 v16, $0x6  }
0x5a: {  	v16 =	vor.u32 v13, v16  }
0x5b: {  	[tilespmem:$0x110] =	vst v16  }
0x5c: {  	v16 =	vld.idx.msk [tilespmem:v10+s3+$0x0], $0xffff;
	_ =	sdelay $0x4  }
0x5d: {  	v16 =	vshll.u32 v16, $0x6  }
0x5e: {  	v16 =	vor.u32 v14, v16  }
0x5f: {  	[tilespmem:$0x120] =	vst v16  }
0x60: {  	v16 =	vld.idx.msk [tilespmem:v11+s3+$0x0], $0xffff;
	_ =	sdelay $0x4  }
0x61: {  	v16 =	vshll.u32 v16, $0x6  }
0x62: {  	v16 =	vor.u32 v15, v16  }
0x63: {  	[tilespmem:$0x130] =	vst v16  }
0x64: {  	_ =	swait.ge [sflag:s9], $0x8000  }
0x65: {  	[sflag:s9] =	ssyncset.done $0x0  }
0x66: {  	[sflag:s9] =	ssyncadd.s32 $0xFFFF8000  }
0x67: {  	[hbm4b:s4+s3] =	stream.linear.scatter [tilespmem:s7], [sflag:$0x4], $0x8000, $0x38;
	[tilespmem:$0x18180] =	vst v63  }
0x68: {  	v16 =	vld [tilespmem:$0x90];
	_ =	sdelay $0x4  }
0x69: {  	(v2sf) =	vpush v16, $0x0;
	_ =	sdelay $0xe  }
0x6a: {  	s29 =	spop (v2sf)  }
0x6b: {  	s16 =	sshll.u32 s29, $0x9  }
0x6c: {  	s16 =	sand.u32 $0x1FFFFE00, s16  }
0x6d: {  	s16 =	sadd.s32 s1, s16  }
0x6e: {  	[tilespmem:s10], [sflag:$0x3] =	stream.linear.gather [hbm4b:s16+s3], $0x8000, $0x38;
	[tilespmem:$0x18180] =	vst v63  }
0x6f: {  	_ =	swait.ge [sflag:s11], $0x8000  }
0x70: {  	[sflag:s11] =	ssyncset.done $0x0  }
0x71: {  	s30 =	rddreg [dreg:$0x5];
	[sflag:s11] =	ssyncadd.s32 $0xFFFF8000  }
0x72: {  	[hbm4b:s30+s3] =	stream.linear.scatter [tilespmem:s8], [sflag:$0x5], $0x8000, $0x38;
	[tilespmem:$0x18180] =	vst v63  }
0x73: {  	_ =	swait.ge [sflag:s12], $0x8000  }
0x74: {  	[sflag:s12] =	ssyncset.done $0x0  }
0x75: {  	[sflag:s12] =	ssyncadd.s32 $0xFFFF8000  }
0x76: {  	v16 =	vld [tilespmem:$0x98];
	_ =	sdelay $0x4  }
0x77: {  	(v2sf) =	vpush v16, $0x0;
	_ =	sdelay $0xe  }
0x78: {  	s31 =	spop (v2sf)  }
0x79: {  	s16 =	sshll.u32 s31, $0x9  }
0x7a: {  	s16 =	sand.u32 $0x1FFFFE00, s16  }
0x7b: {  	s16 =	sadd.s32 s1, s16  }
0x7c: {  	[tilespmem:s7], [sflag:$0x1] =	stream.linear.gather [hbm4b:s16+s3], $0x8000, $0x38;
	[tilespmem:$0x18180] =	vst v63  }
0x7d: {  	_ =	swait.ge [sflag:s13], $0x8000  }
0x7e: {  	[sflag:s13] =	ssyncset.done $0x0  }
0x7f: {  	s17 =	rddreg [dreg:$0x6];
	[sflag:s13] =	ssyncadd.s32 $0xFFFF8000  }
0x80: {  	[hbm4b:s17+s3] =	stream.linear.scatter [tilespmem:s10], [sflag:$0x6], $0x8000, $0x38;
	[tilespmem:$0x18180] =	vst v63  }
0x81: {  	_ =	swait.ge [sflag:s14], $0x8000  }
0x82: {  	[sflag:s14] =	ssyncset.done $0x0  }
0x83: {  	[sflag:s14] =	ssyncadd.s32 $0xFFFF8000  }
0x84: {  	v16 =	vld [tilespmem:$0xA0];
	_ =	sdelay $0x4  }
0x85: {  	(v2sf) =	vpush v16, $0x0;
	_ =	sdelay $0xe  }
0x86: {  	s18 =	spop (v2sf)  }
0x87: {  	s16 =	sshll.u32 s18, $0x9  }
0x88: {  	s16 =	sand.u32 $0x1FFFFE00, s16  }
0x89: {  	s16 =	sadd.s32 s1, s16  }
0x8a: {  	[tilespmem:s8], [sflag:$0x2] =	stream.linear.gather [hbm4b:s16+s3], $0x8000, $0x38;
	[tilespmem:$0x18180] =	vst v63  }
0x8b: {  	_ =	swait.ge [sflag:s9], $0x8000  }
0x8c: {  	[sflag:s9] =	ssyncset.done $0x0  }
0x8d: {  	s19 =	rddreg [dreg:$0x7];
	[sflag:s9] =	ssyncadd.s32 $0xFFFF8000  }
0x8e: {  	[hbm4b:s19+s3] =	stream.linear.scatter [tilespmem:s7], [sflag:$0x4], $0x8000, $0x38;
	[tilespmem:$0x18180] =	vst v63  }
0x8f: {  	_ =	swait.ge [sflag:s15], $0x8000  }
0x90: {  	[sflag:s15] =	ssyncset.done $0x0  }
0x91: {  	[sflag:s15] =	ssyncadd.s32 $0xFFFF8000  }
0x92: {  	v16 =	vld [tilespmem:$0xA8];
	_ =	sdelay $0x4  }
0x93: {  	(v2sf) =	vpush v16, $0x0;
	_ =	sdelay $0xe  }
0x94: {  	s20 =	spop (v2sf)  }
0x95: {  	s16 =	sshll.u32 s20, $0x9  }
0x96: {  	s16 =	sand.u32 $0x1FFFFE00, s16  }
0x97: {  	s16 =	sadd.s32 s1, s16  }
0x98: {  	[tilespmem:s10], [sflag:$0x3] =	stream.linear.gather [hbm4b:s16+s3], $0x8000, $0x38;
	[tilespmem:$0x18180] =	vst v63  }
0x99: {  	_ =	swait.ge [sflag:s11], $0x8000  }
0x9a: {  	[sflag:s11] =	ssyncset.done $0x0  }
0x9b: {  	s21 =	rddreg [dreg:$0x8];
	[sflag:s11] =	ssyncadd.s32 $0xFFFF8000  }
0x9c: {  	[hbm4b:s21+s3] =	stream.linear.scatter [tilespmem:s8], [sflag:$0x5], $0x8000, $0x38;
	[tilespmem:$0x18180] =	vst v63  }
0x9d: {  	_ =	swait.ge [sflag:s12], $0x8000  }
0x9e: {  	[sflag:s12] =	ssyncset.done $0x0  }
0x9f: {  	[sflag:s12] =	ssyncadd.s32 $0xFFFF8000  }
0xa0: {  	v16 =	vld [tilespmem:$0xB0];
	_ =	sdelay $0x4  }
0xa1: {  	(v2sf) =	vpush v16, $0x0;
	_ =	sdelay $0xe  }
0xa2: {  	s22 =	spop (v2sf)  }
0xa3: {  	s16 =	sshll.u32 s22, $0x9  }
0xa4: {  	s16 =	sand.u32 $0x1FFFFE00, s16  }
0xa5: {  	s16 =	sadd.s32 s1, s16  }
0xa6: {  	[tilespmem:s7], [sflag:$0x1] =	stream.linear.gather [hbm4b:s16+s3], $0x8000, $0x38;
	[tilespmem:$0x18180] =	vst v63  }
0xa7: {  	_ =	swait.ge [sflag:s13], $0x8000  }
0xa8: {  	[sflag:s13] =	ssyncset.done $0x0  }
0xa9: {  	s23 =	rddreg [dreg:$0x9];
	[sflag:s13] =	ssyncadd.s32 $0xFFFF8000  }
0xaa: {  	[hbm4b:s23+s3] =	stream.linear.scatter [tilespmem:s10], [sflag:$0x6], $0x8000, $0x38;
	[tilespmem:$0x18180] =	vst v63  }
0xab: {  	_ =	swait.ge [sflag:s14], $0x8000  }
0xac: {  	[sflag:s14] =	ssyncset.done $0x0  }
0xad: {  	[sflag:s14] =	ssyncadd.s32 $0xFFFF8000  }
0xae: {  	v16 =	vld [tilespmem:$0xB8];
	_ =	sdelay $0x4  }
0xaf: {  	(v2sf) =	vpush v16, $0x0;
	_ =	sdelay $0xe  }
0xb0: {  	s24 =	spop (v2sf)  }
0xb1: {  	s16 =	sshll.u32 s24, $0x9  }
0xb2: {  	s16 =	sand.u32 $0x1FFFFE00, s16  }
0xb3: {  	s16 =	sadd.s32 s1, s16  }
0xb4: {  	[tilespmem:s8], [sflag:$0x2] =	stream.linear.gather [hbm4b:s16+s3], $0x8000, $0x38;
	[tilespmem:$0x18180] =	vst v63  }
0xb5: {  	_ =	swait.ge [sflag:s9], $0x8000  }
0xb6: {  	[sflag:s9] =	ssyncset.done $0x0  }
0xb7: {  	s25 =	rddreg [dreg:$0xa];
	[sflag:s9] =	ssyncadd.s32 $0xFFFF8000  }
0xb8: {  	[hbm4b:s25+s3] =	stream.linear.scatter [tilespmem:s7], [sflag:$0x4], $0x8000, $0x38;
	[tilespmem:$0x18180] =	vst v63  }
0xb9: {  	_ =	swait.ge [sflag:s15], $0x8000  }
0xba: {  	[sflag:s15] =	ssyncset.done $0x0  }
0xbb: {  	[sflag:s15] =	ssyncadd.s32 $0xFFFF8000  }
0xbc: {  	v16 =	vld [tilespmem:$0xC0];
	_ =	sdelay $0x4  }
0xbd: {  	(v2sf) =	vpush v16, $0x0;
	_ =	sdelay $0xe  }
0xbe: {  	s26 =	spop (v2sf)  }
0xbf: {  	s16 =	sshll.u32 s26, $0x9  }
0xc0: {  	s16 =	sand.u32 $0x1FFFFE00, s16  }
0xc1: {  	s16 =	sadd.s32 s1, s16  }
0xc2: {  	[tilespmem:s10], [sflag:$0x3] =	stream.linear.gather [hbm4b:s16+s3], $0x8000, $0x38;
	[tilespmem:$0x18180] =	vst v63  }
0xc3: {  	_ =	swait.ge [sflag:s11], $0x8000  }
0xc4: {  	[sflag:s11] =	ssyncset.done $0x0  }
0xc5: {  	s28 =	rddreg [dreg:$0xb];
	[sflag:s11] =	ssyncadd.s32 $0xFFFF8000  }
0xc6: {  	[hbm4b:s28+s3] =	stream.linear.scatter [tilespmem:s8], [sflag:$0x5], $0x8000, $0x38;
	[tilespmem:$0x18180] =	vst v63  }
0xc7: {  	_ =	swait.ge [sflag:s12], $0x8000  }
0xc8: {  	[sflag:s12] =	ssyncset.done $0x0  }
0xc9: {  	[sflag:s12] =	ssyncadd.s32 $0xFFFF8000  }
0xca: {  	v16 =	vld [tilespmem:$0xC8];
	_ =	sdelay $0x4  }
0xcb: {  	(v2sf) =	vpush v16, $0x0;
	_ =	sdelay $0xe  }
0xcc: {  	s29 =	spop (v2sf)  }
0xcd: {  	s16 =	sshll.u32 s29, $0x9  }
0xce: {  	s16 =	sand.u32 $0x1FFFFE00, s16  }
0xcf: {  	s16 =	sadd.s32 s1, s16  }
0xd0: {  	[tilespmem:s7], [sflag:$0x1] =	stream.linear.gather [hbm4b:s16+s3], $0x8000, $0x38;
	[tilespmem:$0x18180] =	vst v63  }
0xd1: {  	_ =	swait.ge [sflag:s13], $0x8000  }
0xd2: {  	[sflag:s13] =	ssyncset.done $0x0  }
0xd3: {  	s30 =	rddreg [dreg:$0xc];
	[sflag:s13] =	ssyncadd.s32 $0xFFFF8000  }
0xd4: {  	[hbm4b:s30+s3] =	stream.linear.scatter [tilespmem:s10], [sflag:$0x6], $0x8000, $0x38;
	[tilespmem:$0x18180] =	vst v63  }
0xd5: {  	_ =	swait.ge [sflag:s14], $0x8000  }
0xd6: {  	[sflag:s14] =	ssyncset.done $0x0  }
0xd7: {  	[sflag:s14] =	ssyncadd.s32 $0xFFFF8000  }
0xd8: {  	v16 =	vld [tilespmem:$0xD0];
	_ =	sdelay $0x4  }
0xd9: {  	(v2sf) =	vpush v16, $0x0;
	_ =	sdelay $0xe  }
0xda: {  	s31 =	spop (v2sf)  }
0xdb: {  	s16 =	sshll.u32 s31, $0x9  }
0xdc: {  	s16 =	sand.u32 $0x1FFFFE00, s16  }
0xdd: {  	s16 =	sadd.s32 s1, s16  }
0xde: {  	[tilespmem:s8], [sflag:$0x2] =	stream.linear.gather [hbm4b:s16+s3], $0x8000, $0x38;
	[tilespmem:$0x18180] =	vst v63  }
0xdf: {  	_ =	swait.ge [sflag:s9], $0x8000  }
0xe0: {  	[sflag:s9] =	ssyncset.done $0x0  }
0xe1: {  	s17 =	rddreg [dreg:$0xd];
	[sflag:s9] =	ssyncadd.s32 $0xFFFF8000  }
0xe2: {  	[hbm4b:s17+s3] =	stream.linear.scatter [tilespmem:s7], [sflag:$0x4], $0x8000, $0x38;
	[tilespmem:$0x18180] =	vst v63  }
0xe3: {  	_ =	swait.ge [sflag:s15], $0x8000  }
0xe4: {  	[sflag:s15] =	ssyncset.done $0x0  }
0xe5: {  	[sflag:s15] =	ssyncadd.s32 $0xFFFF8000  }
0xe6: {  	v16 =	vld [tilespmem:$0xD8];
	_ =	sdelay $0x4  }
0xe7: {  	(v2sf) =	vpush v16, $0x0;
	_ =	sdelay $0xe  }
0xe8: {  	s18 =	spop (v2sf)  }
0xe9: {  	s16 =	sshll.u32 s18, $0x9  }
0xea: {  	s16 =	sand.u32 $0x1FFFFE00, s16  }
0xeb: {  	s16 =	sadd.s32 s1, s16  }
0xec: {  	[tilespmem:s10], [sflag:$0x3] =	stream.linear.gather [hbm4b:s16+s3], $0x8000, $0x38;
	[tilespmem:$0x18180] =	vst v63  }
0xed: {  	_ =	swait.ge [sflag:s11], $0x8000  }
0xee: {  	[sflag:s11] =	ssyncset.done $0x0  }
0xef: {  	s19 =	rddreg [dreg:$0xe];
	[sflag:s11] =	ssyncadd.s32 $0xFFFF8000  }
0xf0: {  	[hbm4b:s19+s3] =	stream.linear.scatter [tilespmem:s8], [sflag:$0x5], $0x8000, $0x38;
	[tilespmem:$0x18180] =	vst v63  }
0xf1: {  	_ =	swait.ge [sflag:s12], $0x8000  }
0xf2: {  	[sflag:s12] =	ssyncset.done $0x0  }
0xf3: {  	[sflag:s12] =	ssyncadd.s32 $0xFFFF8000  }
0xf4: {  	v16 =	vld [tilespmem:$0xE0];
	_ =	sdelay $0x4  }
0xf5: {  	(v2sf) =	vpush v16, $0x0;
	_ =	sdelay $0xe  }
0xf6: {  	s20 =	spop (v2sf)  }
0xf7: {  	s16 =	sshll.u32 s20, $0x9  }
0xf8: {  	s16 =	sand.u32 $0x1FFFFE00, s16  }
0xf9: {  	s16 =	sadd.s32 s1, s16  }
0xfa: {  	[tilespmem:s7], [sflag:$0x1] =	stream.linear.gather [hbm4b:s16+s3], $0x8000, $0x38;
	[tilespmem:$0x18180] =	vst v63  }
0xfb: {  	_ =	swait.ge [sflag:s13], $0x8000  }
0xfc: {  	[sflag:s13] =	ssyncset.done $0x0  }
0xfd: {  	s21 =	rddreg [dreg:$0xf];
	[sflag:s13] =	ssyncadd.s32 $0xFFFF8000  }
0xfe: {  	[hbm4b:s21+s3] =	stream.linear.scatter [tilespmem:s10], [sflag:$0x6], $0x8000, $0x38;
	[tilespmem:$0x18180] =	vst v63  }
0xff: {  	_ =	swait.ge [sflag:s14], $0x8000  }
0x100: {  	[sflag:s14] =	ssyncset.done $0x0  }
0x101: {  	[sflag:s14] =	ssyncadd.s32 $0xFFFF8000  }
0x102: {  	v16 =	vld [tilespmem:$0xE8];
	_ =	sdelay $0x4  }
0x103: {  	(v2sf) =	vpush v16, $0x0;
	_ =	sdelay $0xe  }
0x104: {  	s22 =	spop (v2sf)  }
0x105: {  	s16 =	sshll.u32 s22, $0x9  }
0x106: {  	s16 =	sand.u32 $0x1FFFFE00, s16  }
0x107: {  	s16 =	sadd.s32 s1, s16  }
0x108: {  	[tilespmem:s8], [sflag:$0x2] =	stream.linear.gather [hbm4b:s16+s3], $0x8000, $0x38;
	[tilespmem:$0x18180] =	vst v63  }
0x109: {  	_ =	swait.ge [sflag:s9], $0x8000  }
0x10a: {  	[sflag:s9] =	ssyncset.done $0x0  }
0x10b: {  	s23 =	rddreg [dreg:$0x10];
	[sflag:s9] =	ssyncadd.s32 $0xFFFF8000  }
0x10c: {  	[hbm4b:s23+s3] =	stream.linear.scatter [tilespmem:s7], [sflag:$0x4], $0x8000, $0x38;
	[tilespmem:$0x18180] =	vst v63  }
0x10d: {  	_ =	swait.ge [sflag:s15], $0x8000  }
0x10e: {  	[sflag:s15] =	ssyncset.done $0x0  }
0x10f: {  	[sflag:s15] =	ssyncadd.s32 $0xFFFF8000  }
0x110: {  	v16 =	vld [tilespmem:$0xF0];
	_ =	sdelay $0x4  }
0x111: {  	(v2sf) =	vpush v16, $0x0;
	_ =	sdelay $0xe  }
0x112: {  	s24 =	spop (v2sf)  }
0x113: {  	s16 =	sshll.u32 s24, $0x9  }
0x114: {  	s16 =	sand.u32 $0x1FFFFE00, s16  }
0x115: {  	s16 =	sadd.s32 s1, s16  }
0x116: {  	[tilespmem:s10], [sflag:$0x3] =	stream.linear.gather [hbm4b:s16+s3], $0x8000, $0x38;
	[tilespmem:$0x18180] =	vst v63  }
0x117: {  	_ =	swait.ge [sflag:s11], $0x8000  }
0x118: {  	[sflag:s11] =	ssyncset.done $0x0  }
0x119: {  	s25 =	rddreg [dreg:$0x11];
	[sflag:s11] =	ssyncadd.s32 $0xFFFF8000  }
0x11a: {  	[hbm4b:s25+s3] =	stream.linear.scatter [tilespmem:s8], [sflag:$0x5], $0x8000, $0x38;
	[tilespmem:$0x18180] =	vst v63  }
0x11b: {  	_ =	swait.ge [sflag:s12], $0x8000  }
0x11c: {  	[sflag:s12] =	ssyncset.done $0x0  }
0x11d: {  	[sflag:s12] =	ssyncadd.s32 $0xFFFF8000  }
0x11e: {  	v16 =	vld [tilespmem:$0xF8];
	_ =	sdelay $0x4  }
0x11f: {  	(v2sf) =	vpush v16, $0x0;
	_ =	sdelay $0xe  }
0x120: {  	s26 =	spop (v2sf)  }
0x121: {  	s16 =	sshll.u32 s26, $0x9  }
0x122: {  	s16 =	sand.u32 $0x1FFFFE00, s16  }
0x123: {  	s16 =	sadd.s32 s1, s16  }
0x124: {  	[tilespmem:s7], [sflag:$0x1] =	stream.linear.gather [hbm4b:s16+s3], $0x8000, $0x38;
	[tilespmem:$0x18180] =	vst v63  }
0x125: {  	_ =	swait.ge [sflag:s13], $0x8000  }
0x126: {  	[sflag:s13] =	ssyncset.done $0x0  }
0x127: {  	s28 =	rddreg [dreg:$0x12];
	[sflag:s13] =	ssyncadd.s32 $0xFFFF8000  }
0x128: {  	[hbm4b:s28+s3] =	stream.linear.scatter [tilespmem:s10], [sflag:$0x6], $0x8000, $0x38;
	[tilespmem:$0x18180] =	vst v63  }
0x129: {  	_ =	swait.ge [sflag:s14], $0x8000  }
0x12a: {  	[sflag:s14] =	ssyncset.done $0x0  }
0x12b: {  	[sflag:s14] =	ssyncadd.s32 $0xFFFF8000  }
0x12c: {  	v16 =	vld [tilespmem:$0x100];
	_ =	sdelay $0x4  }
0x12d: {  	(v2sf) =	vpush v16, $0x0;
	_ =	sdelay $0xe  }
0x12e: {  	s29 =	spop (v2sf)  }
0x12f: {  	s16 =	sshll.u32 s29, $0x9  }
0x130: {  	s16 =	sand.u32 $0x1FFFFE00, s16  }
0x131: {  	s16 =	sadd.s32 s1, s16  }
0x132: {  	[tilespmem:s8], [sflag:$0x2] =	stream.linear.gather [hbm4b:s16+s3], $0x8000, $0x38;
	[tilespmem:$0x18180] =	vst v63  }
0x133: {  	_ =	swait.ge [sflag:s9], $0x8000  }
0x134: {  	[sflag:s9] =	ssyncset.done $0x0  }
0x135: {  	s30 =	rddreg [dreg:$0x13];
	[sflag:s9] =	ssyncadd.s32 $0xFFFF8000  }
0x136: {  	[hbm4b:s30+s3] =	stream.linear.scatter [tilespmem:s7], [sflag:$0x4], $0x8000, $0x38;
	[tilespmem:$0x18180] =	vst v63  }
0x137: {  	_ =	swait.ge [sflag:s15], $0x8000  }
0x138: {  	[sflag:s15] =	ssyncset.done $0x0  }
0x139: {  	[sflag:s15] =	ssyncadd.s32 $0xFFFF8000  }
0x13a: {  	v16 =	vld [tilespmem:$0x108];
	_ =	sdelay $0x4  }
0x13b: {  	(v2sf) =	vpush v16, $0x0;
	_ =	sdelay $0xe  }
0x13c: {  	s31 =	spop (v2sf)  }
0x13d: {  	s16 =	sshll.u32 s31, $0x9  }
0x13e: {  	s16 =	sand.u32 $0x1FFFFE00, s16  }
0x13f: {  	s16 =	sadd.s32 s1, s16  }
0x140: {  	[tilespmem:s10], [sflag:$0x3] =	stream.linear.gather [hbm4b:s16+s3], $0x8000, $0x38;
	[tilespmem:$0x18180] =	vst v63  }
0x141: {  	_ =	swait.ge [sflag:s11], $0x8000  }
0x142: {  	[sflag:s11] =	ssyncset.done $0x0  }
0x143: {  	s17 =	rddreg [dreg:$0x14];
	[sflag:s11] =	ssyncadd.s32 $0xFFFF8000  }
0x144: {  	[hbm4b:s17+s3] =	stream.linear.scatter [tilespmem:s8], [sflag:$0x5], $0x8000, $0x38;
	[tilespmem:$0x18180] =	vst v63  }
0x145: {  	_ =	swait.ge [sflag:s12], $0x8000  }
0x146: {  	[sflag:s12] =	ssyncset.done $0x0  }
0x147: {  	[sflag:s12] =	ssyncadd.s32 $0xFFFF8000  }
0x148: {  	v16 =	vld [tilespmem:$0x110];
	_ =	sdelay $0x4  }
0x149: {  	(v2sf) =	vpush v16, $0x0;
	_ =	sdelay $0xe  }
0x14a: {  	s18 =	spop (v2sf)  }
0x14b: {  	s16 =	sshll.u32 s18, $0x9  }
0x14c: {  	s16 =	sand.u32 $0x1FFFFE00, s16  }
0x14d: {  	s16 =	sadd.s32 s1, s16  }
0x14e: {  	[tilespmem:s7], [sflag:$0x1] =	stream.linear.gather [hbm4b:s16+s3], $0x8000, $0x38;
	[tilespmem:$0x18180] =	vst v63  }
0x14f: {  	_ =	swait.ge [sflag:s13], $0x8000  }
0x150: {  	[sflag:s13] =	ssyncset.done $0x0  }
0x151: {  	s19 =	rddreg [dreg:$0x15];
	[sflag:s13] =	ssyncadd.s32 $0xFFFF8000  }
0x152: {  	[hbm4b:s19+s3] =	stream.linear.scatter [tilespmem:s10], [sflag:$0x6], $0x8000, $0x38;
	[tilespmem:$0x18180] =	vst v63  }
0x153: {  	_ =	swait.ge [sflag:s14], $0x8000  }
0x154: {  	[sflag:s14] =	ssyncset.done $0x0  }
0x155: {  	[sflag:s14] =	ssyncadd.s32 $0xFFFF8000  }
0x156: {  	v16 =	vld [tilespmem:$0x118];
	_ =	sdelay $0x4  }
0x157: {  	(v2sf) =	vpush v16, $0x0;
	_ =	sdelay $0xe  }
0x158: {  	s20 =	spop (v2sf)  }
0x159: {  	s16 =	sshll.u32 s20, $0x9  }
0x15a: {  	s16 =	sand.u32 $0x1FFFFE00, s16  }
0x15b: {  	s16 =	sadd.s32 s1, s16  }
0x15c: {  	[tilespmem:s8], [sflag:$0x2] =	stream.linear.gather [hbm4b:s16+s3], $0x8000, $0x38;
	[tilespmem:$0x18180] =	vst v63  }
0x15d: {  	_ =	swait.ge [sflag:s9], $0x8000  }
0x15e: {  	[sflag:s9] =	ssyncset.done $0x0  }
0x15f: {  	s21 =	rddreg [dreg:$0x16];
	[sflag:s9] =	ssyncadd.s32 $0xFFFF8000  }
0x160: {  	[hbm4b:s21+s3] =	stream.linear.scatter [tilespmem:s7], [sflag:$0x4], $0x8000, $0x38;
	[tilespmem:$0x18180] =	vst v63  }
0x161: {  	_ =	swait.ge [sflag:s15], $0x8000  }
0x162: {  	[sflag:s15] =	ssyncset.done $0x0  }
0x163: {  	[sflag:s15] =	ssyncadd.s32 $0xFFFF8000  }
0x164: {  	v16 =	vld [tilespmem:$0x120];
	_ =	sdelay $0x4  }
0x165: {  	(v2sf) =	vpush v16, $0x0;
	_ =	sdelay $0xe  }
0x166: {  	s22 =	spop (v2sf)  }
0x167: {  	s16 =	sshll.u32 s22, $0x9  }
0x168: {  	s16 =	sand.u32 $0x1FFFFE00, s16  }
0x169: {  	s16 =	sadd.s32 s1, s16  }
0x16a: {  	[tilespmem:s10], [sflag:$0x3] =	stream.linear.gather [hbm4b:s16+s3], $0x8000, $0x38;
	[tilespmem:$0x18180] =	vst v63  }
0x16b: {  	_ =	swait.ge [sflag:s11], $0x8000  }
0x16c: {  	[sflag:s11] =	ssyncset.done $0x0  }
0x16d: {  	s23 =	rddreg [dreg:$0x17];
	[sflag:s11] =	ssyncadd.s32 $0xFFFF8000  }
0x16e: {  	[hbm4b:s23+s3] =	stream.linear.scatter [tilespmem:s8], [sflag:$0x5], $0x8000, $0x38;
	[tilespmem:$0x18180] =	vst v63  }
0x16f: {  	_ =	swait.ge [sflag:s12], $0x8000  }
0x170: {  	[sflag:s12] =	ssyncset.done $0x0  }
0x171: {  	[sflag:s12] =	ssyncadd.s32 $0xFFFF8000  }
0x172: {  	v16 =	vld [tilespmem:$0x128];
	_ =	sdelay $0x4  }
0x173: {  	(v2sf) =	vpush v16, $0x0;
	_ =	sdelay $0xe  }
0x174: {  	s24 =	spop (v2sf)  }
0x175: {  	s16 =	sshll.u32 s24, $0x9  }
0x176: {  	s16 =	sand.u32 $0x1FFFFE00, s16  }
0x177: {  	s16 =	sadd.s32 s1, s16  }
0x178: {  	[tilespmem:s7], [sflag:$0x1] =	stream.linear.gather [hbm4b:s16+s3], $0x8000, $0x38;
	[tilespmem:$0x18180] =	vst v63  }
0x179: {  	_ =	swait.ge [sflag:s13], $0x8000  }
0x17a: {  	[sflag:s13] =	ssyncset.done $0x0  }
0x17b: {  	s25 =	rddreg [dreg:$0x18];
	[sflag:s13] =	ssyncadd.s32 $0xFFFF8000  }
0x17c: {  	[hbm4b:s25+s3] =	stream.linear.scatter [tilespmem:s10], [sflag:$0x6], $0x8000, $0x38;
	[tilespmem:$0x18180] =	vst v63  }
0x17d: {  	_ =	swait.ge [sflag:s14], $0x8000  }
0x17e: {  	[sflag:s14] =	ssyncset.done $0x0  }
0x17f: {  	[sflag:s14] =	ssyncadd.s32 $0xFFFF8000  }
0x180: {  	v16 =	vld [tilespmem:$0x130];
	_ =	sdelay $0x4  }
0x181: {  	(v2sf) =	vpush v16, $0x0;
	_ =	sdelay $0xe  }
0x182: {  	s26 =	spop (v2sf)  }
0x183: {  	s16 =	sshll.u32 s26, $0x9  }
0x184: {  	s16 =	sand.u32 $0x1FFFFE00, s16  }
0x185: {  	s16 =	sadd.s32 s1, s16  }
0x186: {  	[tilespmem:s8], [sflag:$0x2] =	stream.linear.gather [hbm4b:s16+s3], $0x8000, $0x38;
	[tilespmem:$0x18180] =	vst v63  }
0x187: {  	_ =	swait.ge [sflag:s9], $0x8000  }
0x188: {  	[sflag:s9] =	ssyncset.done $0x0  }
0x189: {  	s28 =	rddreg [dreg:$0x19];
	[sflag:s9] =	ssyncadd.s32 $0xFFFF8000  }
0x18a: {  	[hbm4b:s28+s3] =	stream.linear.scatter [tilespmem:s7], [sflag:$0x4], $0x8000, $0x38;
	[tilespmem:$0x18180] =	vst v63  }
0x18b: {  	_ =	swait.ge [sflag:s15], $0x8000  }
0x18c: {  	[sflag:s15] =	ssyncset.done $0x0  }
0x18d: {  	[sflag:s15] =	ssyncadd.s32 $0xFFFF8000  }
0x18e: {  	v16 =	vld [tilespmem:$0x138];
	_ =	sdelay $0x4  }
0x18f: {  	(v2sf) =	vpush v16, $0x0;
	_ =	sdelay $0xe  }
0x190: {  	s29 =	spop (v2sf)  }
0x191: {  	s16 =	sshll.u32 s29, $0x9  }
0x192: {  	s16 =	sand.u32 $0x1FFFFE00, s16  }
0x193: {  	s16 =	sadd.s32 s1, s16  }
0x194: {  	[tilespmem:s10], [sflag:$0x3] =	stream.linear.gather [hbm4b:s16+s3], $0x8000, $0x38;
	[tilespmem:$0x18180] =	vst v63  }
0x195: {  	_ =	swait.ge [sflag:s11], $0x8000  }
0x196: {  	[sflag:s11] =	ssyncset.done $0x0  }
0x197: {  	s30 =	rddreg [dreg:$0x1a];
	[sflag:s11] =	ssyncadd.s32 $0xFFFF8000  }
0x198: {  	[hbm4b:s30+s3] =	stream.linear.scatter [tilespmem:s8], [sflag:$0x5], $0x8000, $0x38;
	[tilespmem:$0x18180] =	vst v63  }
0x199: {  	_ =	swait.ge [sflag:s13], $0x8000  }
0x19a: {  	[sflag:s13] =	ssyncset.done $0x0  }
0x19b: {  	s31 =	rddreg [dreg:$0x1b];
	[sflag:s13] =	ssyncadd.s32 $0xFFFF8000  }
0x19c: {  	[hbm4b:s31+s3] =	stream.linear.scatter [tilespmem:s10], [sflag:$0x6], $0x8000, $0x38;
	[tilespmem:$0x18180] =	vst v63  }
0x19d: {  	_ =	swait.ge [sflag:s12], $0x8000  }
0x19e: {  	[sflag:s12] =	ssyncset.done $0x0  }
0x19f: {  	[sflag:s12] =	ssyncadd.s32 $0xFFFF8000  }
0x1a0: {  	p0 =	sne.s32 s5, $0x1;
	_ =	swait.ge [sflag:s14], $0x8000  }
.Ltmp0:
0x1a1: {  	[sflag:s14] =	ssyncset.done $0x0;
	(pc) =	sbr.rel @p0 .LBB2_1-.Ltmp0, $4  }
0x1a2: {  	[sflag:s14] =	ssyncadd.s32 $0xFFFF8000  }
0x1a3: {  	_ =	swait.ge [sflag:s15], $0x8000  }
0x1a4: {  	[sflag:s15] =	ssyncset.done $0x0  }
0x1a5: {  	s5 =	sadd.s32 $0xFFFFFFFF, s5;
	[sflag:s15] =	ssyncadd.s32 $0xFFFF8000  }
0x1a6: {  	_ =	sfence.sel $0x180000  }
0x1a7: {  	[bflag:$0x0] =	sbarrier.arrive $0xFFFF  }
0x1a8: {  	p0 =	sne.s32 s0, $0x0;
	_ =	strace $0x90000047  }
0x1a9: {  	s0 =	sadd.s32 @!p0 $0x100000, s2;
	[bflag:$0x2] =	sbarrier.arrive $0xFFFF  }
0x1aa: {  	[sflag:s0] =	ssyncadd.tile.s32 @!p0 $0x1;
	_ =	shalt  }
.Lfunc_end2:
_tile_overlayer_lowered:
.L_overlay_start_2:
0x1ab: {  	(tag) =	ssettag $0x2  }
0x1ac: {  	s0 =	rddreg [dreg:$0x0];
	s2 =	stileid.u32  }
0x1ad: {  	s1 =	rddreg [dreg:$0x1];
	p0 =	sne.s32 s2, $0x0  }
0x1ae: {  	s3 =	rddreg [dreg:$0x2];
	[bflag:$0x3] =	sbarrier.arrive $0xFFFF;
	s2 =	simm.s32 @!p0 $0x1C07  }
0x1af: {  	[timem:s3], [sflag:s2] =	dma.local @!p0 [hbm:s0], s1  }
0x1b0: {  	s0 =	simm.s32 @!p0 $0x7  }
0x1b1: {  	_ =	swait.ge @!p0 [sflag:s0], s1  }
0x1b2: {  	s1 =	ssub.s32 @!p0 $0x0, s1;
	[sflag:s0] =	ssyncset.done @!p0 $0x0  }
0x1b3: {  	[sflag:s0] =	ssyncadd.s32 @!p0 s1  }
0x1b4: {  	[bflag:$0x3] =	sbarrier.arrive $0xFFFF  }
0x1b5: {  	_ =	shalt  }

</sc_bundles>
